<compile_context>
chip_gen: v7x
topology: tpu7x:2x2x1
jax: 0.10.2.dev20260603
libtpu: 0.0.44.dev20260713+nightly
codegen_flags: <defaults>
</compile_context>

<pallas_src>
import functools

import jax
import jax.numpy as jnp
from jax import lax
from jax.experimental import pallas as pl
from jax.experimental.pallas import tpu as pltpu
from jax.experimental.pallas import tpu_sc as plsc

NC = 2
NS = 16
L = 16
NW = NC * NS
CH = 128
DCH = 128
COL_BITS = 14
EPS = 1e-5


def _cdiv(a, b):
    return -(-a // b)


def _pick_block(n, cap=1024):
    for bn in range(min(n, cap), 0, -1):
        if n % bn == 0 and (bn % 8 == 0 or bn == n):
            return bn
    return n


def _z_body(wrel_ref, x_ref, wb_ref, z_ref):
    r = pl.program_id(0)
    w = wrel_ref[r, 0] * wb_ref[0]
    for b in range(1, wb_ref.shape[0]):
        w += wrel_ref[r, b] * wb_ref[b]
    z_ref[0] = jnp.dot(x_ref[...], w, preferred_element_type=jnp.float32,
                       precision=lax.Precision.HIGHEST)


def _compute_z(X, w_bases, w_rel):
    n, d_in = X.shape
    r, b = w_rel.shape
    d_out = w_bases.shape[2]
    bn = _pick_block(n)
    return pl.pallas_call(
        _z_body,
        grid=(r, n // bn),
        in_specs=[
            pl.BlockSpec(memory_space=pltpu.SMEM),
            pl.BlockSpec((bn, d_in), lambda i, j: (j, 0)),
            pl.BlockSpec((b, d_in, d_out), lambda i, j: (0, 0, 0)),
        ],
        out_specs=pl.BlockSpec((1, bn, d_out), lambda i, j: (i, j, 0)),
        out_shape=jax.ShapeDtypeStruct((r, n, d_out), jnp.float32),
    )(w_rel, X, w_bases)


def _add_body(a_ref, b_ref, o_ref):
    o_ref[...] = a_ref[...] + b_ref[...]


def _combine(p0, p1):
    n, d = p0.shape
    bn = _pick_block(n)
    return pl.pallas_call(
        _add_body,
        grid=(n // bn,),
        in_specs=[pl.BlockSpec((bn, d), lambda i: (i, 0)),
                  pl.BlockSpec((bn, d), lambda i: (i, 0))],
        out_specs=pl.BlockSpec((bn, d), lambda i: (i, 0)),
        out_shape=jax.ShapeDtypeStruct((n, d), jnp.float32),
    )(p0, p1)


def _make_deg_kernel(nch1, deg_pad):
    mesh = plsc.VectorSubcoreMesh(core_axis_name="c", subcore_axis_name="s")
    dsl = deg_pad // NS

    @functools.partial(
        pl.kernel, mesh=mesh,
        out_type=jax.ShapeDtypeStruct((deg_pad,), jnp.float32),
        scratch_types=[
            pltpu.VMEM((nch1 * DCH,), jnp.int32),
            pltpu.VMEM((DCH,), jnp.int32),
            pltpu.VMEM((DCH,), jnp.float32),
            pltpu.VMEM((dsl,), jnp.float32),
            pltpu.VMEM_SHARED((deg_pad,), jnp.float32),
        ])
    def deg_kernel(meta_hbm, degr_hbm, meta_t, didx_v, ones_v, wb_v, deg_sp):
        cid = lax.axis_index("c")
        sid = lax.axis_index("s")

        @pl.when(cid == 0)
        def _():
            zero = jnp.zeros((L,), jnp.float32)

            def zb(i, c):
                wb_v[pl.ds(i * L, L)] = zero
                return c
            lax.fori_loop(0, dsl // L, zb, None)
            d0 = sid * dsl
            pltpu.sync_copy(wb_v, deg_sp.at[pl.ds(d0, dsl)])
            one = jnp.ones((L,), jnp.float32)
            for j in range(DCH // L):
                ones_v[pl.ds(j * L, L)] = one
            pltpu.sync_copy(meta_hbm.at[pl.ds(sid * nch1 * DCH, nch1 * DCH)],
                            meta_t)
            plsc.subcore_barrier()

            def body(k, c):
                for j in range(DCH // L):
                    m16 = meta_t[pl.ds(k * DCH + j * L, L)]
                    didx_v[pl.ds(j * L, L)] = (
                        lax.shift_right_logical(m16, COL_BITS))
                pltpu.sync_copy(ones_v, deg_sp.at[didx_v], add=True)
                return c
            lax.fori_loop(0, nch1, body, None)
            plsc.subcore_barrier()

            pltpu.sync_copy(deg_sp.at[pl.ds(d0, dsl)], wb_v)

            def rb(i, c):
                sl = pl.ds(i * L, L)
                wb_v[sl] = 1.0 / (wb_v[sl] + EPS)
                return c
            lax.fori_loop(0, dsl // L, rb, None)
            pltpu.sync_copy(wb_v, degr_hbm.at[pl.ds(d0, dsl)])

    return deg_kernel


def _make_main_kernel(nch, n_pad, r_rel, n_nodes, d):
    mesh = plsc.VectorSubcoreMesh(core_axis_name="c", subcore_axis_name="s")
    rpt = n_pad // NS

    @functools.partial(
        pl.kernel, mesh=mesh,
        out_type=(jax.ShapeDtypeStruct((n_pad, d), jnp.float32),
                  jax.ShapeDtypeStruct((n_pad, d), jnp.float32)),
        scratch_types=[
            pltpu.VMEM((2, CH), jnp.int32),
            pltpu.VMEM((CH,), jnp.int32),
            pltpu.VMEM((CH,), jnp.int32),
            pltpu.VMEM((CH,), jnp.int32),
            pltpu.VMEM((CH,), jnp.int32),
            pltpu.VMEM((CH,), jnp.int32),
            pltpu.VMEM((CH,), jnp.int32),
            pltpu.VMEM((CH + L,), jnp.float32),
            pltpu.VMEM((CH + L,), jnp.float32),
            pltpu.VMEM((2, CH, d), jnp.float32),
            pltpu.VMEM_SHARED((n_pad, d), jnp.float32),
            pltpu.SemaphoreType.DMA,
            pltpu.SemaphoreType.DMA,
            pltpu.SemaphoreType.DMA,
            pltpu.SemaphoreType.DMA,
            pltpu.SemaphoreType.DMA,
            pltpu.SemaphoreType.DMA,
            pltpu.SemaphoreType.DMA,
            pltpu.SemaphoreType.DMA,
        ])
    def main_kernel(meta_hbm, z_hbm, degr_hbm, p0_hbm, p1_hbm,
                    meta2, row_v0, row_v1, didx_v0, didx_v1, zidx_v0,
                    zidx_v1, c_v0, c_v1, zbuf2, acc,
                    msem0, msem1, zsem0, zsem1, dsem0, dsem1, ssem0, ssem1):
        cid = lax.axis_index("c")
        sid = lax.axis_index("s")
        wid = cid * NS + sid
        tb = max((r_rel - 1).bit_length(), 1)
        base_m = wid * (nch * CH)
        row_v = (row_v0, row_v1)
        didx_v = (didx_v0, didx_v1)
        zidx_v = (zidx_v0, zidx_v1)
        c_v = (c_v0, c_v1)
        msem = (msem0, msem1)
        zsem = (zsem0, zsem1)
        dsem = (dsem0, dsem1)
        ssem = (ssem0, ssem1)

        def fire_meta(k2, s):
            pltpu.async_copy(meta_hbm.at[pl.ds(base_m + k2 * CH, CH)],
                             meta2.at[s], msem[s])

        def wait_meta(s):
            pltpu.make_async_copy(meta_hbm.at[pl.ds(base_m, CH)],
                                  meta2.at[s], msem[s]).wait()

        def compute_idx(s):
            for j in range(CH // L):
                sl = pl.ds(j * L, L)
                m16 = meta2[s, sl]
                rt16 = lax.shift_right_logical(m16, COL_BITS)
                row16 = lax.shift_right_logical(rt16, tb)
                t16 = rt16 - lax.shift_left(row16, tb)
                col16 = m16 - lax.shift_left(rt16, COL_BITS)
                row_v[s][sl] = row16
                didx_v[s][sl] = rt16
                zidx_v[s][sl] = t16 * n_nodes + col16

        def fire_gather(s):
            h = CH // 2
            pltpu.async_copy(z_hbm.at[zidx_v[s].at[pl.ds(0, h)]],
                             zbuf2.at[s, pl.ds(0, h)], zsem[s])
            pltpu.async_copy(z_hbm.at[zidx_v[s].at[pl.ds(h, h)]],
                             zbuf2.at[s, pl.ds(h, h)], zsem[s])
            pltpu.async_copy(degr_hbm.at[didx_v[s]],
                             c_v[s].at[pl.ds(0, CH)], dsem[s])

        def wait_gather(s):
            h = CH // 2
            pltpu.make_async_copy(z_hbm.at[zidx_v[s].at[pl.ds(0, h)]],
                                  zbuf2.at[s, pl.ds(0, h)], zsem[s]).wait()
            pltpu.make_async_copy(z_hbm.at[zidx_v[s].at[pl.ds(h, h)]],
                                  zbuf2.at[s, pl.ds(h, h)], zsem[s]).wait()
            pltpu.make_async_copy(degr_hbm.at[didx_v[s]],
                                  c_v[s].at[pl.ds(0, CH)], dsem[s]).wait()

        def fire_scatter(s):
            pltpu.async_copy(zbuf2.at[s], acc.at[row_v[s]], ssem[s],
                             add=True)

        def wait_scatter(s):
            pltpu.make_async_copy(zbuf2.at[s], acc.at[row_v[s]],
                                  ssem[s]).wait()

        def scale(s):
            def srow(i, c3):
                cs = c_v[s][pl.ds(i, L)][0]
                for j in range(d // L):
                    sl2 = pl.ds(j * L, L)
                    zbuf2[s, i, sl2] = zbuf2[s, i, sl2] * cs
                return c3
            lax.fori_loop(0, CH, srow, None)

        zero = jnp.zeros((L,), jnp.float32)

        def zb(i, c):
            for j in range(d // L):
                zbuf2[0, i, pl.ds(j * L, L)] = zero
            return c
        lax.fori_loop(0, CH, zb, None)
        base = sid * rpt
        off = 0
        while off < rpt:
            cnt = min(CH, rpt - off)
            pltpu.sync_copy(zbuf2.at[0, pl.ds(0, cnt)],
                            acc.at[pl.ds(base + off, cnt)])
            off += cnt
        plsc.subcore_barrier()

        fire_meta(0, 0)
        if nch > 1:
            fire_meta(1, 1)
        wait_meta(0)
        compute_idx(0)
        fire_gather(0)

        def body(k, carry):
            par = k % 2

            def steps(s):
                s1 = 1 - s

                @pl.when(k + 2 < nch)
                def _():
                    fire_meta(k + 2, s)

                @pl.when(k + 1 < nch)
                def _():
                    @pl.when(k >= 1)
                    def _():
                        wait_scatter(s1)
                    wait_meta(s1)
                    compute_idx(s1)
                    fire_gather(s1)

                wait_gather(s)
                scale(s)
                fire_scatter(s)

            @pl.when(par == 0)
            def _():
                steps(0)

            @pl.when(par == 1)
            def _():
                steps(1)
            return carry
        lax.fori_loop(0, nch, body, None)

        wait_scatter((nch - 1) % 2)
        if nch > 1:
            wait_scatter(nch % 2)
        plsc.subcore_barrier()

        @pl.when(cid == 0)
        def _():
            off = 0
            while off < rpt:
                cnt = min(CH, rpt - off)
                pltpu.sync_copy(acc.at[pl.ds(base + off, cnt)],
                                p0_hbm.at[pl.ds(base + off, cnt)])
                off += cnt

        @pl.when(cid == 1)
        def _():
            off = 0
            while off < rpt:
                cnt = min(CH, rpt - off)
                pltpu.sync_copy(acc.at[pl.ds(base + off, cnt)],
                                p1_hbm.at[pl.ds(base + off, cnt)])
                off += cnt

    return main_kernel


def kernel(X, edge_index, edge_type, l, w_bases, w_rel):
    del l
    n, _ = X.shape
    r_rel, _ = w_rel.shape
    d_out = w_bases.shape[2]
    e = edge_type.shape[0]
    assert n < (1 << COL_BITS)

    tb = max((r_rel - 1).bit_length(), 1)
    unit = max(NW * CH * 8, NS * DCH * 8)
    assert unit % (NS * DCH * 8) == 0
    e_pad = _cdiv(e, unit) * unit
    pad = e_pad - e
    row = jnp.concatenate([edge_index[0], jnp.full((pad,), n, jnp.int32)])
    col = jnp.concatenate([edge_index[1], jnp.zeros((pad,), jnp.int32)])
    typ = jnp.concatenate([edge_type, jnp.zeros((pad,), jnp.int32)])
    meta = (((row << tb) | typ) << COL_BITS) | col

    z = _compute_z(X, w_bases, w_rel)
    z2 = z.reshape(r_rel * n, d_out)

    deg_pad = _cdiv((n + 1) << tb, NS * L) * NS * L
    n_pad = _cdiv(n + 1, NS * 8) * NS * 8
    degr = _make_deg_kernel(e_pad // (NS * DCH), deg_pad)(meta)
    p0, p1 = _make_main_kernel(e_pad // (NW * CH), n_pad, r_rel, n, d_out)(
        meta, z2, degr)
    return _combine(p0[:n], p1[:n])

# --- scband reference (transcript-rebuilt; emitter-appended) ---
"""Pipeline reference for scband-relational-graph-conv-layer-66408784331250 (READ-ONLY COPY).

The authoritative reference and input builder live on the scoring server;
editing this copy changes nothing except your own understanding.
"""

import jax, jax.numpy as jnp
import numpy as np

N = 10000
E = 320000
R = 8
B = 4
D_IN = 128
D_OUT = 128


def setup_inputs(seed: int = 0) -> dict:
    key = jax.random.key(seed)
    k1, k2, k3, k4, k5 = jax.random.split(key, 5)
    X = jax.random.normal(k1, (N, D_IN), dtype=jnp.float32)
    edge_index = jax.random.randint(k2, (2, E), 0, N, dtype=jnp.int32)
    edge_type = jax.random.randint(k3, (E,), 0, R, dtype=jnp.int32)
    # xavier_uniform-like init for basis weights and relation coefficients
    lim_b = float(np.sqrt(6.0 / (D_IN + D_OUT)))
    w_bases = jax.random.uniform(k4, (B, D_IN, D_OUT), dtype=jnp.float32, minval=-lim_b, maxval=lim_b)
    lim_r = float(np.sqrt(6.0 / (R + B)))
    w_rel = jax.random.uniform(k5, (R, B), dtype=jnp.float32, minval=-lim_r, maxval=lim_r)
    return {"X": X, "edge_index": edge_index, "edge_type": edge_type, "l": 1, "w_bases": w_bases, "w_rel": w_rel}


def reference(X, edge_index, edge_type, l, w_bases, w_rel):
    # basis decomposition: w[r] = sum_b w_rel[r,b] * w_bases[b]
    w = jnp.einsum('rb,bio->rio', w_rel, w_bases)
    weights = w.reshape(R * D_IN, D_OUT)
    row = edge_index[0]
    col = edge_index[1]
    supports = []
    for r in range(R):
        m = (edge_type == r).astype(jnp.float32)
        # row-sum of relation-r adjacency (all edge values are 1)
        deg = jax.ops.segment_sum(m, row, num_segments=N)
        # sparse.mm(row_normalized(A_r), X)
        msg = X[col] * m[:, None]
        agg = jax.ops.segment_sum(msg, row, num_segments=N)
        agg = agg / (deg + 1e-05)[:, None]
        supports.append(agg)
    tmp = jnp.concatenate(supports, axis=1)
    out = tmp @ weights
    return out

if __name__ == "__main__":
    import jax
    _d = setup_inputs()
    print(jax.jit(kernel)(*tuple(_d.values())))

</pallas_src>

<mosaic_0001>
#map = affine_map<(d0, d1) -> (0)>
module attributes {stable_mosaic.version = 14 : i64} {
  func.func @deg_kernel(%arg0: i32, %arg1: i32, %arg2: memref<327680xi32, #tpu.memory_space<hbm>>, %arg3: memref<80128xf32, #tpu.memory_space<hbm>>, %arg4: memref<20480xi32, #tpu.memory_space<vmem>>, %arg5: memref<128xi32, #tpu.memory_space<vmem>>, %arg6: memref<128xf32, #tpu.memory_space<vmem>>, %arg7: memref<5008xf32, #tpu.memory_space<vmem>>, %arg8: memref<80128xf32, #tpu.memory_space<vmem_shared>>) attributes {dimension_semantics = [#tpu.dimension_semantics<core_parallel>, #tpu.dimension_semantics<subcore_parallel>], iteration_bounds = array<i64: 2, 16>, scalar_prefetch = 0 : i64, scratch_operands = 5 : i64, tpu.core_type = #tpu.core_type<sc_vector_subcore>, window_params = [{transform_indices = #map}, {transform_indices = #map}]} {
    %eq3A = arith.constant 0 : i32
    %eq3A_0 = arith.cmpi eq, %arg0, %eq3A : i32
    %convert_element_type3A = arith.extui %eq3A_0 : i1 to i32
    %cond3A = arith.constant 0 : i32
    %cond3A_1 = arith.cmpi ne, %convert_element_type3A, %cond3A : i32
    scf.if %cond3A_1 {
      %broadcast_in_dim3A = arith.constant 0.000000e+00 : f32
      %broadcast_in_dim3A_2 = vector.broadcast %broadcast_in_dim3A : f32 to vector<16xf32>
      %scan3A = arith.constant 0 : i32
      %scan3A_3 = arith.constant 313 : i32
      %scan3A_4 = arith.addi %scan3A, %scan3A_3 : i32
      %scan3A_5 = arith.constant 1 : i32
      scf.for %scan3A_56 = %scan3A to %scan3A_4 step %scan3A_5  : i32 {
        %mul3A_57 = arith.constant 16 : i32
        %mul3A_58 = arith.muli %scan3A_56, %mul3A_57 : i32
        %swap3A_59 = arith.index_cast %mul3A_58 : i32 to index
        %swap3A_60 = tpu.vector_load %arg7[%swap3A_59] {strides = array<i32>} : memref<5008xf32, #tpu.memory_space<vmem>>, vector<16xf32>,
        %swap3A_61 = vector.shape_cast %swap3A_60 : vector<16xf32> to vector<16xf32>
        %swap3A_62 = vector.shape_cast %broadcast_in_dim3A_2 : vector<16xf32> to vector<16xf32>
        tpu.vector_store %arg7[%swap3A_59], %swap3A_62 {strides = array<i32>} : memref<5008xf32, #tpu.memory_space<vmem>>, vector<16xf32>,
      }
      %scan3A_6 = arith.constant 313 : i32
      %mul3A = arith.constant 5008 : i32
      %mul3A_7 = arith.muli %arg1, %mul3A : i32
      "tpu.region"() ({
        %run_scoped3A = tpu.sem_alloc : memref<!tpu.dma_semaphore, #tpu.memory_space<semaphore_mem>>
        %dma_start3A = tpu.memref_slice %arg8[%mul3A_7] : memref<80128xf32, #tpu.memory_space<vmem_shared>> -> memref<5008xf32, #tpu.memory_space<vmem_shared>>
        %dma_start3A_56 = tpu.memref_slice %arg8[%mul3A_7] : memref<80128xf32, #tpu.memory_space<vmem_shared>> -> memref<5008xf32, #tpu.memory_space<vmem_shared>>
        tpu.enqueue_dma source(%arg7 : memref<5008xf32, #tpu.memory_space<vmem>>) target(%dma_start3A_56 : memref<5008xf32, #tpu.memory_space<vmem_shared>>) target_semaphore(%run_scoped3A : memref<!tpu.dma_semaphore, #tpu.memory_space<semaphore_mem>>)
        %dma_wait3A = tpu.memref_slice %arg8[%mul3A_7] : memref<80128xf32, #tpu.memory_space<vmem_shared>> -> memref<5008xf32, #tpu.memory_space<vmem_shared>>
        %dma_wait3A_57 = tpu.memref_slice %arg8[%mul3A_7] : memref<80128xf32, #tpu.memory_space<vmem_shared>> -> memref<5008xf32, #tpu.memory_space<vmem_shared>>
        tpu.wait_dma2 semaphore(%run_scoped3A : memref<!tpu.dma_semaphore, #tpu.memory_space<semaphore_mem>>) src(%arg7 : memref<5008xf32, #tpu.memory_space<vmem>>) dst(%dma_wait3A_57 : memref<5008xf32, #tpu.memory_space<vmem_shared>>)
        tpu.yield
      }) : () -> ()
      %broadcast_in_dim3A_8 = arith.constant 1.000000e+00 : f32
      %broadcast_in_dim3A_9 = vector.broadcast %broadcast_in_dim3A_8 : f32 to vector<16xf32>
      %swap3A = arith.constant 0 : index
      %swap3A_10 = tpu.vector_load %arg6[%swap3A] {strides = array<i32>} : memref<128xf32, #tpu.memory_space<vmem>>, vector<16xf32>,
      %swap3A_11 = vector.shape_cast %swap3A_10 : vector<16xf32> to vector<16xf32>
      %swap3A_12 = vector.shape_cast %broadcast_in_dim3A_9 : vector<16xf32> to vector<16xf32>
      tpu.vector_store %arg6[%swap3A], %swap3A_12 {strides = array<i32>} : memref<128xf32, #tpu.memory_space<vmem>>, vector<16xf32>,
      %swap3A_13 = arith.constant 16 : index
      %swap3A_14 = tpu.vector_load %arg6[%swap3A_13] {strides = array<i32>} : memref<128xf32, #tpu.memory_space<vmem>>, vector<16xf32>,
      %swap3A_15 = vector.shape_cast %swap3A_14 : vector<16xf32> to vector<16xf32>
      %swap3A_16 = vector.shape_cast %broadcast_in_dim3A_9 : vector<16xf32> to vector<16xf32>
      tpu.vector_store %arg6[%swap3A_13], %swap3A_16 {strides = array<i32>} : memref<128xf32, #tpu.memory_space<vmem>>, vector<16xf32>,
      %swap3A_17 = arith.constant 32 : index
      %swap3A_18 = tpu.vector_load %arg6[%swap3A_17] {strides = array<i32>} : memref<128xf32, #tpu.memory_space<vmem>>, vector<16xf32>,
      %swap3A_19 = vector.shape_cast %swap3A_18 : vector<16xf32> to vector<16xf32>
      %swap3A_20 = vector.shape_cast %broadcast_in_dim3A_9 : vector<16xf32> to vector<16xf32>
      tpu.vector_store %arg6[%swap3A_17], %swap3A_20 {strides = array<i32>} : memref<128xf32, #tpu.memory_space<vmem>>, vector<16xf32>,
      %swap3A_21 = arith.constant 48 : index
      %swap3A_22 = tpu.vector_load %arg6[%swap3A_21] {strides = array<i32>} : memref<128xf32, #tpu.memory_space<vmem>>, vector<16xf32>,
      %swap3A_23 = vector.shape_cast %swap3A_22 : vector<16xf32> to vector<16xf32>
      %swap3A_24 = vector.shape_cast %broadcast_in_dim3A_9 : vector<16xf32> to vector<16xf32>
      tpu.vector_store %arg6[%swap3A_21], %swap3A_24 {strides = array<i32>} : memref<128xf32, #tpu.memory_space<vmem>>, vector<16xf32>,
      %swap3A_25 = arith.constant 64 : index
      %swap3A_26 = tpu.vector_load %arg6[%swap3A_25] {strides = array<i32>} : memref<128xf32, #tpu.memory_space<vmem>>, vector<16xf32>,
      %swap3A_27 = vector.shape_cast %swap3A_26 : vector<16xf32> to vector<16xf32>
      %swap3A_28 = vector.shape_cast %broadcast_in_dim3A_9 : vector<16xf32> to vector<16xf32>
      tpu.vector_store %arg6[%swap3A_25], %swap3A_28 {strides = array<i32>} : memref<128xf32, #tpu.memory_space<vmem>>, vector<16xf32>,
      %swap3A_29 = arith.constant 80 : index
      %swap3A_30 = tpu.vector_load %arg6[%swap3A_29] {strides = array<i32>} : memref<128xf32, #tpu.memory_space<vmem>>, vector<16xf32>,
      %swap3A_31 = vector.shape_cast %swap3A_30 : vector<16xf32> to vector<16xf32>
      %swap3A_32 = vector.shape_cast %broadcast_in_dim3A_9 : vector<16xf32> to vector<16xf32>
      tpu.vector_store %arg6[%swap3A_29], %swap3A_32 {strides = array<i32>} : memref<128xf32, #tpu.memory_space<vmem>>, vector<16xf32>,
      %swap3A_33 = arith.constant 96 : index
      %swap3A_34 = tpu.vector_load %arg6[%swap3A_33] {strides = array<i32>} : memref<128xf32, #tpu.memory_space<vmem>>, vector<16xf32>,
      %swap3A_35 = vector.shape_cast %swap3A_34 : vector<16xf32> to vector<16xf32>
      %swap3A_36 = vector.shape_cast %broadcast_in_dim3A_9 : vector<16xf32> to vector<16xf32>
      tpu.vector_store %arg6[%swap3A_33], %swap3A_36 {strides = array<i32>} : memref<128xf32, #tpu.memory_space<vmem>>, vector<16xf32>,
      %swap3A_37 = arith.constant 112 : index
      %swap3A_38 = tpu.vector_load %arg6[%swap3A_37] {strides = array<i32>} : memref<128xf32, #tpu.memory_space<vmem>>, vector<16xf32>,
      %swap3A_39 = vector.shape_cast %swap3A_38 : vector<16xf32> to vector<16xf32>
      %swap3A_40 = vector.shape_cast %broadcast_in_dim3A_9 : vector<16xf32> to vector<16xf32>
      tpu.vector_store %arg6[%swap3A_37], %swap3A_40 {strides = array<i32>} : memref<128xf32, #tpu.memory_space<vmem>>, vector<16xf32>,
      %mul3A_41 = arith.constant 160 : i32
      %mul3A_42 = arith.muli %arg1, %mul3A_41 : i32
      %mul3A_43 = arith.constant 128 : i32
      %mul3A_44 = arith.muli %mul3A_42, %mul3A_43 : i32
      "tpu.region"() ({
        %run_scoped3A = tpu.sem_alloc : memref<!tpu.dma_semaphore, #tpu.memory_space<semaphore_mem>>
        %dma_start3A = tpu.memref_slice %arg2[%mul3A_44] : memref<327680xi32, #tpu.memory_space<hbm>> -> memref<20480xi32, #tpu.memory_space<hbm>>
        %dma_start3A_56 = tpu.memref_slice %arg2[%mul3A_44] : memref<327680xi32, #tpu.memory_space<hbm>> -> memref<20480xi32, #tpu.memory_space<hbm>>
        tpu.enqueue_dma source(%dma_start3A_56 : memref<20480xi32, #tpu.memory_space<hbm>>) target(%arg4 : memref<20480xi32, #tpu.memory_space<vmem>>) target_semaphore(%run_scoped3A : memref<!tpu.dma_semaphore, #tpu.memory_space<semaphore_mem>>)
        %dma_wait3A = tpu.memref_slice %arg2[%mul3A_44] : memref<327680xi32, #tpu.memory_space<hbm>> -> memref<20480xi32, #tpu.memory_space<hbm>>
        %dma_wait3A_57 = tpu.memref_slice %arg2[%mul3A_44] : memref<327680xi32, #tpu.memory_space<hbm>> -> memref<20480xi32, #tpu.memory_space<hbm>>
        tpu.wait_dma2 semaphore(%run_scoped3A : memref<!tpu.dma_semaphore, #tpu.memory_space<semaphore_mem>>) src(%dma_wait3A_57 : memref<20480xi32, #tpu.memory_space<hbm>>) dst(%arg4 : memref<20480xi32, #tpu.memory_space<vmem>>)
        tpu.yield
      }) : () -> ()
      %barrier3A = arith.constant 0 : index
      tpu.barrier barrier_id(%barrier3A)
      %scan3A_45 = arith.constant 0 : i32
      %scan3A_46 = arith.constant 160 : i32
      %scan3A_47 = arith.addi %scan3A_45, %scan3A_46 : i32
      %scan3A_48 = arith.constant 1 : i32
      scf.for %scan3A_56 = %scan3A_45 to %scan3A_47 step %scan3A_48  : i32 {
        %mul3A_57 = arith.constant 128 : i32
        %mul3A_58 = arith.muli %scan3A_56, %mul3A_57 : i32
        %add3A = arith.constant 0 : i32
        %add3A_59 = arith.addi %mul3A_58, %add3A : i32
        %get3A = arith.index_cast %add3A_59 : i32 to index
        %get3A_60 = tpu.vector_load %arg4[%get3A] {strides = array<i32>} : memref<20480xi32, #tpu.memory_space<vmem>>, vector<16xi32>,
        %get3A_61 = vector.shape_cast %get3A_60 : vector<16xi32> to vector<16xi32>
        %shift_right_logical3A = arith.constant 14 : i32
        %shift_right_logical3A_62 = vector.broadcast %shift_right_logical3A : i32 to vector<16xi32>
        %shift_right_logical3A_63 = arith.shrui %get3A_61, %shift_right_logical3A_62 : vector<16xi32>
        %swap3A_64 = arith.constant 0 : index
        %swap3A_65 = tpu.vector_load %arg5[%swap3A_64] {strides = array<i32>} : memref<128xi32, #tpu.memory_space<vmem>>, vector<16xi32>,
        %swap3A_66 = vector.shape_cast %swap3A_65 : vector<16xi32> to vector<16xi32>
        %swap3A_67 = vector.shape_cast %shift_right_logical3A_63 : vector<16xi32> to vector<16xi32>
        tpu.vector_store %arg5[%swap3A_64], %swap3A_67 {strides = array<i32>} : memref<128xi32, #tpu.memory_space<vmem>>, vector<16xi32>,
        %mul3A_68 = arith.constant 128 : i32
        %mul3A_69 = arith.muli %scan3A_56, %mul3A_68 : i32
        %add3A_70 = arith.constant 16 : i32
        %add3A_71 = arith.addi %mul3A_69, %add3A_70 : i32
        %get3A_72 = arith.index_cast %add3A_71 : i32 to index
        %get3A_73 = tpu.vector_load %arg4[%get3A_72] {strides = array<i32>} : memref<20480xi32, #tpu.memory_space<vmem>>, vector<16xi32>,
        %get3A_74 = vector.shape_cast %get3A_73 : vector<16xi32> to vector<16xi32>
        %shift_right_logical3A_75 = arith.constant 14 : i32
        %shift_right_logical3A_76 = vector.broadcast %shift_right_logical3A_75 : i32 to vector<16xi32>
        %shift_right_logical3A_77 = arith.shrui %get3A_74, %shift_right_logical3A_76 : vector<16xi32>
        %swap3A_78 = arith.constant 16 : index
        %swap3A_79 = tpu.vector_load %arg5[%swap3A_78] {strides = array<i32>} : memref<128xi32, #tpu.memory_space<vmem>>, vector<16xi32>,
        %swap3A_80 = vector.shape_cast %swap3A_79 : vector<16xi32> to vector<16xi32>
        %swap3A_81 = vector.shape_cast %shift_right_logical3A_77 : vector<16xi32> to vector<16xi32>
        tpu.vector_store %arg5[%swap3A_78], %swap3A_81 {strides = array<i32>} : memref<128xi32, #tpu.memory_space<vmem>>, vector<16xi32>,
        %mul3A_82 = arith.constant 128 : i32
        %mul3A_83 = arith.muli %scan3A_56, %mul3A_82 : i32
        %add3A_84 = arith.constant 32 : i32
        %add3A_85 = arith.addi %mul3A_83, %add3A_84 : i32
        %get3A_86 = arith.index_cast %add3A_85 : i32 to index
        %get3A_87 = tpu.vector_load %arg4[%get3A_86] {strides = array<i32>} : memref<20480xi32, #tpu.memory_space<vmem>>, vector<16xi32>,
        %get3A_88 = vector.shape_cast %get3A_87 : vector<16xi32> to vector<16xi32>
        %shift_right_logical3A_89 = arith.constant 14 : i32
        %shift_right_logical3A_90 = vector.broadcast %shift_right_logical3A_89 : i32 to vector<16xi32>
        %shift_right_logical3A_91 = arith.shrui %get3A_88, %shift_right_logical3A_90 : vector<16xi32>
        %swap3A_92 = arith.constant 32 : index
        %swap3A_93 = tpu.vector_load %arg5[%swap3A_92] {strides = array<i32>} : memref<128xi32, #tpu.memory_space<vmem>>, vector<16xi32>,
        %swap3A_94 = vector.shape_cast %swap3A_93 : vector<16xi32> to vector<16xi32>
        %swap3A_95 = vector.shape_cast %shift_right_logical3A_91 : vector<16xi32> to vector<16xi32>
        tpu.vector_store %arg5[%swap3A_92], %swap3A_95 {strides = array<i32>} : memref<128xi32, #tpu.memory_space<vmem>>, vector<16xi32>,
        %mul3A_96 = arith.constant 128 : i32
        %mul3A_97 = arith.muli %scan3A_56, %mul3A_96 : i32
        %add3A_98 = arith.constant 48 : i32
        %add3A_99 = arith.addi %mul3A_97, %add3A_98 : i32
        %get3A_100 = arith.index_cast %add3A_99 : i32 to index
        %get3A_101 = tpu.vector_load %arg4[%get3A_100] {strides = array<i32>} : memref<20480xi32, #tpu.memory_space<vmem>>, vector<16xi32>,
        %get3A_102 = vector.shape_cast %get3A_101 : vector<16xi32> to vector<16xi32>
        %shift_right_logical3A_103 = arith.constant 14 : i32
        %shift_right_logical3A_104 = vector.broadcast %shift_right_logical3A_103 : i32 to vector<16xi32>
        %shift_right_logical3A_105 = arith.shrui %get3A_102, %shift_right_logical3A_104 : vector<16xi32>
        %swap3A_106 = arith.constant 48 : index
        %swap3A_107 = tpu.vector_load %arg5[%swap3A_106] {strides = array<i32>} : memref<128xi32, #tpu.memory_space<vmem>>, vector<16xi32>,
        %swap3A_108 = vector.shape_cast %swap3A_107 : vector<16xi32> to vector<16xi32>
        %swap3A_109 = vector.shape_cast %shift_right_logical3A_105 : vector<16xi32> to vector<16xi32>
        tpu.vector_store %arg5[%swap3A_106], %swap3A_109 {strides = array<i32>} : memref<128xi32, #tpu.memory_space<vmem>>, vector<16xi32>,
        %mul3A_110 = arith.constant 128 : i32
        %mul3A_111 = arith.muli %scan3A_56, %mul3A_110 : i32
        %add3A_112 = arith.constant 64 : i32
        %add3A_113 = arith.addi %mul3A_111, %add3A_112 : i32
        %get3A_114 = arith.index_cast %add3A_113 : i32 to index
        %get3A_115 = tpu.vector_load %arg4[%get3A_114] {strides = array<i32>} : memref<20480xi32, #tpu.memory_space<vmem>>, vector<16xi32>,
        %get3A_116 = vector.shape_cast %get3A_115 : vector<16xi32> to vector<16xi32>
        %shift_right_logical3A_117 = arith.constant 14 : i32
        %shift_right_logical3A_118 = vector.broadcast %shift_right_logical3A_117 : i32 to vector<16xi32>
        %shift_right_logical3A_119 = arith.shrui %get3A_116, %shift_right_logical3A_118 : vector<16xi32>
        %swap3A_120 = arith.constant 64 : index
        %swap3A_121 = tpu.vector_load %arg5[%swap3A_120] {strides = array<i32>} : memref<128xi32, #tpu.memory_space<vmem>>, vector<16xi32>,
        %swap3A_122 = vector.shape_cast %swap3A_121 : vector<16xi32> to vector<16xi32>
        %swap3A_123 = vector.shape_cast %shift_right_logical3A_119 : vector<16xi32> to vector<16xi32>
        tpu.vector_store %arg5[%swap3A_120], %swap3A_123 {strides = array<i32>} : memref<128xi32, #tpu.memory_space<vmem>>, vector<16xi32>,
        %mul3A_124 = arith.constant 128 : i32
        %mul3A_125 = arith.muli %scan3A_56, %mul3A_124 : i32
        %add3A_126 = arith.constant 80 : i32
        %add3A_127 = arith.addi %mul3A_125, %add3A_126 : i32
        %get3A_128 = arith.index_cast %add3A_127 : i32 to index
        %get3A_129 = tpu.vector_load %arg4[%get3A_128] {strides = array<i32>} : memref<20480xi32, #tpu.memory_space<vmem>>, vector<16xi32>,
        %get3A_130 = vector.shape_cast %get3A_129 : vector<16xi32> to vector<16xi32>
        %shift_right_logical3A_131 = arith.constant 14 : i32
        %shift_right_logical3A_132 = vector.broadcast %shift_right_logical3A_131 : i32 to vector<16xi32>
        %shift_right_logical3A_133 = arith.shrui %get3A_130, %shift_right_logical3A_132 : vector<16xi32>
        %swap3A_134 = arith.constant 80 : index
        %swap3A_135 = tpu.vector_load %arg5[%swap3A_134] {strides = array<i32>} : memref<128xi32, #tpu.memory_space<vmem>>, vector<16xi32>,
        %swap3A_136 = vector.shape_cast %swap3A_135 : vector<16xi32> to vector<16xi32>
        %swap3A_137 = vector.shape_cast %shift_right_logical3A_133 : vector<16xi32> to vector<16xi32>
        tpu.vector_store %arg5[%swap3A_134], %swap3A_137 {strides = array<i32>} : memref<128xi32, #tpu.memory_space<vmem>>, vector<16xi32>,
        %mul3A_138 = arith.constant 128 : i32
        %mul3A_139 = arith.muli %scan3A_56, %mul3A_138 : i32
        %add3A_140 = arith.constant 96 : i32
        %add3A_141 = arith.addi %mul3A_139, %add3A_140 : i32
        %get3A_142 = arith.index_cast %add3A_141 : i32 to index
        %get3A_143 = tpu.vector_load %arg4[%get3A_142] {strides = array<i32>} : memref<20480xi32, #tpu.memory_space<vmem>>, vector<16xi32>,
        %get3A_144 = vector.shape_cast %get3A_143 : vector<16xi32> to vector<16xi32>
        %shift_right_logical3A_145 = arith.constant 14 : i32
        %shift_right_logical3A_146 = vector.broadcast %shift_right_logical3A_145 : i32 to vector<16xi32>
        %shift_right_logical3A_147 = arith.shrui %get3A_144, %shift_right_logical3A_146 : vector<16xi32>
        %swap3A_148 = arith.constant 96 : index
        %swap3A_149 = tpu.vector_load %arg5[%swap3A_148] {strides = array<i32>} : memref<128xi32, #tpu.memory_space<vmem>>, vector<16xi32>,
        %swap3A_150 = vector.shape_cast %swap3A_149 : vector<16xi32> to vector<16xi32>
        %swap3A_151 = vector.shape_cast %shift_right_logical3A_147 : vector<16xi32> to vector<16xi32>
        tpu.vector_store %arg5[%swap3A_148], %swap3A_151 {strides = array<i32>} : memref<128xi32, #tpu.memory_space<vmem>>, vector<16xi32>,
        %mul3A_152 = arith.constant 128 : i32
        %mul3A_153 = arith.muli %scan3A_56, %mul3A_152 : i32
        %add3A_154 = arith.constant 112 : i32
        %add3A_155 = arith.addi %mul3A_153, %add3A_154 : i32
        %get3A_156 = arith.index_cast %add3A_155 : i32 to index
        %get3A_157 = tpu.vector_load %arg4[%get3A_156] {strides = array<i32>} : memref<20480xi32, #tpu.memory_space<vmem>>, vector<16xi32>,
        %get3A_158 = vector.shape_cast %get3A_157 : vector<16xi32> to vector<16xi32>
        %shift_right_logical3A_159 = arith.constant 14 : i32
        %shift_right_logical3A_160 = vector.broadcast %shift_right_logical3A_159 : i32 to vector<16xi32>
        %shift_right_logical3A_161 = arith.shrui %get3A_158, %shift_right_logical3A_160 : vector<16xi32>
        %swap3A_162 = arith.constant 112 : index
        %swap3A_163 = tpu.vector_load %arg5[%swap3A_162] {strides = array<i32>} : memref<128xi32, #tpu.memory_space<vmem>>, vector<16xi32>,
        %swap3A_164 = vector.shape_cast %swap3A_163 : vector<16xi32> to vector<16xi32>
        %swap3A_165 = vector.shape_cast %shift_right_logical3A_161 : vector<16xi32> to vector<16xi32>
        tpu.vector_store %arg5[%swap3A_162], %swap3A_165 {strides = array<i32>} : memref<128xi32, #tpu.memory_space<vmem>>, vector<16xi32>,
        "tpu.region"() ({
          %run_scoped3A = tpu.sem_alloc : memref<!tpu.dma_semaphore, #tpu.memory_space<semaphore_mem>>
          %dma_start3A = arith.constant 0 : i32
          %dma_start3A_166 = tpu.memref_slice %arg8[%dma_start3A] : memref<80128xf32, #tpu.memory_space<vmem_shared>> -> memref<80128xf32, #tpu.memory_space<vmem_shared>>
          tpu.enqueue_indirect_dma source(%arg6 : memref<128xf32, #tpu.memory_space<vmem>>) target(%dma_start3A_166 : memref<80128xf32, #tpu.memory_space<vmem_shared>>) offsets(%arg5 : memref<128xi32, #tpu.memory_space<vmem>>) semaphore(%run_scoped3A : memref<!tpu.dma_semaphore, #tpu.memory_space<semaphore_mem>>) {add = true}
          %dma_wait3A = arith.constant 0 : i32
          %dma_wait3A_167 = tpu.memref_slice %arg8[%dma_wait3A] : memref<80128xf32, #tpu.memory_space<vmem_shared>> -> memref<80128xf32, #tpu.memory_space<vmem_shared>>
          tpu.wait_indirect_dma semaphore(%run_scoped3A : memref<!tpu.dma_semaphore, #tpu.memory_space<semaphore_mem>>) src(%arg6 : memref<128xf32, #tpu.memory_space<vmem>>) dst(%dma_wait3A_167 : memref<80128xf32, #tpu.memory_space<vmem_shared>>)
          tpu.yield
        }) : () -> ()
      }
      %scan3A_49 = arith.constant 160 : i32
      %barrier3A_50 = arith.constant 0 : index
      tpu.barrier barrier_id(%barrier3A_50)
      "tpu.region"() ({
        %run_scoped3A = tpu.sem_alloc : memref<!tpu.dma_semaphore, #tpu.memory_space<semaphore_mem>>
        %dma_start3A = tpu.memref_slice %arg8[%mul3A_7] : memref<80128xf32, #tpu.memory_space<vmem_shared>> -> memref<5008xf32, #tpu.memory_space<vmem_shared>>
        %dma_start3A_56 = tpu.memref_slice %arg8[%mul3A_7] : memref<80128xf32, #tpu.memory_space<vmem_shared>> -> memref<5008xf32, #tpu.memory_space<vmem_shared>>
        tpu.enqueue_dma source(%dma_start3A_56 : memref<5008xf32, #tpu.memory_space<vmem_shared>>) target(%arg7 : memref<5008xf32, #tpu.memory_space<vmem>>) target_semaphore(%run_scoped3A : memref<!tpu.dma_semaphore, #tpu.memory_space<semaphore_mem>>)
        %dma_wait3A = tpu.memref_slice %arg8[%mul3A_7] : memref<80128xf32, #tpu.memory_space<vmem_shared>> -> memref<5008xf32, #tpu.memory_space<vmem_shared>>
        %dma_wait3A_57 = tpu.memref_slice %arg8[%mul3A_7] : memref<80128xf32, #tpu.memory_space<vmem_shared>> -> memref<5008xf32, #tpu.memory_space<vmem_shared>>
        tpu.wait_dma2 semaphore(%run_scoped3A : memref<!tpu.dma_semaphore, #tpu.memory_space<semaphore_mem>>) src(%dma_wait3A_57 : memref<5008xf32, #tpu.memory_space<vmem_shared>>) dst(%arg7 : memref<5008xf32, #tpu.memory_space<vmem>>)
        tpu.yield
      }) : () -> ()
      %scan3A_51 = arith.constant 0 : i32
      %scan3A_52 = arith.constant 313 : i32
      %scan3A_53 = arith.addi %scan3A_51, %scan3A_52 : i32
      %scan3A_54 = arith.constant 1 : i32
      scf.for %scan3A_56 = %scan3A_51 to %scan3A_53 step %scan3A_54  : i32 {
        %mul3A_57 = arith.constant 16 : i32
        %mul3A_58 = arith.muli %scan3A_56, %mul3A_57 : i32
        %get3A = arith.index_cast %mul3A_58 : i32 to index
        %get3A_59 = tpu.vector_load %arg7[%get3A] {strides = array<i32>} : memref<5008xf32, #tpu.memory_space<vmem>>, vector<16xf32>,
        %get3A_60 = vector.shape_cast %get3A_59 : vector<16xf32> to vector<16xf32>
        %add3A = arith.constant 9.99999974E-6 : f32
        %add3A_61 = vector.broadcast %add3A : f32 to vector<16xf32>
        %add3A_62 = arith.addf %get3A_60, %add3A_61 : vector<16xf32>
        %div3A = arith.constant 1.000000e+00 : f32
        %div3A_63 = vector.broadcast %div3A : f32 to vector<16xf32>
        %div3A_64 = arith.divf %div3A_63, %add3A_62 : vector<16xf32>
        %swap3A_65 = arith.index_cast %mul3A_58 : i32 to index
        %swap3A_66 = tpu.vector_load %arg7[%swap3A_65] {strides = array<i32>} : memref<5008xf32, #tpu.memory_space<vmem>>, vector<16xf32>,
        %swap3A_67 = vector.shape_cast %swap3A_66 : vector<16xf32> to vector<16xf32>
        %swap3A_68 = vector.shape_cast %div3A_64 : vector<16xf32> to vector<16xf32>
        tpu.vector_store %arg7[%swap3A_65], %swap3A_68 {strides = array<i32>} : memref<5008xf32, #tpu.memory_space<vmem>>, vector<16xf32>,
      }
      %scan3A_55 = arith.constant 313 : i32
      "tpu.region"() ({
        %run_scoped3A = tpu.sem_alloc : memref<!tpu.dma_semaphore, #tpu.memory_space<semaphore_mem>>
        %dma_start3A = tpu.memref_slice %arg3[%mul3A_7] : memref<80128xf32, #tpu.memory_space<hbm>> -> memref<5008xf32, #tpu.memory_space<hbm>>
        %dma_start3A_56 = tpu.memref_slice %arg3[%mul3A_7] : memref<80128xf32, #tpu.memory_space<hbm>> -> memref<5008xf32, #tpu.memory_space<hbm>>
        tpu.enqueue_dma source(%arg7 : memref<5008xf32, #tpu.memory_space<vmem>>) target(%dma_start3A_56 : memref<5008xf32, #tpu.memory_space<hbm>>) target_semaphore(%run_scoped3A : memref<!tpu.dma_semaphore, #tpu.memory_space<semaphore_mem>>)
        %dma_wait3A = tpu.memref_slice %arg3[%mul3A_7] : memref<80128xf32, #tpu.memory_space<hbm>> -> memref<5008xf32, #tpu.memory_space<hbm>>
        %dma_wait3A_57 = tpu.memref_slice %arg3[%mul3A_7] : memref<80128xf32, #tpu.memory_space<hbm>> -> memref<5008xf32, #tpu.memory_space<hbm>>
        tpu.wait_dma2 semaphore(%run_scoped3A : memref<!tpu.dma_semaphore, #tpu.memory_space<semaphore_mem>>) src(%arg7 : memref<5008xf32, #tpu.memory_space<vmem>>) dst(%dma_wait3A_57 : memref<5008xf32, #tpu.memory_space<hbm>>)
        tpu.yield
      }) : () -> ()
    } else {
    }
    return
  }
}

#map = affine_map<(d0, d1) -> (0)>
#map1 = affine_map<(d0, d1) -> (0, 0)>
module attributes {stable_mosaic.version = 14 : i64} {
  func.func @main_kernel(%arg0: i32, %arg1: i32, %arg2: memref<327680xi32, #tpu.memory_space<hbm>>, %arg3: memref<80000x128xf32, #tpu.memory_space<hbm>>, %arg4: memref<80128xf32, #tpu.memory_space<hbm>>, %arg5: memref<10112x128xf32, #tpu.memory_space<hbm>>, %arg6: memref<10112x128xf32, #tpu.memory_space<hbm>>, %arg7: memref<2x128xi32, #tpu.memory_space<vmem>>, %arg8: memref<128xi32, #tpu.memory_space<vmem>>, %arg9: memref<128xi32, #tpu.memory_space<vmem>>, %arg10: memref<128xi32, #tpu.memory_space<vmem>>, %arg11: memref<128xi32, #tpu.memory_space<vmem>>, %arg12: memref<128xi32, #tpu.memory_space<vmem>>, %arg13: memref<128xi32, #tpu.memory_space<vmem>>, %arg14: memref<144xf32, #tpu.memory_space<vmem>>, %arg15: memref<144xf32, #tpu.memory_space<vmem>>, %arg16: memref<2x128x128xf32, #tpu.memory_space<vmem>>, %arg17: memref<10112x128xf32, #tpu.memory_space<vmem_shared>>, %arg18: memref<!tpu.dma_semaphore, #tpu.memory_space<semaphore_mem>>, %arg19: memref<!tpu.dma_semaphore, #tpu.memory_space<semaphore_mem>>, %arg20: memref<!tpu.dma_semaphore, #tpu.memory_space<semaphore_mem>>, %arg21: memref<!tpu.dma_semaphore, #tpu.memory_space<semaphore_mem>>, %arg22: memref<!tpu.dma_semaphore, #tpu.memory_space<semaphore_mem>>, %arg23: memref<!tpu.dma_semaphore, #tpu.memory_space<semaphore_mem>>, %arg24: memref<!tpu.dma_semaphore, #tpu.memory_space<semaphore_mem>>, %arg25: memref<!tpu.dma_semaphore, #tpu.memory_space<semaphore_mem>>) attributes {dimension_semantics = [#tpu.dimension_semantics<core_parallel>, #tpu.dimension_semantics<subcore_parallel>], iteration_bounds = array<i64: 2, 16>, scalar_prefetch = 0 : i64, scratch_operands = 19 : i64, tpu.core_type = #tpu.core_type<sc_vector_subcore>, window_params = [{transform_indices = #map}, {transform_indices = #map1}, {transform_indices = #map}, {transform_indices = #map1}, {transform_indices = #map1}]} {
    %mul3A = arith.constant 16 : i32
    %mul3A_0 = arith.muli %arg0, %mul3A : i32
    %add3A = arith.addi %mul3A_0, %arg1 : i32
    %mul3A_1 = arith.constant 10240 : i32
    %mul3A_2 = arith.muli %add3A, %mul3A_1 : i32
    %broadcast_in_dim3A = arith.constant 0.000000e+00 : f32
    %broadcast_in_dim3A_3 = vector.broadcast %broadcast_in_dim3A : f32 to vector<16xf32>
    %scan3A = arith.constant 0 : i32
    %scan3A_4 = arith.constant 128 : i32
    %scan3A_5 = arith.addi %scan3A, %scan3A_4 : i32
    %scan3A_6 = arith.constant 1 : i32
    scf.for %scan3A_381 = %scan3A to %scan3A_5 step %scan3A_6  : i32 {
      %swap3A_382 = arith.constant 0 : i32
      %swap3A_383 = arith.index_cast %swap3A_382 : i32 to index
      %swap3A_384 = arith.index_cast %scan3A_381 : i32 to index
      %swap3A_385 = arith.constant 0 : index
      %swap3A_386 = tpu.vector_load %arg16[%swap3A_383, %swap3A_384, %swap3A_385] {strides = array<i32>} : memref<2x128x128xf32, #tpu.memory_space<vmem>>, vector<1x1x16xf32>,
      %swap3A_387 = vector.shape_cast %swap3A_386 : vector<1x1x16xf32> to vector<16xf32>
      %swap3A_388 = vector.shape_cast %broadcast_in_dim3A_3 : vector<16xf32> to vector<1x1x16xf32>
      tpu.vector_store %arg16[%swap3A_383, %swap3A_384, %swap3A_385], %swap3A_388 {strides = array<i32>} : memref<2x128x128xf32, #tpu.memory_space<vmem>>, vector<1x1x16xf32>,
      %swap3A_389 = arith.constant 0 : i32
      %swap3A_390 = arith.index_cast %swap3A_389 : i32 to index
      %swap3A_391 = arith.index_cast %scan3A_381 : i32 to index
      %swap3A_392 = arith.constant 16 : index
      %swap3A_393 = tpu.vector_load %arg16[%swap3A_390, %swap3A_391, %swap3A_392] {strides = array<i32>} : memref<2x128x128xf32, #tpu.memory_space<vmem>>, vector<1x1x16xf32>,
      %swap3A_394 = vector.shape_cast %swap3A_393 : vector<1x1x16xf32> to vector<16xf32>
      %swap3A_395 = vector.shape_cast %broadcast_in_dim3A_3 : vector<16xf32> to vector<1x1x16xf32>
      tpu.vector_store %arg16[%swap3A_390, %swap3A_391, %swap3A_392], %swap3A_395 {strides = array<i32>} : memref<2x128x128xf32, #tpu.memory_space<vmem>>, vector<1x1x16xf32>,
      %swap3A_396 = arith.constant 0 : i32
      %swap3A_397 = arith.index_cast %swap3A_396 : i32 to index
      %swap3A_398 = arith.index_cast %scan3A_381 : i32 to index
      %swap3A_399 = arith.constant 32 : index
      %swap3A_400 = tpu.vector_load %arg16[%swap3A_397, %swap3A_398, %swap3A_399] {strides = array<i32>} : memref<2x128x128xf32, #tpu.memory_space<vmem>>, vector<1x1x16xf32>,
      %swap3A_401 = vector.shape_cast %swap3A_400 : vector<1x1x16xf32> to vector<16xf32>
      %swap3A_402 = vector.shape_cast %broadcast_in_dim3A_3 : vector<16xf32> to vector<1x1x16xf32>
      tpu.vector_store %arg16[%swap3A_397, %swap3A_398, %swap3A_399], %swap3A_402 {strides = array<i32>} : memref<2x128x128xf32, #tpu.memory_space<vmem>>, vector<1x1x16xf32>,
      %swap3A_403 = arith.constant 0 : i32
      %swap3A_404 = arith.index_cast %swap3A_403 : i32 to index
      %swap3A_405 = arith.index_cast %scan3A_381 : i32 to index
      %swap3A_406 = arith.constant 48 : index
      %swap3A_407 = tpu.vector_load %arg16[%swap3A_404, %swap3A_405, %swap3A_406] {strides = array<i32>} : memref<2x128x128xf32, #tpu.memory_space<vmem>>, vector<1x1x16xf32>,
      %swap3A_408 = vector.shape_cast %swap3A_407 : vector<1x1x16xf32> to vector<16xf32>
      %swap3A_409 = vector.shape_cast %broadcast_in_dim3A_3 : vector<16xf32> to vector<1x1x16xf32>
      tpu.vector_store %arg16[%swap3A_404, %swap3A_405, %swap3A_406], %swap3A_409 {strides = array<i32>} : memref<2x128x128xf32, #tpu.memory_space<vmem>>, vector<1x1x16xf32>,
      %swap3A_410 = arith.constant 0 : i32
      %swap3A_411 = arith.index_cast %swap3A_410 : i32 to index
      %swap3A_412 = arith.index_cast %scan3A_381 : i32 to index
      %swap3A_413 = arith.constant 64 : index
      %swap3A_414 = tpu.vector_load %arg16[%swap3A_411, %swap3A_412, %swap3A_413] {strides = array<i32>} : memref<2x128x128xf32, #tpu.memory_space<vmem>>, vector<1x1x16xf32>,
      %swap3A_415 = vector.shape_cast %swap3A_414 : vector<1x1x16xf32> to vector<16xf32>
      %swap3A_416 = vector.shape_cast %broadcast_in_dim3A_3 : vector<16xf32> to vector<1x1x16xf32>
      tpu.vector_store %arg16[%swap3A_411, %swap3A_412, %swap3A_413], %swap3A_416 {strides = array<i32>} : memref<2x128x128xf32, #tpu.memory_space<vmem>>, vector<1x1x16xf32>,
      %swap3A_417 = arith.constant 0 : i32
      %swap3A_418 = arith.index_cast %swap3A_417 : i32 to index
      %swap3A_419 = arith.index_cast %scan3A_381 : i32 to index
      %swap3A_420 = arith.constant 80 : index
      %swap3A_421 = tpu.vector_load %arg16[%swap3A_418, %swap3A_419, %swap3A_420] {strides = array<i32>} : memref<2x128x128xf32, #tpu.memory_space<vmem>>, vector<1x1x16xf32>,
      %swap3A_422 = vector.shape_cast %swap3A_421 : vector<1x1x16xf32> to vector<16xf32>
      %swap3A_423 = vector.shape_cast %broadcast_in_dim3A_3 : vector<16xf32> to vector<1x1x16xf32>
      tpu.vector_store %arg16[%swap3A_418, %swap3A_419, %swap3A_420], %swap3A_423 {strides = array<i32>} : memref<2x128x128xf32, #tpu.memory_space<vmem>>, vector<1x1x16xf32>,
      %swap3A_424 = arith.constant 0 : i32
      %swap3A_425 = arith.index_cast %swap3A_424 : i32 to index
      %swap3A_426 = arith.index_cast %scan3A_381 : i32 to index
      %swap3A_427 = arith.constant 96 : index
      %swap3A_428 = tpu.vector_load %arg16[%swap3A_425, %swap3A_426, %swap3A_427] {strides = array<i32>} : memref<2x128x128xf32, #tpu.memory_space<vmem>>, vector<1x1x16xf32>,
      %swap3A_429 = vector.shape_cast %swap3A_428 : vector<1x1x16xf32> to vector<16xf32>
      %swap3A_430 = vector.shape_cast %broadcast_in_dim3A_3 : vector<16xf32> to vector<1x1x16xf32>
      tpu.vector_store %arg16[%swap3A_425, %swap3A_426, %swap3A_427], %swap3A_430 {strides = array<i32>} : memref<2x128x128xf32, #tpu.memory_space<vmem>>, vector<1x1x16xf32>,
      %swap3A_431 = arith.constant 0 : i32
      %swap3A_432 = arith.index_cast %swap3A_431 : i32 to index
      %swap3A_433 = arith.index_cast %scan3A_381 : i32 to index
      %swap3A_434 = arith.constant 112 : index
      %swap3A_435 = tpu.vector_load %arg16[%swap3A_432, %swap3A_433, %swap3A_434] {strides = array<i32>} : memref<2x128x128xf32, #tpu.memory_space<vmem>>, vector<1x1x16xf32>,
      %swap3A_436 = vector.shape_cast %swap3A_435 : vector<1x1x16xf32> to vector<16xf32>
      %swap3A_437 = vector.shape_cast %broadcast_in_dim3A_3 : vector<16xf32> to vector<1x1x16xf32>
      tpu.vector_store %arg16[%swap3A_432, %swap3A_433, %swap3A_434], %swap3A_437 {strides = array<i32>} : memref<2x128x128xf32, #tpu.memory_space<vmem>>, vector<1x1x16xf32>,
    }
    %scan3A_7 = arith.constant 128 : i32
    %mul3A_8 = arith.constant 632 : i32
    %mul3A_9 = arith.muli %arg1, %mul3A_8 : i32
    %add3A_10 = arith.constant 0 : i32
    %add3A_11 = arith.addi %mul3A_9, %add3A_10 : i32
    %run_scoped3A = arith.constant 0 : i32
    "tpu.region"() ({
      %run_scoped3A_381 = tpu.sem_alloc : memref<!tpu.dma_semaphore, #tpu.memory_space<semaphore_mem>>
      %dma_start3A_382 = arith.constant 0 : i32
      %dma_start3A_383 = arith.constant 0 : i32
      %dma_start3A_384 = tpu.memref_slice %arg16[%run_scoped3A, %dma_start3A_382, %dma_start3A_383] : memref<2x128x128xf32, #tpu.memory_space<vmem>> -> memref<1x128x128xf32, #tpu.memory_space<vmem>>
      %dma_start3A_385 = tpu.memref_squeeze %dma_start3A_384 : memref<1x128x128xf32, #tpu.memory_space<vmem>> -> memref<128x128xf32, #tpu.memory_space<vmem>>
      %dma_start3A_386 = arith.constant 0 : i32
      %dma_start3A_387 = tpu.memref_slice %arg17[%add3A_11, %dma_start3A_386] : memref<10112x128xf32, #tpu.memory_space<vmem_shared>> -> memref<128x128xf32, #tpu.memory_space<vmem_shared>>
      %dma_start3A_388 = arith.constant 0 : i32
      %dma_start3A_389 = tpu.memref_slice %arg17[%add3A_11, %dma_start3A_388] : memref<10112x128xf32, #tpu.memory_space<vmem_shared>> -> memref<128x128xf32, #tpu.memory_space<vmem_shared>>
      %dma_start3A_390 = arith.constant 0 : i32
      %dma_start3A_391 = arith.constant 0 : i32
      %dma_start3A_392 = tpu.memref_slice %arg16[%run_scoped3A, %dma_start3A_390, %dma_start3A_391] : memref<2x128x128xf32, #tpu.memory_space<vmem>> -> memref<1x128x128xf32, #tpu.memory_space<vmem>>
      %dma_start3A_393 = tpu.memref_squeeze %dma_start3A_392 : memref<1x128x128xf32, #tpu.memory_space<vmem>> -> memref<128x128xf32, #tpu.memory_space<vmem>>
      tpu.enqueue_dma source(%dma_start3A_393 : memref<128x128xf32, #tpu.memory_space<vmem>>) target(%dma_start3A_389 : memref<128x128xf32, #tpu.memory_space<vmem_shared>>) target_semaphore(%run_scoped3A_381 : memref<!tpu.dma_semaphore, #tpu.memory_space<semaphore_mem>>)
      %dma_wait3A_394 = arith.constant 0 : i32
      %dma_wait3A_395 = arith.constant 0 : i32
      %dma_wait3A_396 = tpu.memref_slice %arg16[%run_scoped3A, %dma_wait3A_394, %dma_wait3A_395] : memref<2x128x128xf32, #tpu.memory_space<vmem>> -> memref<1x128x128xf32, #tpu.memory_space<vmem>>
      %dma_wait3A_397 = tpu.memref_squeeze %dma_wait3A_396 : memref<1x128x128xf32, #tpu.memory_space<vmem>> -> memref<128x128xf32, #tpu.memory_space<vmem>>
      %dma_wait3A_398 = arith.constant 0 : i32
      %dma_wait3A_399 = tpu.memref_slice %arg17[%add3A_11, %dma_wait3A_398] : memref<10112x128xf32, #tpu.memory_space<vmem_shared>> -> memref<128x128xf32, #tpu.memory_space<vmem_shared>>
      %dma_wait3A_400 = arith.constant 0 : i32
      %dma_wait3A_401 = tpu.memref_slice %arg17[%add3A_11, %dma_wait3A_400] : memref<10112x128xf32, #tpu.memory_space<vmem_shared>> -> memref<128x128xf32, #tpu.memory_space<vmem_shared>>
      %dma_wait3A_402 = arith.constant 0 : i32
      %dma_wait3A_403 = arith.constant 0 : i32
      %dma_wait3A_404 = tpu.memref_slice %arg16[%run_scoped3A, %dma_wait3A_402, %dma_wait3A_403] : memref<2x128x128xf32, #tpu.memory_space<vmem>> -> memref<1x128x128xf32, #tpu.memory_space<vmem>>
      %dma_wait3A_405 = tpu.memref_squeeze %dma_wait3A_404 : memref<1x128x128xf32, #tpu.memory_space<vmem>> -> memref<128x128xf32, #tpu.memory_space<vmem>>
      tpu.wait_dma2 semaphore(%run_scoped3A_381 : memref<!tpu.dma_semaphore, #tpu.memory_space<semaphore_mem>>) src(%dma_wait3A_405 : memref<128x128xf32, #tpu.memory_space<vmem>>) dst(%dma_wait3A_401 : memref<128x128xf32, #tpu.memory_space<vmem_shared>>)
      tpu.yield
    }) : () -> ()
    %add3A_12 = arith.constant 128 : i32
    %add3A_13 = arith.addi %mul3A_9, %add3A_12 : i32
    %run_scoped3A_14 = arith.constant 0 : i32
    "tpu.region"() ({
      %run_scoped3A_381 = tpu.sem_alloc : memref<!tpu.dma_semaphore, #tpu.memory_space<semaphore_mem>>
      %dma_start3A_382 = arith.constant 0 : i32
      %dma_start3A_383 = arith.constant 0 : i32
      %dma_start3A_384 = tpu.memref_slice %arg16[%run_scoped3A_14, %dma_start3A_382, %dma_start3A_383] : memref<2x128x128xf32, #tpu.memory_space<vmem>> -> memref<1x128x128xf32, #tpu.memory_space<vmem>>
      %dma_start3A_385 = tpu.memref_squeeze %dma_start3A_384 : memref<1x128x128xf32, #tpu.memory_space<vmem>> -> memref<128x128xf32, #tpu.memory_space<vmem>>
      %dma_start3A_386 = arith.constant 0 : i32
      %dma_start3A_387 = tpu.memref_slice %arg17[%add3A_13, %dma_start3A_386] : memref<10112x128xf32, #tpu.memory_space<vmem_shared>> -> memref<128x128xf32, #tpu.memory_space<vmem_shared>>
      %dma_start3A_388 = arith.constant 0 : i32
      %dma_start3A_389 = tpu.memref_slice %arg17[%add3A_13, %dma_start3A_388] : memref<10112x128xf32, #tpu.memory_space<vmem_shared>> -> memref<128x128xf32, #tpu.memory_space<vmem_shared>>
      %dma_start3A_390 = arith.constant 0 : i32
      %dma_start3A_391 = arith.constant 0 : i32
      %dma_start3A_392 = tpu.memref_slice %arg16[%run_scoped3A_14, %dma_start3A_390, %dma_start3A_391] : memref<2x128x128xf32, #tpu.memory_space<vmem>> -> memref<1x128x128xf32, #tpu.memory_space<vmem>>
      %dma_start3A_393 = tpu.memref_squeeze %dma_start3A_392 : memref<1x128x128xf32, #tpu.memory_space<vmem>> -> memref<128x128xf32, #tpu.memory_space<vmem>>
      tpu.enqueue_dma source(%dma_start3A_393 : memref<128x128xf32, #tpu.memory_space<vmem>>) target(%dma_start3A_389 : memref<128x128xf32, #tpu.memory_space<vmem_shared>>) target_semaphore(%run_scoped3A_381 : memref<!tpu.dma_semaphore, #tpu.memory_space<semaphore_mem>>)
      %dma_wait3A_394 = arith.constant 0 : i32
      %dma_wait3A_395 = arith.constant 0 : i32
      %dma_wait3A_396 = tpu.memref_slice %arg16[%run_scoped3A_14, %dma_wait3A_394, %dma_wait3A_395] : memref<2x128x128xf32, #tpu.memory_space<vmem>> -> memref<1x128x128xf32, #tpu.memory_space<vmem>>
      %dma_wait3A_397 = tpu.memref_squeeze %dma_wait3A_396 : memref<1x128x128xf32, #tpu.memory_space<vmem>> -> memref<128x128xf32, #tpu.memory_space<vmem>>
      %dma_wait3A_398 = arith.constant 0 : i32
      %dma_wait3A_399 = tpu.memref_slice %arg17[%add3A_13, %dma_wait3A_398] : memref<10112x128xf32, #tpu.memory_space<vmem_shared>> -> memref<128x128xf32, #tpu.memory_space<vmem_shared>>
      %dma_wait3A_400 = arith.constant 0 : i32
      %dma_wait3A_401 = tpu.memref_slice %arg17[%add3A_13, %dma_wait3A_400] : memref<10112x128xf32, #tpu.memory_space<vmem_shared>> -> memref<128x128xf32, #tpu.memory_space<vmem_shared>>
      %dma_wait3A_402 = arith.constant 0 : i32
      %dma_wait3A_403 = arith.constant 0 : i32
      %dma_wait3A_404 = tpu.memref_slice %arg16[%run_scoped3A_14, %dma_wait3A_402, %dma_wait3A_403] : memref<2x128x128xf32, #tpu.memory_space<vmem>> -> memref<1x128x128xf32, #tpu.memory_space<vmem>>
      %dma_wait3A_405 = tpu.memref_squeeze %dma_wait3A_404 : memref<1x128x128xf32, #tpu.memory_space<vmem>> -> memref<128x128xf32, #tpu.memory_space<vmem>>
      tpu.wait_dma2 semaphore(%run_scoped3A_381 : memref<!tpu.dma_semaphore, #tpu.memory_space<semaphore_mem>>) src(%dma_wait3A_405 : memref<128x128xf32, #tpu.memory_space<vmem>>) dst(%dma_wait3A_401 : memref<128x128xf32, #tpu.memory_space<vmem_shared>>)
      tpu.yield
    }) : () -> ()
    %add3A_15 = arith.constant 256 : i32
    %add3A_16 = arith.addi %mul3A_9, %add3A_15 : i32
    %run_scoped3A_17 = arith.constant 0 : i32
    "tpu.region"() ({
      %run_scoped3A_381 = tpu.sem_alloc : memref<!tpu.dma_semaphore, #tpu.memory_space<semaphore_mem>>
      %dma_start3A_382 = arith.constant 0 : i32
      %dma_start3A_383 = arith.constant 0 : i32
      %dma_start3A_384 = tpu.memref_slice %arg16[%run_scoped3A_17, %dma_start3A_382, %dma_start3A_383] : memref<2x128x128xf32, #tpu.memory_space<vmem>> -> memref<1x128x128xf32, #tpu.memory_space<vmem>>
      %dma_start3A_385 = tpu.memref_squeeze %dma_start3A_384 : memref<1x128x128xf32, #tpu.memory_space<vmem>> -> memref<128x128xf32, #tpu.memory_space<vmem>>
      %dma_start3A_386 = arith.constant 0 : i32
      %dma_start3A_387 = tpu.memref_slice %arg17[%add3A_16, %dma_start3A_386] : memref<10112x128xf32, #tpu.memory_space<vmem_shared>> -> memref<128x128xf32, #tpu.memory_space<vmem_shared>>
      %dma_start3A_388 = arith.constant 0 : i32
      %dma_start3A_389 = tpu.memref_slice %arg17[%add3A_16, %dma_start3A_388] : memref<10112x128xf32, #tpu.memory_space<vmem_shared>> -> memref<128x128xf32, #tpu.memory_space<vmem_shared>>
      %dma_start3A_390 = arith.constant 0 : i32
      %dma_start3A_391 = arith.constant 0 : i32
      %dma_start3A_392 = tpu.memref_slice %arg16[%run_scoped3A_17, %dma_start3A_390, %dma_start3A_391] : memref<2x128x128xf32, #tpu.memory_space<vmem>> -> memref<1x128x128xf32, #tpu.memory_space<vmem>>
      %dma_start3A_393 = tpu.memref_squeeze %dma_start3A_392 : memref<1x128x128xf32, #tpu.memory_space<vmem>> -> memref<128x128xf32, #tpu.memory_space<vmem>>
      tpu.enqueue_dma source(%dma_start3A_393 : memref<128x128xf32, #tpu.memory_space<vmem>>) target(%dma_start3A_389 : memref<128x128xf32, #tpu.memory_space<vmem_shared>>) target_semaphore(%run_scoped3A_381 : memref<!tpu.dma_semaphore, #tpu.memory_space<semaphore_mem>>)
      %dma_wait3A_394 = arith.constant 0 : i32
      %dma_wait3A_395 = arith.constant 0 : i32
      %dma_wait3A_396 = tpu.memref_slice %arg16[%run_scoped3A_17, %dma_wait3A_394, %dma_wait3A_395] : memref<2x128x128xf32, #tpu.memory_space<vmem>> -> memref<1x128x128xf32, #tpu.memory_space<vmem>>
      %dma_wait3A_397 = tpu.memref_squeeze %dma_wait3A_396 : memref<1x128x128xf32, #tpu.memory_space<vmem>> -> memref<128x128xf32, #tpu.memory_space<vmem>>
      %dma_wait3A_398 = arith.constant 0 : i32
      %dma_wait3A_399 = tpu.memref_slice %arg17[%add3A_16, %dma_wait3A_398] : memref<10112x128xf32, #tpu.memory_space<vmem_shared>> -> memref<128x128xf32, #tpu.memory_space<vmem_shared>>
      %dma_wait3A_400 = arith.constant 0 : i32
      %dma_wait3A_401 = tpu.memref_slice %arg17[%add3A_16, %dma_wait3A_400] : memref<10112x128xf32, #tpu.memory_space<vmem_shared>> -> memref<128x128xf32, #tpu.memory_space<vmem_shared>>
      %dma_wait3A_402 = arith.constant 0 : i32
      %dma_wait3A_403 = arith.constant 0 : i32
      %dma_wait3A_404 = tpu.memref_slice %arg16[%run_scoped3A_17, %dma_wait3A_402, %dma_wait3A_403] : memref<2x128x128xf32, #tpu.memory_space<vmem>> -> memref<1x128x128xf32, #tpu.memory_space<vmem>>
      %dma_wait3A_405 = tpu.memref_squeeze %dma_wait3A_404 : memref<1x128x128xf32, #tpu.memory_space<vmem>> -> memref<128x128xf32, #tpu.memory_space<vmem>>
      tpu.wait_dma2 semaphore(%run_scoped3A_381 : memref<!tpu.dma_semaphore, #tpu.memory_space<semaphore_mem>>) src(%dma_wait3A_405 : memref<128x128xf32, #tpu.memory_space<vmem>>) dst(%dma_wait3A_401 : memref<128x128xf32, #tpu.memory_space<vmem_shared>>)
      tpu.yield
    }) : () -> ()
    %add3A_18 = arith.constant 384 : i32
    %add3A_19 = arith.addi %mul3A_9, %add3A_18 : i32
    %run_scoped3A_20 = arith.constant 0 : i32
    "tpu.region"() ({
      %run_scoped3A_381 = tpu.sem_alloc : memref<!tpu.dma_semaphore, #tpu.memory_space<semaphore_mem>>
      %dma_start3A_382 = arith.constant 0 : i32
      %dma_start3A_383 = arith.constant 0 : i32
      %dma_start3A_384 = tpu.memref_slice %arg16[%run_scoped3A_20, %dma_start3A_382, %dma_start3A_383] : memref<2x128x128xf32, #tpu.memory_space<vmem>> -> memref<1x128x128xf32, #tpu.memory_space<vmem>>
      %dma_start3A_385 = tpu.memref_squeeze %dma_start3A_384 : memref<1x128x128xf32, #tpu.memory_space<vmem>> -> memref<128x128xf32, #tpu.memory_space<vmem>>
      %dma_start3A_386 = arith.constant 0 : i32
      %dma_start3A_387 = tpu.memref_slice %arg17[%add3A_19, %dma_start3A_386] : memref<10112x128xf32, #tpu.memory_space<vmem_shared>> -> memref<128x128xf32, #tpu.memory_space<vmem_shared>>
      %dma_start3A_388 = arith.constant 0 : i32
      %dma_start3A_389 = tpu.memref_slice %arg17[%add3A_19, %dma_start3A_388] : memref<10112x128xf32, #tpu.memory_space<vmem_shared>> -> memref<128x128xf32, #tpu.memory_space<vmem_shared>>
      %dma_start3A_390 = arith.constant 0 : i32
      %dma_start3A_391 = arith.constant 0 : i32
      %dma_start3A_392 = tpu.memref_slice %arg16[%run_scoped3A_20, %dma_start3A_390, %dma_start3A_391] : memref<2x128x128xf32, #tpu.memory_space<vmem>> -> memref<1x128x128xf32, #tpu.memory_space<vmem>>
      %dma_start3A_393 = tpu.memref_squeeze %dma_start3A_392 : memref<1x128x128xf32, #tpu.memory_space<vmem>> -> memref<128x128xf32, #tpu.memory_space<vmem>>
      tpu.enqueue_dma source(%dma_start3A_393 : memref<128x128xf32, #tpu.memory_space<vmem>>) target(%dma_start3A_389 : memref<128x128xf32, #tpu.memory_space<vmem_shared>>) target_semaphore(%run_scoped3A_381 : memref<!tpu.dma_semaphore, #tpu.memory_space<semaphore_mem>>)
      %dma_wait3A_394 = arith.constant 0 : i32
      %dma_wait3A_395 = arith.constant 0 : i32
      %dma_wait3A_396 = tpu.memref_slice %arg16[%run_scoped3A_20, %dma_wait3A_394, %dma_wait3A_395] : memref<2x128x128xf32, #tpu.memory_space<vmem>> -> memref<1x128x128xf32, #tpu.memory_space<vmem>>
      %dma_wait3A_397 = tpu.memref_squeeze %dma_wait3A_396 : memref<1x128x128xf32, #tpu.memory_space<vmem>> -> memref<128x128xf32, #tpu.memory_space<vmem>>
      %dma_wait3A_398 = arith.constant 0 : i32
      %dma_wait3A_399 = tpu.memref_slice %arg17[%add3A_19, %dma_wait3A_398] : memref<10112x128xf32, #tpu.memory_space<vmem_shared>> -> memref<128x128xf32, #tpu.memory_space<vmem_shared>>
      %dma_wait3A_400 = arith.constant 0 : i32
      %dma_wait3A_401 = tpu.memref_slice %arg17[%add3A_19, %dma_wait3A_400] : memref<10112x128xf32, #tpu.memory_space<vmem_shared>> -> memref<128x128xf32, #tpu.memory_space<vmem_shared>>
      %dma_wait3A_402 = arith.constant 0 : i32
      %dma_wait3A_403 = arith.constant 0 : i32
      %dma_wait3A_404 = tpu.memref_slice %arg16[%run_scoped3A_20, %dma_wait3A_402, %dma_wait3A_403] : memref<2x128x128xf32, #tpu.memory_space<vmem>> -> memref<1x128x128xf32, #tpu.memory_space<vmem>>
      %dma_wait3A_405 = tpu.memref_squeeze %dma_wait3A_404 : memref<1x128x128xf32, #tpu.memory_space<vmem>> -> memref<128x128xf32, #tpu.memory_space<vmem>>
      tpu.wait_dma2 semaphore(%run_scoped3A_381 : memref<!tpu.dma_semaphore, #tpu.memory_space<semaphore_mem>>) src(%dma_wait3A_405 : memref<128x128xf32, #tpu.memory_space<vmem>>) dst(%dma_wait3A_401 : memref<128x128xf32, #tpu.memory_space<vmem_shared>>)
      tpu.yield
    }) : () -> ()
    %add3A_21 = arith.constant 512 : i32
    %add3A_22 = arith.addi %mul3A_9, %add3A_21 : i32
    %run_scoped3A_23 = arith.constant 0 : i32
    "tpu.region"() ({
      %run_scoped3A_381 = tpu.sem_alloc : memref<!tpu.dma_semaphore, #tpu.memory_space<semaphore_mem>>
      %dma_start3A_382 = arith.constant 0 : i32
      %dma_start3A_383 = arith.constant 0 : i32
      %dma_start3A_384 = tpu.memref_slice %arg16[%run_scoped3A_23, %dma_start3A_382, %dma_start3A_383] : memref<2x128x128xf32, #tpu.memory_space<vmem>> -> memref<1x120x128xf32, #tpu.memory_space<vmem>>
      %dma_start3A_385 = tpu.memref_squeeze %dma_start3A_384 : memref<1x120x128xf32, #tpu.memory_space<vmem>> -> memref<120x128xf32, #tpu.memory_space<vmem>>
      %dma_start3A_386 = arith.constant 0 : i32
      %dma_start3A_387 = tpu.memref_slice %arg17[%add3A_22, %dma_start3A_386] : memref<10112x128xf32, #tpu.memory_space<vmem_shared>> -> memref<120x128xf32, #tpu.memory_space<vmem_shared>>
      %dma_start3A_388 = arith.constant 0 : i32
      %dma_start3A_389 = tpu.memref_slice %arg17[%add3A_22, %dma_start3A_388] : memref<10112x128xf32, #tpu.memory_space<vmem_shared>> -> memref<120x128xf32, #tpu.memory_space<vmem_shared>>
      %dma_start3A_390 = arith.constant 0 : i32
      %dma_start3A_391 = arith.constant 0 : i32
      %dma_start3A_392 = tpu.memref_slice %arg16[%run_scoped3A_23, %dma_start3A_390, %dma_start3A_391] : memref<2x128x128xf32, #tpu.memory_space<vmem>> -> memref<1x120x128xf32, #tpu.memory_space<vmem>>
      %dma_start3A_393 = tpu.memref_squeeze %dma_start3A_392 : memref<1x120x128xf32, #tpu.memory_space<vmem>> -> memref<120x128xf32, #tpu.memory_space<vmem>>
      tpu.enqueue_dma source(%dma_start3A_393 : memref<120x128xf32, #tpu.memory_space<vmem>>) target(%dma_start3A_389 : memref<120x128xf32, #tpu.memory_space<vmem_shared>>) target_semaphore(%run_scoped3A_381 : memref<!tpu.dma_semaphore, #tpu.memory_space<semaphore_mem>>)
      %dma_wait3A_394 = arith.constant 0 : i32
      %dma_wait3A_395 = arith.constant 0 : i32
      %dma_wait3A_396 = tpu.memref_slice %arg16[%run_scoped3A_23, %dma_wait3A_394, %dma_wait3A_395] : memref<2x128x128xf32, #tpu.memory_space<vmem>> -> memref<1x120x128xf32, #tpu.memory_space<vmem>>
      %dma_wait3A_397 = tpu.memref_squeeze %dma_wait3A_396 : memref<1x120x128xf32, #tpu.memory_space<vmem>> -> memref<120x128xf32, #tpu.memory_space<vmem>>
      %dma_wait3A_398 = arith.constant 0 : i32
      %dma_wait3A_399 = tpu.memref_slice %arg17[%add3A_22, %dma_wait3A_398] : memref<10112x128xf32, #tpu.memory_space<vmem_shared>> -> memref<120x128xf32, #tpu.memory_space<vmem_shared>>
      %dma_wait3A_400 = arith.constant 0 : i32
      %dma_wait3A_401 = tpu.memref_slice %arg17[%add3A_22, %dma_wait3A_400] : memref<10112x128xf32, #tpu.memory_space<vmem_shared>> -> memref<120x128xf32, #tpu.memory_space<vmem_shared>>
      %dma_wait3A_402 = arith.constant 0 : i32
      %dma_wait3A_403 = arith.constant 0 : i32
      %dma_wait3A_404 = tpu.memref_slice %arg16[%run_scoped3A_23, %dma_wait3A_402, %dma_wait3A_403] : memref<2x128x128xf32, #tpu.memory_space<vmem>> -> memref<1x120x128xf32, #tpu.memory_space<vmem>>
      %dma_wait3A_405 = tpu.memref_squeeze %dma_wait3A_404 : memref<1x120x128xf32, #tpu.memory_space<vmem>> -> memref<120x128xf32, #tpu.memory_space<vmem>>
      tpu.wait_dma2 semaphore(%run_scoped3A_381 : memref<!tpu.dma_semaphore, #tpu.memory_space<semaphore_mem>>) src(%dma_wait3A_405 : memref<120x128xf32, #tpu.memory_space<vmem>>) dst(%dma_wait3A_401 : memref<120x128xf32, #tpu.memory_space<vmem_shared>>)
      tpu.yield
    }) : () -> ()
    %barrier3A = arith.constant 0 : index
    tpu.barrier barrier_id(%barrier3A)
    %add3A_24 = arith.constant 0 : i32
    %add3A_25 = arith.addi %mul3A_2, %add3A_24 : i32
    %dma_start3A = arith.constant 0 : i32
    %dma_start3A_26 = arith.constant 0 : i32
    %dma_start3A_27 = tpu.memref_slice %arg7[%dma_start3A, %dma_start3A_26] : memref<2x128xi32, #tpu.memory_space<vmem>> -> memref<1x128xi32, #tpu.memory_space<vmem>>
    %dma_start3A_28 = tpu.memref_squeeze %dma_start3A_27 : memref<1x128xi32, #tpu.memory_space<vmem>> -> memref<128xi32, #tpu.memory_space<vmem>>
    %dma_start3A_29 = tpu.memref_slice %arg2[%add3A_25] : memref<327680xi32, #tpu.memory_space<hbm>> -> memref<128xi32, #tpu.memory_space<hbm>>
    %dma_start3A_30 = arith.constant 0 : i32
    %dma_start3A_31 = tpu.memref_slice %arg7[%dma_start3A, %dma_start3A_30] : memref<2x128xi32, #tpu.memory_space<vmem>> -> memref<1x128xi32, #tpu.memory_space<vmem>>
    %dma_start3A_32 = tpu.memref_squeeze %dma_start3A_31 : memref<1x128xi32, #tpu.memory_space<vmem>> -> memref<128xi32, #tpu.memory_space<vmem>>
    %dma_start3A_33 = tpu.memref_slice %arg2[%add3A_25] : memref<327680xi32, #tpu.memory_space<hbm>> -> memref<128xi32, #tpu.memory_space<hbm>>
    tpu.enqueue_dma source(%dma_start3A_33 : memref<128xi32, #tpu.memory_space<hbm>>) target(%dma_start3A_32 : memref<128xi32, #tpu.memory_space<vmem>>) target_semaphore(%arg18 : memref<!tpu.dma_semaphore, #tpu.memory_space<semaphore_mem>>)
    %add3A_34 = arith.constant 128 : i32
    %add3A_35 = arith.addi %mul3A_2, %add3A_34 : i32
    %dma_start3A_36 = arith.constant 1 : i32
    %dma_start3A_37 = arith.constant 0 : i32
    %dma_start3A_38 = tpu.memref_slice %arg7[%dma_start3A_36, %dma_start3A_37] : memref<2x128xi32, #tpu.memory_space<vmem>> -> memref<1x128xi32, #tpu.memory_space<vmem>>
    %dma_start3A_39 = tpu.memref_squeeze %dma_start3A_38 : memref<1x128xi32, #tpu.memory_space<vmem>> -> memref<128xi32, #tpu.memory_space<vmem>>
    %dma_start3A_40 = tpu.memref_slice %arg2[%add3A_35] : memref<327680xi32, #tpu.memory_space<hbm>> -> memref<128xi32, #tpu.memory_space<hbm>>
    %dma_start3A_41 = arith.constant 0 : i32
    %dma_start3A_42 = tpu.memref_slice %arg7[%dma_start3A_36, %dma_start3A_41] : memref<2x128xi32, #tpu.memory_space<vmem>> -> memref<1x128xi32, #tpu.memory_space<vmem>>
    %dma_start3A_43 = tpu.memref_squeeze %dma_start3A_42 : memref<1x128xi32, #tpu.memory_space<vmem>> -> memref<128xi32, #tpu.memory_space<vmem>>
    %dma_start3A_44 = tpu.memref_slice %arg2[%add3A_35] : memref<327680xi32, #tpu.memory_space<hbm>> -> memref<128xi32, #tpu.memory_space<hbm>>
    tpu.enqueue_dma source(%dma_start3A_44 : memref<128xi32, #tpu.memory_space<hbm>>) target(%dma_start3A_43 : memref<128xi32, #tpu.memory_space<vmem>>) target_semaphore(%arg19 : memref<!tpu.dma_semaphore, #tpu.memory_space<semaphore_mem>>)
    %dma_wait3A = arith.constant 0 : i32
    %dma_wait3A_45 = arith.constant 0 : i32
    %dma_wait3A_46 = tpu.memref_slice %arg7[%dma_wait3A, %dma_wait3A_45] : memref<2x128xi32, #tpu.memory_space<vmem>> -> memref<1x128xi32, #tpu.memory_space<vmem>>
    %dma_wait3A_47 = tpu.memref_squeeze %dma_wait3A_46 : memref<1x128xi32, #tpu.memory_space<vmem>> -> memref<128xi32, #tpu.memory_space<vmem>>
    %dma_wait3A_48 = tpu.memref_slice %arg2[%mul3A_2] : memref<327680xi32, #tpu.memory_space<hbm>> -> memref<128xi32, #tpu.memory_space<hbm>>
    %dma_wait3A_49 = arith.constant 0 : i32
    %dma_wait3A_50 = tpu.memref_slice %arg7[%dma_wait3A, %dma_wait3A_49] : memref<2x128xi32, #tpu.memory_space<vmem>> -> memref<1x128xi32, #tpu.memory_space<vmem>>
    %dma_wait3A_51 = tpu.memref_squeeze %dma_wait3A_50 : memref<1x128xi32, #tpu.memory_space<vmem>> -> memref<128xi32, #tpu.memory_space<vmem>>
    %dma_wait3A_52 = tpu.memref_slice %arg2[%mul3A_2] : memref<327680xi32, #tpu.memory_space<hbm>> -> memref<128xi32, #tpu.memory_space<hbm>>
    tpu.wait_dma2 semaphore(%arg18 : memref<!tpu.dma_semaphore, #tpu.memory_space<semaphore_mem>>) src(%dma_wait3A_52 : memref<128xi32, #tpu.memory_space<hbm>>) dst(%dma_wait3A_51 : memref<128xi32, #tpu.memory_space<vmem>>)
    %get3A = arith.constant 0 : i32
    %get3A_53 = arith.index_cast %get3A : i32 to index
    %get3A_54 = arith.constant 0 : index
    %get3A_55 = tpu.vector_load %arg7[%get3A_53, %get3A_54] {strides = array<i32>} : memref<2x128xi32, #tpu.memory_space<vmem>>, vector<1x16xi32>,
    %get3A_56 = vector.shape_cast %get3A_55 : vector<1x16xi32> to vector<16xi32>
    %shift_right_logical3A = arith.constant 14 : i32
    %shift_right_logical3A_57 = vector.broadcast %shift_right_logical3A : i32 to vector<16xi32>
    %shift_right_logical3A_58 = arith.shrui %get3A_56, %shift_right_logical3A_57 : vector<16xi32>
    %shift_right_logical3A_59 = arith.constant 3 : i32
    %shift_right_logical3A_60 = vector.broadcast %shift_right_logical3A_59 : i32 to vector<16xi32>
    %shift_right_logical3A_61 = arith.shrui %shift_right_logical3A_58, %shift_right_logical3A_60 : vector<16xi32>
    %shift_left3A = arith.constant 3 : i32
    %shift_left3A_62 = vector.broadcast %shift_left3A : i32 to vector<16xi32>
    %shift_left3A_63 = arith.shli %shift_right_logical3A_61, %shift_left3A_62 : vector<16xi32>
    %sub3A = arith.subi %shift_right_logical3A_58, %shift_left3A_63 : vector<16xi32>
    %shift_left3A_64 = arith.constant 14 : i32
    %shift_left3A_65 = vector.broadcast %shift_left3A_64 : i32 to vector<16xi32>
    %shift_left3A_66 = arith.shli %shift_right_logical3A_58, %shift_left3A_65 : vector<16xi32>
    %sub3A_67 = arith.subi %get3A_56, %shift_left3A_66 : vector<16xi32>
    %swap3A = arith.constant 0 : index
    %swap3A_68 = tpu.vector_load %arg8[%swap3A] {strides = array<i32>} : memref<128xi32, #tpu.memory_space<vmem>>, vector<16xi32>,
    %swap3A_69 = vector.shape_cast %swap3A_68 : vector<16xi32> to vector<16xi32>
    %swap3A_70 = vector.shape_cast %shift_right_logical3A_61 : vector<16xi32> to vector<16xi32>
    tpu.vector_store %arg8[%swap3A], %swap3A_70 {strides = array<i32>} : memref<128xi32, #tpu.memory_space<vmem>>, vector<16xi32>,
    %swap3A_71 = arith.constant 0 : index
    %swap3A_72 = tpu.vector_load %arg10[%swap3A_71] {strides = array<i32>} : memref<128xi32, #tpu.memory_space<vmem>>, vector<16xi32>,
    %swap3A_73 = vector.shape_cast %swap3A_72 : vector<16xi32> to vector<16xi32>
    %swap3A_74 = vector.shape_cast %shift_right_logical3A_58 : vector<16xi32> to vector<16xi32>
    tpu.vector_store %arg10[%swap3A_71], %swap3A_74 {strides = array<i32>} : memref<128xi32, #tpu.memory_space<vmem>>, vector<16xi32>,
    %mul3A_75 = arith.constant 10000 : i32
    %mul3A_76 = vector.broadcast %mul3A_75 : i32 to vector<16xi32>
    %mul3A_77 = arith.muli %sub3A, %mul3A_76 : vector<16xi32>
    %add3A_78 = arith.addi %mul3A_77, %sub3A_67 : vector<16xi32>
    %swap3A_79 = arith.constant 0 : index
    %swap3A_80 = tpu.vector_load %arg12[%swap3A_79] {strides = array<i32>} : memref<128xi32, #tpu.memory_space<vmem>>, vector<16xi32>,
    %swap3A_81 = vector.shape_cast %swap3A_80 : vector<16xi32> to vector<16xi32>
    %swap3A_82 = vector.shape_cast %add3A_78 : vector<16xi32> to vector<16xi32>
    tpu.vector_store %arg12[%swap3A_79], %swap3A_82 {strides = array<i32>} : memref<128xi32, #tpu.memory_space<vmem>>, vector<16xi32>,
    %get3A_83 = arith.constant 0 : i32
    %get3A_84 = arith.index_cast %get3A_83 : i32 to index
    %get3A_85 = arith.constant 16 : index
    %get3A_86 = tpu.vector_load %arg7[%get3A_84, %get3A_85] {strides = array<i32>} : memref<2x128xi32, #tpu.memory_space<vmem>>, vector<1x16xi32>,
    %get3A_87 = vector.shape_cast %get3A_86 : vector<1x16xi32> to vector<16xi32>
    %shift_right_logical3A_88 = arith.constant 14 : i32
    %shift_right_logical3A_89 = vector.broadcast %shift_right_logical3A_88 : i32 to vector<16xi32>
    %shift_right_logical3A_90 = arith.shrui %get3A_87, %shift_right_logical3A_89 : vector<16xi32>
    %shift_right_logical3A_91 = arith.constant 3 : i32
    %shift_right_logical3A_92 = vector.broadcast %shift_right_logical3A_91 : i32 to vector<16xi32>
    %shift_right_logical3A_93 = arith.shrui %shift_right_logical3A_90, %shift_right_logical3A_92 : vector<16xi32>
    %shift_left3A_94 = arith.constant 3 : i32
    %shift_left3A_95 = vector.broadcast %shift_left3A_94 : i32 to vector<16xi32>
    %shift_left3A_96 = arith.shli %shift_right_logical3A_93, %shift_left3A_95 : vector<16xi32>
    %sub3A_97 = arith.subi %shift_right_logical3A_90, %shift_left3A_96 : vector<16xi32>
    %shift_left3A_98 = arith.constant 14 : i32
    %shift_left3A_99 = vector.broadcast %shift_left3A_98 : i32 to vector<16xi32>
    %shift_left3A_100 = arith.shli %shift_right_logical3A_90, %shift_left3A_99 : vector<16xi32>
    %sub3A_101 = arith.subi %get3A_87, %shift_left3A_100 : vector<16xi32>
    %swap3A_102 = arith.constant 16 : index
    %swap3A_103 = tpu.vector_load %arg8[%swap3A_102] {strides = array<i32>} : memref<128xi32, #tpu.memory_space<vmem>>, vector<16xi32>,
    %swap3A_104 = vector.shape_cast %swap3A_103 : vector<16xi32> to vector<16xi32>
    %swap3A_105 = vector.shape_cast %shift_right_logical3A_93 : vector<16xi32> to vector<16xi32>
    tpu.vector_store %arg8[%swap3A_102], %swap3A_105 {strides = array<i32>} : memref<128xi32, #tpu.memory_space<vmem>>, vector<16xi32>,
    %swap3A_106 = arith.constant 16 : index
    %swap3A_107 = tpu.vector_load %arg10[%swap3A_106] {strides = array<i32>} : memref<128xi32, #tpu.memory_space<vmem>>, vector<16xi32>,
    %swap3A_108 = vector.shape_cast %swap3A_107 : vector<16xi32> to vector<16xi32>
    %swap3A_109 = vector.shape_cast %shift_right_logical3A_90 : vector<16xi32> to vector<16xi32>
    tpu.vector_store %arg10[%swap3A_106], %swap3A_109 {strides = array<i32>} : memref<128xi32, #tpu.memory_space<vmem>>, vector<16xi32>,
    %mul3A_110 = arith.constant 10000 : i32
    %mul3A_111 = vector.broadcast %mul3A_110 : i32 to vector<16xi32>
    %mul3A_112 = arith.muli %sub3A_97, %mul3A_111 : vector<16xi32>
    %add3A_113 = arith.addi %mul3A_112, %sub3A_101 : vector<16xi32>
    %swap3A_114 = arith.constant 16 : index
    %swap3A_115 = tpu.vector_load %arg12[%swap3A_114] {strides = array<i32>} : memref<128xi32, #tpu.memory_space<vmem>>, vector<16xi32>,
    %swap3A_116 = vector.shape_cast %swap3A_115 : vector<16xi32> to vector<16xi32>
    %swap3A_117 = vector.shape_cast %add3A_113 : vector<16xi32> to vector<16xi32>
    tpu.vector_store %arg12[%swap3A_114], %swap3A_117 {strides = array<i32>} : memref<128xi32, #tpu.memory_space<vmem>>, vector<16xi32>,
    %get3A_118 = arith.constant 0 : i32
    %get3A_119 = arith.index_cast %get3A_118 : i32 to index
    %get3A_120 = arith.constant 32 : index
    %get3A_121 = tpu.vector_load %arg7[%get3A_119, %get3A_120] {strides = array<i32>} : memref<2x128xi32, #tpu.memory_space<vmem>>, vector<1x16xi32>,
    %get3A_122 = vector.shape_cast %get3A_121 : vector<1x16xi32> to vector<16xi32>
    %shift_right_logical3A_123 = arith.constant 14 : i32
    %shift_right_logical3A_124 = vector.broadcast %shift_right_logical3A_123 : i32 to vector<16xi32>
    %shift_right_logical3A_125 = arith.shrui %get3A_122, %shift_right_logical3A_124 : vector<16xi32>
    %shift_right_logical3A_126 = arith.constant 3 : i32
    %shift_right_logical3A_127 = vector.broadcast %shift_right_logical3A_126 : i32 to vector<16xi32>
    %shift_right_logical3A_128 = arith.shrui %shift_right_logical3A_125, %shift_right_logical3A_127 : vector<16xi32>
    %shift_left3A_129 = arith.constant 3 : i32
    %shift_left3A_130 = vector.broadcast %shift_left3A_129 : i32 to vector<16xi32>
    %shift_left3A_131 = arith.shli %shift_right_logical3A_128, %shift_left3A_130 : vector<16xi32>
    %sub3A_132 = arith.subi %shift_right_logical3A_125, %shift_left3A_131 : vector<16xi32>
    %shift_left3A_133 = arith.constant 14 : i32
    %shift_left3A_134 = vector.broadcast %shift_left3A_133 : i32 to vector<16xi32>
    %shift_left3A_135 = arith.shli %shift_right_logical3A_125, %shift_left3A_134 : vector<16xi32>
    %sub3A_136 = arith.subi %get3A_122, %shift_left3A_135 : vector<16xi32>
    %swap3A_137 = arith.constant 32 : index
    %swap3A_138 = tpu.vector_load %arg8[%swap3A_137] {strides = array<i32>} : memref<128xi32, #tpu.memory_space<vmem>>, vector<16xi32>,
    %swap3A_139 = vector.shape_cast %swap3A_138 : vector<16xi32> to vector<16xi32>
    %swap3A_140 = vector.shape_cast %shift_right_logical3A_128 : vector<16xi32> to vector<16xi32>
    tpu.vector_store %arg8[%swap3A_137], %swap3A_140 {strides = array<i32>} : memref<128xi32, #tpu.memory_space<vmem>>, vector<16xi32>,
    %swap3A_141 = arith.constant 32 : index
    %swap3A_142 = tpu.vector_load %arg10[%swap3A_141] {strides = array<i32>} : memref<128xi32, #tpu.memory_space<vmem>>, vector<16xi32>,
    %swap3A_143 = vector.shape_cast %swap3A_142 : vector<16xi32> to vector<16xi32>
    %swap3A_144 = vector.shape_cast %shift_right_logical3A_125 : vector<16xi32> to vector<16xi32>
    tpu.vector_store %arg10[%swap3A_141], %swap3A_144 {strides = array<i32>} : memref<128xi32, #tpu.memory_space<vmem>>, vector<16xi32>,
    %mul3A_145 = arith.constant 10000 : i32
    %mul3A_146 = vector.broadcast %mul3A_145 : i32 to vector<16xi32>
    %mul3A_147 = arith.muli %sub3A_132, %mul3A_146 : vector<16xi32>
    %add3A_148 = arith.addi %mul3A_147, %sub3A_136 : vector<16xi32>
    %swap3A_149 = arith.constant 32 : index
    %swap3A_150 = tpu.vector_load %arg12[%swap3A_149] {strides = array<i32>} : memref<128xi32, #tpu.memory_space<vmem>>, vector<16xi32>,
    %swap3A_151 = vector.shape_cast %swap3A_150 : vector<16xi32> to vector<16xi32>
    %swap3A_152 = vector.shape_cast %add3A_148 : vector<16xi32> to vector<16xi32>
    tpu.vector_store %arg12[%swap3A_149], %swap3A_152 {strides = array<i32>} : memref<128xi32, #tpu.memory_space<vmem>>, vector<16xi32>,
    %get3A_153 = arith.constant 0 : i32
    %get3A_154 = arith.index_cast %get3A_153 : i32 to index
    %get3A_155 = arith.constant 48 : index
    %get3A_156 = tpu.vector_load %arg7[%get3A_154, %get3A_155] {strides = array<i32>} : memref<2x128xi32, #tpu.memory_space<vmem>>, vector<1x16xi32>,
    %get3A_157 = vector.shape_cast %get3A_156 : vector<1x16xi32> to vector<16xi32>
    %shift_right_logical3A_158 = arith.constant 14 : i32
    %shift_right_logical3A_159 = vector.broadcast %shift_right_logical3A_158 : i32 to vector<16xi32>
    %shift_right_logical3A_160 = arith.shrui %get3A_157, %shift_right_logical3A_159 : vector<16xi32>
    %shift_right_logical3A_161 = arith.constant 3 : i32
    %shift_right_logical3A_162 = vector.broadcast %shift_right_logical3A_161 : i32 to vector<16xi32>
    %shift_right_logical3A_163 = arith.shrui %shift_right_logical3A_160, %shift_right_logical3A_162 : vector<16xi32>
    %shift_left3A_164 = arith.constant 3 : i32
    %shift_left3A_165 = vector.broadcast %shift_left3A_164 : i32 to vector<16xi32>
    %shift_left3A_166 = arith.shli %shift_right_logical3A_163, %shift_left3A_165 : vector<16xi32>
    %sub3A_167 = arith.subi %shift_right_logical3A_160, %shift_left3A_166 : vector<16xi32>
    %shift_left3A_168 = arith.constant 14 : i32
    %shift_left3A_169 = vector.broadcast %shift_left3A_168 : i32 to vector<16xi32>
    %shift_left3A_170 = arith.shli %shift_right_logical3A_160, %shift_left3A_169 : vector<16xi32>
    %sub3A_171 = arith.subi %get3A_157, %shift_left3A_170 : vector<16xi32>
    %swap3A_172 = arith.constant 48 : index
    %swap3A_173 = tpu.vector_load %arg8[%swap3A_172] {strides = array<i32>} : memref<128xi32, #tpu.memory_space<vmem>>, vector<16xi32>,
    %swap3A_174 = vector.shape_cast %swap3A_173 : vector<16xi32> to vector<16xi32>
    %swap3A_175 = vector.shape_cast %shift_right_logical3A_163 : vector<16xi32> to vector<16xi32>
    tpu.vector_store %arg8[%swap3A_172], %swap3A_175 {strides = array<i32>} : memref<128xi32, #tpu.memory_space<vmem>>, vector<16xi32>,
    %swap3A_176 = arith.constant 48 : index
    %swap3A_177 = tpu.vector_load %arg10[%swap3A_176] {strides = array<i32>} : memref<128xi32, #tpu.memory_space<vmem>>, vector<16xi32>,
    %swap3A_178 = vector.shape_cast %swap3A_177 : vector<16xi32> to vector<16xi32>
    %swap3A_179 = vector.shape_cast %shift_right_logical3A_160 : vector<16xi32> to vector<16xi32>
    tpu.vector_store %arg10[%swap3A_176], %swap3A_179 {strides = array<i32>} : memref<128xi32, #tpu.memory_space<vmem>>, vector<16xi32>,
    %mul3A_180 = arith.constant 10000 : i32
    %mul3A_181 = vector.broadcast %mul3A_180 : i32 to vector<16xi32>
    %mul3A_182 = arith.muli %sub3A_167, %mul3A_181 : vector<16xi32>
    %add3A_183 = arith.addi %mul3A_182, %sub3A_171 : vector<16xi32>
    %swap3A_184 = arith.constant 48 : index
    %swap3A_185 = tpu.vector_load %arg12[%swap3A_184] {strides = array<i32>} : memref<128xi32, #tpu.memory_space<vmem>>, vector<16xi32>,
    %swap3A_186 = vector.shape_cast %swap3A_185 : vector<16xi32> to vector<16xi32>
    %swap3A_187 = vector.shape_cast %add3A_183 : vector<16xi32> to vector<16xi32>
    tpu.vector_store %arg12[%swap3A_184], %swap3A_187 {strides = array<i32>} : memref<128xi32, #tpu.memory_space<vmem>>, vector<16xi32>,
    %get3A_188 = arith.constant 0 : i32
    %get3A_189 = arith.index_cast %get3A_188 : i32 to index
    %get3A_190 = arith.constant 64 : index
    %get3A_191 = tpu.vector_load %arg7[%get3A_189, %get3A_190] {strides = array<i32>} : memref<2x128xi32, #tpu.memory_space<vmem>>, vector<1x16xi32>,
    %get3A_192 = vector.shape_cast %get3A_191 : vector<1x16xi32> to vector<16xi32>
    %shift_right_logical3A_193 = arith.constant 14 : i32
    %shift_right_logical3A_194 = vector.broadcast %shift_right_logical3A_193 : i32 to vector<16xi32>
    %shift_right_logical3A_195 = arith.shrui %get3A_192, %shift_right_logical3A_194 : vector<16xi32>
    %shift_right_logical3A_196 = arith.constant 3 : i32
    %shift_right_logical3A_197 = vector.broadcast %shift_right_logical3A_196 : i32 to vector<16xi32>
    %shift_right_logical3A_198 = arith.shrui %shift_right_logical3A_195, %shift_right_logical3A_197 : vector<16xi32>
    %shift_left3A_199 = arith.constant 3 : i32
    %shift_left3A_200 = vector.broadcast %shift_left3A_199 : i32 to vector<16xi32>
    %shift_left3A_201 = arith.shli %shift_right_logical3A_198, %shift_left3A_200 : vector<16xi32>
    %sub3A_202 = arith.subi %shift_right_logical3A_195, %shift_left3A_201 : vector<16xi32>
    %shift_left3A_203 = arith.constant 14 : i32
    %shift_left3A_204 = vector.broadcast %shift_left3A_203 : i32 to vector<16xi32>
    %shift_left3A_205 = arith.shli %shift_right_logical3A_195, %shift_left3A_204 : vector<16xi32>
    %sub3A_206 = arith.subi %get3A_192, %shift_left3A_205 : vector<16xi32>
    %swap3A_207 = arith.constant 64 : index
    %swap3A_208 = tpu.vector_load %arg8[%swap3A_207] {strides = array<i32>} : memref<128xi32, #tpu.memory_space<vmem>>, vector<16xi32>,
    %swap3A_209 = vector.shape_cast %swap3A_208 : vector<16xi32> to vector<16xi32>
    %swap3A_210 = vector.shape_cast %shift_right_logical3A_198 : vector<16xi32> to vector<16xi32>
    tpu.vector_store %arg8[%swap3A_207], %swap3A_210 {strides = array<i32>} : memref<128xi32, #tpu.memory_space<vmem>>, vector<16xi32>,
    %swap3A_211 = arith.constant 64 : index
    %swap3A_212 = tpu.vector_load %arg10[%swap3A_211] {strides = array<i32>} : memref<128xi32, #tpu.memory_space<vmem>>, vector<16xi32>,
    %swap3A_213 = vector.shape_cast %swap3A_212 : vector<16xi32> to vector<16xi32>
    %swap3A_214 = vector.shape_cast %shift_right_logical3A_195 : vector<16xi32> to vector<16xi32>
    tpu.vector_store %arg10[%swap3A_211], %swap3A_214 {strides = array<i32>} : memref<128xi32, #tpu.memory_space<vmem>>, vector<16xi32>,
    %mul3A_215 = arith.constant 10000 : i32
    %mul3A_216 = vector.broadcast %mul3A_215 : i32 to vector<16xi32>
    %mul3A_217 = arith.muli %sub3A_202, %mul3A_216 : vector<16xi32>
    %add3A_218 = arith.addi %mul3A_217, %sub3A_206 : vector<16xi32>
    %swap3A_219 = arith.constant 64 : index
    %swap3A_220 = tpu.vector_load %arg12[%swap3A_219] {strides = array<i32>} : memref<128xi32, #tpu.memory_space<vmem>>, vector<16xi32>,
    %swap3A_221 = vector.shape_cast %swap3A_220 : vector<16xi32> to vector<16xi32>
    %swap3A_222 = vector.shape_cast %add3A_218 : vector<16xi32> to vector<16xi32>
    tpu.vector_store %arg12[%swap3A_219], %swap3A_222 {strides = array<i32>} : memref<128xi32, #tpu.memory_space<vmem>>, vector<16xi32>,
    %get3A_223 = arith.constant 0 : i32
    %get3A_224 = arith.index_cast %get3A_223 : i32 to index
    %get3A_225 = arith.constant 80 : index
    %get3A_226 = tpu.vector_load %arg7[%get3A_224, %get3A_225] {strides = array<i32>} : memref<2x128xi32, #tpu.memory_space<vmem>>, vector<1x16xi32>,
    %get3A_227 = vector.shape_cast %get3A_226 : vector<1x16xi32> to vector<16xi32>
    %shift_right_logical3A_228 = arith.constant 14 : i32
    %shift_right_logical3A_229 = vector.broadcast %shift_right_logical3A_228 : i32 to vector<16xi32>
    %shift_right_logical3A_230 = arith.shrui %get3A_227, %shift_right_logical3A_229 : vector<16xi32>
    %shift_right_logical3A_231 = arith.constant 3 : i32
    %shift_right_logical3A_232 = vector.broadcast %shift_right_logical3A_231 : i32 to vector<16xi32>
    %shift_right_logical3A_233 = arith.shrui %shift_right_logical3A_230, %shift_right_logical3A_232 : vector<16xi32>
    %shift_left3A_234 = arith.constant 3 : i32
    %shift_left3A_235 = vector.broadcast %shift_left3A_234 : i32 to vector<16xi32>
    %shift_left3A_236 = arith.shli %shift_right_logical3A_233, %shift_left3A_235 : vector<16xi32>
    %sub3A_237 = arith.subi %shift_right_logical3A_230, %shift_left3A_236 : vector<16xi32>
    %shift_left3A_238 = arith.constant 14 : i32
    %shift_left3A_239 = vector.broadcast %shift_left3A_238 : i32 to vector<16xi32>
    %shift_left3A_240 = arith.shli %shift_right_logical3A_230, %shift_left3A_239 : vector<16xi32>
    %sub3A_241 = arith.subi %get3A_227, %shift_left3A_240 : vector<16xi32>
    %swap3A_242 = arith.constant 80 : index
    %swap3A_243 = tpu.vector_load %arg8[%swap3A_242] {strides = array<i32>} : memref<128xi32, #tpu.memory_space<vmem>>, vector<16xi32>,
    %swap3A_244 = vector.shape_cast %swap3A_243 : vector<16xi32> to vector<16xi32>
    %swap3A_245 = vector.shape_cast %shift_right_logical3A_233 : vector<16xi32> to vector<16xi32>
    tpu.vector_store %arg8[%swap3A_242], %swap3A_245 {strides = array<i32>} : memref<128xi32, #tpu.memory_space<vmem>>, vector<16xi32>,
    %swap3A_246 = arith.constant 80 : index
    %swap3A_247 = tpu.vector_load %arg10[%swap3A_246] {strides = array<i32>} : memref<128xi32, #tpu.memory_space<vmem>>, vector<16xi32>,
    %swap3A_248 = vector.shape_cast %swap3A_247 : vector<16xi32> to vector<16xi32>
    %swap3A_249 = vector.shape_cast %shift_right_logical3A_230 : vector<16xi32> to vector<16xi32>
    tpu.vector_store %arg10[%swap3A_246], %swap3A_249 {strides = array<i32>} : memref<128xi32, #tpu.memory_space<vmem>>, vector<16xi32>,
    %mul3A_250 = arith.constant 10000 : i32
    %mul3A_251 = vector.broadcast %mul3A_250 : i32 to vector<16xi32>
    %mul3A_252 = arith.muli %sub3A_237, %mul3A_251 : vector<16xi32>
    %add3A_253 = arith.addi %mul3A_252, %sub3A_241 : vector<16xi32>
    %swap3A_254 = arith.constant 80 : index
    %swap3A_255 = tpu.vector_load %arg12[%swap3A_254] {strides = array<i32>} : memref<128xi32, #tpu.memory_space<vmem>>, vector<16xi32>,
    %swap3A_256 = vector.shape_cast %swap3A_255 : vector<16xi32> to vector<16xi32>
    %swap3A_257 = vector.shape_cast %add3A_253 : vector<16xi32> to vector<16xi32>
    tpu.vector_store %arg12[%swap3A_254], %swap3A_257 {strides = array<i32>} : memref<128xi32, #tpu.memory_space<vmem>>, vector<16xi32>,
    %get3A_258 = arith.constant 0 : i32
    %get3A_259 = arith.index_cast %get3A_258 : i32 to index
    %get3A_260 = arith.constant 96 : index
    %get3A_261 = tpu.vector_load %arg7[%get3A_259, %get3A_260] {strides = array<i32>} : memref<2x128xi32, #tpu.memory_space<vmem>>, vector<1x16xi32>,
    %get3A_262 = vector.shape_cast %get3A_261 : vector<1x16xi32> to vector<16xi32>
    %shift_right_logical3A_263 = arith.constant 14 : i32
    %shift_right_logical3A_264 = vector.broadcast %shift_right_logical3A_263 : i32 to vector<16xi32>
    %shift_right_logical3A_265 = arith.shrui %get3A_262, %shift_right_logical3A_264 : vector<16xi32>
    %shift_right_logical3A_266 = arith.constant 3 : i32
    %shift_right_logical3A_267 = vector.broadcast %shift_right_logical3A_266 : i32 to vector<16xi32>
    %shift_right_logical3A_268 = arith.shrui %shift_right_logical3A_265, %shift_right_logical3A_267 : vector<16xi32>
    %shift_left3A_269 = arith.constant 3 : i32
    %shift_left3A_270 = vector.broadcast %shift_left3A_269 : i32 to vector<16xi32>
    %shift_left3A_271 = arith.shli %shift_right_logical3A_268, %shift_left3A_270 : vector<16xi32>
    %sub3A_272 = arith.subi %shift_right_logical3A_265, %shift_left3A_271 : vector<16xi32>
    %shift_left3A_273 = arith.constant 14 : i32
    %shift_left3A_274 = vector.broadcast %shift_left3A_273 : i32 to vector<16xi32>
    %shift_left3A_275 = arith.shli %shift_right_logical3A_265, %shift_left3A_274 : vector<16xi32>
    %sub3A_276 = arith.subi %get3A_262, %shift_left3A_275 : vector<16xi32>
    %swap3A_277 = arith.constant 96 : index
    %swap3A_278 = tpu.vector_load %arg8[%swap3A_277] {strides = array<i32>} : memref<128xi32, #tpu.memory_space<vmem>>, vector<16xi32>,
    %swap3A_279 = vector.shape_cast %swap3A_278 : vector<16xi32> to vector<16xi32>
    %swap3A_280 = vector.shape_cast %shift_right_logical3A_268 : vector<16xi32> to vector<16xi32>
    tpu.vector_store %arg8[%swap3A_277], %swap3A_280 {strides = array<i32>} : memref<128xi32, #tpu.memory_space<vmem>>, vector<16xi32>,
    %swap3A_281 = arith.constant 96 : index
    %swap3A_282 = tpu.vector_load %arg10[%swap3A_281] {strides = array<i32>} : memref<128xi32, #tpu.memory_space<vmem>>, vector<16xi32>,
    %swap3A_283 = vector.shape_cast %swap3A_282 : vector<16xi32> to vector<16xi32>
    %swap3A_284 = vector.shape_cast %shift_right_logical3A_265 : vector<16xi32> to vector<16xi32>
    tpu.vector_store %arg10[%swap3A_281], %swap3A_284 {strides = array<i32>} : memref<128xi32, #tpu.memory_space<vmem>>, vector<16xi32>,
    %mul3A_285 = arith.constant 10000 : i32
    %mul3A_286 = vector.broadcast %mul3A_285 : i32 to vector<16xi32>
    %mul3A_287 = arith.muli %sub3A_272, %mul3A_286 : vector<16xi32>
    %add3A_288 = arith.addi %mul3A_287, %sub3A_276 : vector<16xi32>
    %swap3A_289 = arith.constant 96 : index
    %swap3A_290 = tpu.vector_load %arg12[%swap3A_289] {strides = array<i32>} : memref<128xi32, #tpu.memory_space<vmem>>, vector<16xi32>,
    %swap3A_291 = vector.shape_cast %swap3A_290 : vector<16xi32> to vector<16xi32>
    %swap3A_292 = vector.shape_cast %add3A_288 : vector<16xi32> to vector<16xi32>
    tpu.vector_store %arg12[%swap3A_289], %swap3A_292 {strides = array<i32>} : memref<128xi32, #tpu.memory_space<vmem>>, vector<16xi32>,
    %get3A_293 = arith.constant 0 : i32
    %get3A_294 = arith.index_cast %get3A_293 : i32 to index
    %get3A_295 = arith.constant 112 : index
    %get3A_296 = tpu.vector_load %arg7[%get3A_294, %get3A_295] {strides = array<i32>} : memref<2x128xi32, #tpu.memory_space<vmem>>, vector<1x16xi32>,
    %get3A_297 = vector.shape_cast %get3A_296 : vector<1x16xi32> to vector<16xi32>
    %shift_right_logical3A_298 = arith.constant 14 : i32
    %shift_right_logical3A_299 = vector.broadcast %shift_right_logical3A_298 : i32 to vector<16xi32>
    %shift_right_logical3A_300 = arith.shrui %get3A_297, %shift_right_logical3A_299 : vector<16xi32>
    %shift_right_logical3A_301 = arith.constant 3 : i32
    %shift_right_logical3A_302 = vector.broadcast %shift_right_logical3A_301 : i32 to vector<16xi32>
    %shift_right_logical3A_303 = arith.shrui %shift_right_logical3A_300, %shift_right_logical3A_302 : vector<16xi32>
    %shift_left3A_304 = arith.constant 3 : i32
    %shift_left3A_305 = vector.broadcast %shift_left3A_304 : i32 to vector<16xi32>
    %shift_left3A_306 = arith.shli %shift_right_logical3A_303, %shift_left3A_305 : vector<16xi32>
    %sub3A_307 = arith.subi %shift_right_logical3A_300, %shift_left3A_306 : vector<16xi32>
    %shift_left3A_308 = arith.constant 14 : i32
    %shift_left3A_309 = vector.broadcast %shift_left3A_308 : i32 to vector<16xi32>
    %shift_left3A_310 = arith.shli %shift_right_logical3A_300, %shift_left3A_309 : vector<16xi32>
    %sub3A_311 = arith.subi %get3A_297, %shift_left3A_310 : vector<16xi32>
    %swap3A_312 = arith.constant 112 : index
    %swap3A_313 = tpu.vector_load %arg8[%swap3A_312] {strides = array<i32>} : memref<128xi32, #tpu.memory_space<vmem>>, vector<16xi32>,
    %swap3A_314 = vector.shape_cast %swap3A_313 : vector<16xi32> to vector<16xi32>
    %swap3A_315 = vector.shape_cast %shift_right_logical3A_303 : vector<16xi32> to vector<16xi32>
    tpu.vector_store %arg8[%swap3A_312], %swap3A_315 {strides = array<i32>} : memref<128xi32, #tpu.memory_space<vmem>>, vector<16xi32>,
    %swap3A_316 = arith.constant 112 : index
    %swap3A_317 = tpu.vector_load %arg10[%swap3A_316] {strides = array<i32>} : memref<128xi32, #tpu.memory_space<vmem>>, vector<16xi32>,
    %swap3A_318 = vector.shape_cast %swap3A_317 : vector<16xi32> to vector<16xi32>
    %swap3A_319 = vector.shape_cast %shift_right_logical3A_300 : vector<16xi32> to vector<16xi32>
    tpu.vector_store %arg10[%swap3A_316], %swap3A_319 {strides = array<i32>} : memref<128xi32, #tpu.memory_space<vmem>>, vector<16xi32>,
    %mul3A_320 = arith.constant 10000 : i32
    %mul3A_321 = vector.broadcast %mul3A_320 : i32 to vector<16xi32>
    %mul3A_322 = arith.muli %sub3A_307, %mul3A_321 : vector<16xi32>
    %add3A_323 = arith.addi %mul3A_322, %sub3A_311 : vector<16xi32>
    %swap3A_324 = arith.constant 112 : index
    %swap3A_325 = tpu.vector_load %arg12[%swap3A_324] {strides = array<i32>} : memref<128xi32, #tpu.memory_space<vmem>>, vector<16xi32>,
    %swap3A_326 = vector.shape_cast %swap3A_325 : vector<16xi32> to vector<16xi32>
    %swap3A_327 = vector.shape_cast %add3A_323 : vector<16xi32> to vector<16xi32>
    tpu.vector_store %arg12[%swap3A_324], %swap3A_327 {strides = array<i32>} : memref<128xi32, #tpu.memory_space<vmem>>, vector<16xi32>,
    %dma_start3A_328 = arith.constant 0 : i32
    %dma_start3A_329 = arith.constant 0 : i32
    %dma_start3A_330 = arith.constant 0 : i32
    %dma_start3A_331 = tpu.memref_slice %arg16[%dma_start3A_328, %dma_start3A_329, %dma_start3A_330] : memref<2x128x128xf32, #tpu.memory_space<vmem>> -> memref<1x64x128xf32, #tpu.memory_space<vmem>>
    %dma_start3A_332 = tpu.memref_squeeze %dma_start3A_331 : memref<1x64x128xf32, #tpu.memory_space<vmem>> -> memref<64x128xf32, #tpu.memory_space<vmem>>
    %dma_start3A_333 = arith.constant 0 : i32
    %dma_start3A_334 = tpu.memref_slice %arg12[%dma_start3A_333] : memref<128xi32, #tpu.memory_space<vmem>> -> memref<64xi32, #tpu.memory_space<vmem>>
    %dma_start3A_335 = arith.constant 0 : i32
    %dma_start3A_336 = arith.constant 0 : i32
    %dma_start3A_337 = tpu.memref_slice %arg3[%dma_start3A_335, %dma_start3A_336] : memref<80000x128xf32, #tpu.memory_space<hbm>> -> memref<80000x128xf32, #tpu.memory_space<hbm>>
    tpu.enqueue_indirect_dma source(%dma_start3A_337 : memref<80000x128xf32, #tpu.memory_space<hbm>>) target(%dma_start3A_332 : memref<64x128xf32, #tpu.memory_space<vmem>>) offsets(%dma_start3A_334 : memref<64xi32, #tpu.memory_space<vmem>>) semaphore(%arg20 : memref<!tpu.dma_semaphore, #tpu.memory_space<semaphore_mem>>)
    %dma_start3A_338 = arith.constant 0 : i32
    %dma_start3A_339 = arith.constant 64 : i32
    %dma_start3A_340 = arith.constant 0 : i32
    %dma_start3A_341 = tpu.memref_slice %arg16[%dma_start3A_338, %dma_start3A_339, %dma_start3A_340] : memref<2x128x128xf32, #tpu.memory_space<vmem>> -> memref<1x64x128xf32, #tpu.memory_space<vmem>>
    %dma_start3A_342 = tpu.memref_squeeze %dma_start3A_341 : memref<1x64x128xf32, #tpu.memory_space<vmem>> -> memref<64x128xf32, #tpu.memory_space<vmem>>
    %dma_start3A_343 = arith.constant 64 : i32
    %dma_start3A_344 = tpu.memref_slice %arg12[%dma_start3A_343] : memref<128xi32, #tpu.memory_space<vmem>> -> memref<64xi32, #tpu.memory_space<vmem>>
    %dma_start3A_345 = arith.constant 0 : i32
    %dma_start3A_346 = arith.constant 0 : i32
    %dma_start3A_347 = tpu.memref_slice %arg3[%dma_start3A_345, %dma_start3A_346] : memref<80000x128xf32, #tpu.memory_space<hbm>> -> memref<80000x128xf32, #tpu.memory_space<hbm>>
    tpu.enqueue_indirect_dma source(%dma_start3A_347 : memref<80000x128xf32, #tpu.memory_space<hbm>>) target(%dma_start3A_342 : memref<64x128xf32, #tpu.memory_space<vmem>>) offsets(%dma_start3A_344 : memref<64xi32, #tpu.memory_space<vmem>>) semaphore(%arg20 : memref<!tpu.dma_semaphore, #tpu.memory_space<semaphore_mem>>)
    %dma_start3A_348 = arith.constant 0 : i32
    %dma_start3A_349 = tpu.memref_slice %arg14[%dma_start3A_348] : memref<144xf32, #tpu.memory_space<vmem>> -> memref<128xf32, #tpu.memory_space<vmem>>
    %dma_start3A_350 = arith.constant 0 : i32
    %dma_start3A_351 = tpu.memref_slice %arg4[%dma_start3A_350] : memref<80128xf32, #tpu.memory_space<hbm>> -> memref<80128xf32, #tpu.memory_space<hbm>>
    tpu.enqueue_indirect_dma source(%dma_start3A_351 : memref<80128xf32, #tpu.memory_space<hbm>>) target(%dma_start3A_349 : memref<128xf32, #tpu.memory_space<vmem>>) offsets(%arg10 : memref<128xi32, #tpu.memory_space<vmem>>) semaphore(%arg22 : memref<!tpu.dma_semaphore, #tpu.memory_space<semaphore_mem>>)
    %scan3A_352 = arith.constant 0 : i32
    %scan3A_353 = arith.constant 80 : i32
    %scan3A_354 = arith.addi %scan3A_352, %scan3A_353 : i32
    %scan3A_355 = arith.constant 1 : i32
    scf.for %scan3A_381 = %scan3A_352 to %scan3A_354 step %scan3A_355  : i32 {
      %jit3A = arith.constant 2 : i32
      %eq3A_382 = arith.constant 0 : i32
      %eq3A_383 = arith.cmpi eq, %jit3A, %eq3A_382 : i32
      %jit3A_384 = arith.constant 1 : i32
      %select_n3A = arith.select %eq3A_383, %jit3A_384, %jit3A : i32
      %rem3A = arith.remsi %scan3A_381, %select_n3A : i32
      %ne3A = arith.constant 0 : i32
      %ne3A_385 = arith.cmpi ne, %rem3A, %ne3A : i32
      %lt3A = arith.constant 0 : i32
      %lt3A_386 = arith.cmpi slt, %rem3A, %lt3A : i32
      %lt3A_387 = arith.constant 0 : i32
      %lt3A_388 = arith.cmpi slt, %select_n3A, %lt3A_387 : i32
      %ne3A_389 = arith.xori %lt3A_386, %lt3A_388 : i1
      %and3A = arith.andi %ne3A_389, %ne3A_385 : i1
      %add3A_390 = arith.addi %rem3A, %select_n3A : i32
      %select_n3A_391 = arith.select %and3A, %add3A_390, %rem3A : i32
      %eq3A_392 = arith.constant 0 : i32
      %eq3A_393 = arith.cmpi eq, %select_n3A_391, %eq3A_392 : i32
      %convert_element_type3A_394 = arith.extui %eq3A_393 : i1 to i32
      %cond3A_395 = arith.constant 0 : i32
      %cond3A_396 = arith.cmpi ne, %convert_element_type3A_394, %cond3A_395 : i32
      scf.if %cond3A_396 {
        %add3A_402 = arith.constant 2 : i32
        %add3A_403 = arith.addi %scan3A_381, %add3A_402 : i32
        %lt3A_404 = arith.constant 80 : i32
        %lt3A_405 = arith.cmpi slt, %add3A_403, %lt3A_404 : i32
        %convert_element_type3A_406 = arith.extui %lt3A_405 : i1 to i32
        %cond3A_407 = arith.constant 0 : i32
        %cond3A_408 = arith.cmpi ne, %convert_element_type3A_406, %cond3A_407 : i32
        scf.if %cond3A_408 {
          %add3A_453 = arith.constant 2 : i32
          %add3A_454 = arith.addi %scan3A_381, %add3A_453 : i32
          %mul3A_455 = arith.constant 128 : i32
          %mul3A_456 = arith.muli %add3A_454, %mul3A_455 : i32
          %add3A_457 = arith.addi %mul3A_2, %mul3A_456 : i32
          %dma_start3A_458 = arith.constant 0 : i32
          %dma_start3A_459 = arith.constant 0 : i32
          %dma_start3A_460 = tpu.memref_slice %arg7[%dma_start3A_458, %dma_start3A_459] : memref<2x128xi32, #tpu.memory_space<vmem>> -> memref<1x128xi32, #tpu.memory_space<vmem>>
          %dma_start3A_461 = tpu.memref_squeeze %dma_start3A_460 : memref<1x128xi32, #tpu.memory_space<vmem>> -> memref<128xi32, #tpu.memory_space<vmem>>
          %dma_start3A_462 = tpu.memref_slice %arg2[%add3A_457] : memref<327680xi32, #tpu.memory_space<hbm>> -> memref<128xi32, #tpu.memory_space<hbm>>
          %dma_start3A_463 = arith.constant 0 : i32
          %dma_start3A_464 = tpu.memref_slice %arg7[%dma_start3A_458, %dma_start3A_463] : memref<2x128xi32, #tpu.memory_space<vmem>> -> memref<1x128xi32, #tpu.memory_space<vmem>>
          %dma_start3A_465 = tpu.memref_squeeze %dma_start3A_464 : memref<1x128xi32, #tpu.memory_space<vmem>> -> memref<128xi32, #tpu.memory_space<vmem>>
          %dma_start3A_466 = tpu.memref_slice %arg2[%add3A_457] : memref<327680xi32, #tpu.memory_space<hbm>> -> memref<128xi32, #tpu.memory_space<hbm>>
          tpu.enqueue_dma source(%dma_start3A_466 : memref<128xi32, #tpu.memory_space<hbm>>) target(%dma_start3A_465 : memref<128xi32, #tpu.memory_space<vmem>>) target_semaphore(%arg18 : memref<!tpu.dma_semaphore, #tpu.memory_space<semaphore_mem>>)
        } else {
        }
        %add3A_409 = arith.constant 1 : i32
        %add3A_410 = arith.addi %scan3A_381, %add3A_409 : i32
        %lt3A_411 = arith.constant 80 : i32
        %lt3A_412 = arith.cmpi slt, %add3A_410, %lt3A_411 : i32
        %convert_element_type3A_413 = arith.extui %lt3A_412 : i1 to i32
        %cond3A_414 = arith.constant 0 : i32
        %cond3A_415 = arith.cmpi ne, %convert_element_type3A_413, %cond3A_414 : i32
        scf.if %cond3A_415 {
          %ge3A = arith.constant 1 : i32
          %ge3A_453 = arith.cmpi sge, %scan3A_381, %ge3A : i32
          %convert_element_type3A_454 = arith.extui %ge3A_453 : i1 to i32
          %cond3A_455 = arith.constant 0 : i32
          %cond3A_456 = arith.cmpi ne, %convert_element_type3A_454, %cond3A_455 : i32
          scf.if %cond3A_456 {
            %dma_wait3A_770 = arith.constant 1 : i32
            %dma_wait3A_771 = arith.constant 0 : i32
            %dma_wait3A_772 = arith.constant 0 : i32
            %dma_wait3A_773 = tpu.memref_slice %arg16[%dma_wait3A_770, %dma_wait3A_771, %dma_wait3A_772] : memref<2x128x128xf32, #tpu.memory_space<vmem>> -> memref<1x128x128xf32, #tpu.memory_space<vmem>>
            %dma_wait3A_774 = tpu.memref_squeeze %dma_wait3A_773 : memref<1x128x128xf32, #tpu.memory_space<vmem>> -> memref<128x128xf32, #tpu.memory_space<vmem>>
            %dma_wait3A_775 = arith.constant 0 : i32
            %dma_wait3A_776 = arith.constant 0 : i32
            %dma_wait3A_777 = tpu.memref_slice %arg17[%dma_wait3A_775, %dma_wait3A_776] : memref<10112x128xf32, #tpu.memory_space<vmem_shared>> -> memref<10112x128xf32, #tpu.memory_space<vmem_shared>>
            tpu.wait_indirect_dma semaphore(%arg25 : memref<!tpu.dma_semaphore, #tpu.memory_space<semaphore_mem>>) src(%dma_wait3A_774 : memref<128x128xf32, #tpu.memory_space<vmem>>) dst(%dma_wait3A_777 : memref<10112x128xf32, #tpu.memory_space<vmem_shared>>)
          } else {
          }
          %dma_wait3A_457 = arith.constant 1 : i32
          %dma_wait3A_458 = arith.constant 0 : i32
          %dma_wait3A_459 = tpu.memref_slice %arg7[%dma_wait3A_457, %dma_wait3A_458] : memref<2x128xi32, #tpu.memory_space<vmem>> -> memref<1x128xi32, #tpu.memory_space<vmem>>
          %dma_wait3A_460 = tpu.memref_squeeze %dma_wait3A_459 : memref<1x128xi32, #tpu.memory_space<vmem>> -> memref<128xi32, #tpu.memory_space<vmem>>
          %dma_wait3A_461 = tpu.memref_slice %arg2[%mul3A_2] : memref<327680xi32, #tpu.memory_space<hbm>> -> memref<128xi32, #tpu.memory_space<hbm>>
          %dma_wait3A_462 = arith.constant 0 : i32
          %dma_wait3A_463 = tpu.memref_slice %arg7[%dma_wait3A_457, %dma_wait3A_462] : memref<2x128xi32, #tpu.memory_space<vmem>> -> memref<1x128xi32, #tpu.memory_space<vmem>>
          %dma_wait3A_464 = tpu.memref_squeeze %dma_wait3A_463 : memref<1x128xi32, #tpu.memory_space<vmem>> -> memref<128xi32, #tpu.memory_space<vmem>>
          %dma_wait3A_465 = tpu.memref_slice %arg2[%mul3A_2] : memref<327680xi32, #tpu.memory_space<hbm>> -> memref<128xi32, #tpu.memory_space<hbm>>
          tpu.wait_dma2 semaphore(%arg19 : memref<!tpu.dma_semaphore, #tpu.memory_space<semaphore_mem>>) src(%dma_wait3A_465 : memref<128xi32, #tpu.memory_space<hbm>>) dst(%dma_wait3A_464 : memref<128xi32, #tpu.memory_space<vmem>>)
          %get3A_466 = arith.constant 1 : i32
          %get3A_467 = arith.index_cast %get3A_466 : i32 to index
          %get3A_468 = arith.constant 0 : index
          %get3A_469 = tpu.vector_load %arg7[%get3A_467, %get3A_468] {strides = array<i32>} : memref<2x128xi32, #tpu.memory_space<vmem>>, vector<1x16xi32>,
          %get3A_470 = vector.shape_cast %get3A_469 : vector<1x16xi32> to vector<16xi32>
          %shift_right_logical3A_471 = arith.constant 14 : i32
          %shift_right_logical3A_472 = vector.broadcast %shift_right_logical3A_471 : i32 to vector<16xi32>
          %shift_right_logical3A_473 = arith.shrui %get3A_470, %shift_right_logical3A_472 : vector<16xi32>
          %shift_right_logical3A_474 = arith.constant 3 : i32
          %shift_right_logical3A_475 = vector.broadcast %shift_right_logical3A_474 : i32 to vector<16xi32>
          %shift_right_logical3A_476 = arith.shrui %shift_right_logical3A_473, %shift_right_logical3A_475 : vector<16xi32>
          %shift_left3A_477 = arith.constant 3 : i32
          %shift_left3A_478 = vector.broadcast %shift_left3A_477 : i32 to vector<16xi32>
          %shift_left3A_479 = arith.shli %shift_right_logical3A_476, %shift_left3A_478 : vector<16xi32>
          %sub3A_480 = arith.subi %shift_right_logical3A_473, %shift_left3A_479 : vector<16xi32>
          %shift_left3A_481 = arith.constant 14 : i32
          %shift_left3A_482 = vector.broadcast %shift_left3A_481 : i32 to vector<16xi32>
          %shift_left3A_483 = arith.shli %shift_right_logical3A_473, %shift_left3A_482 : vector<16xi32>
          %sub3A_484 = arith.subi %get3A_470, %shift_left3A_483 : vector<16xi32>
          %swap3A_485 = arith.constant 0 : index
          %swap3A_486 = tpu.vector_load %arg9[%swap3A_485] {strides = array<i32>} : memref<128xi32, #tpu.memory_space<vmem>>, vector<16xi32>,
          %swap3A_487 = vector.shape_cast %swap3A_486 : vector<16xi32> to vector<16xi32>
          %swap3A_488 = vector.shape_cast %shift_right_logical3A_476 : vector<16xi32> to vector<16xi32>
          tpu.vector_store %arg9[%swap3A_485], %swap3A_488 {strides = array<i32>} : memref<128xi32, #tpu.memory_space<vmem>>, vector<16xi32>,
          %swap3A_489 = arith.constant 0 : index
          %swap3A_490 = tpu.vector_load %arg11[%swap3A_489] {strides = array<i32>} : memref<128xi32, #tpu.memory_space<vmem>>, vector<16xi32>,
          %swap3A_491 = vector.shape_cast %swap3A_490 : vector<16xi32> to vector<16xi32>
          %swap3A_492 = vector.shape_cast %shift_right_logical3A_473 : vector<16xi32> to vector<16xi32>
          tpu.vector_store %arg11[%swap3A_489], %swap3A_492 {strides = array<i32>} : memref<128xi32, #tpu.memory_space<vmem>>, vector<16xi32>,
          %mul3A_493 = arith.constant 10000 : i32
          %mul3A_494 = vector.broadcast %mul3A_493 : i32 to vector<16xi32>
          %mul3A_495 = arith.muli %sub3A_480, %mul3A_494 : vector<16xi32>
          %add3A_496 = arith.addi %mul3A_495, %sub3A_484 : vector<16xi32>
          %swap3A_497 = arith.constant 0 : index
          %swap3A_498 = tpu.vector_load %arg13[%swap3A_497] {strides = array<i32>} : memref<128xi32, #tpu.memory_space<vmem>>, vector<16xi32>,
          %swap3A_499 = vector.shape_cast %swap3A_498 : vector<16xi32> to vector<16xi32>
          %swap3A_500 = vector.shape_cast %add3A_496 : vector<16xi32> to vector<16xi32>
          tpu.vector_store %arg13[%swap3A_497], %swap3A_500 {strides = array<i32>} : memref<128xi32, #tpu.memory_space<vmem>>, vector<16xi32>,
          %get3A_501 = arith.constant 1 : i32
          %get3A_502 = arith.index_cast %get3A_501 : i32 to index
          %get3A_503 = arith.constant 16 : index
          %get3A_504 = tpu.vector_load %arg7[%get3A_502, %get3A_503] {strides = array<i32>} : memref<2x128xi32, #tpu.memory_space<vmem>>, vector<1x16xi32>,
          %get3A_505 = vector.shape_cast %get3A_504 : vector<1x16xi32> to vector<16xi32>
          %shift_right_logical3A_506 = arith.constant 14 : i32
          %shift_right_logical3A_507 = vector.broadcast %shift_right_logical3A_506 : i32 to vector<16xi32>
          %shift_right_logical3A_508 = arith.shrui %get3A_505, %shift_right_logical3A_507 : vector<16xi32>
          %shift_right_logical3A_509 = arith.constant 3 : i32
          %shift_right_logical3A_510 = vector.broadcast %shift_right_logical3A_509 : i32 to vector<16xi32>
          %shift_right_logical3A_511 = arith.shrui %shift_right_logical3A_508, %shift_right_logical3A_510 : vector<16xi32>
          %shift_left3A_512 = arith.constant 3 : i32
          %shift_left3A_513 = vector.broadcast %shift_left3A_512 : i32 to vector<16xi32>
          %shift_left3A_514 = arith.shli %shift_right_logical3A_511, %shift_left3A_513 : vector<16xi32>
          %sub3A_515 = arith.subi %shift_right_logical3A_508, %shift_left3A_514 : vector<16xi32>
          %shift_left3A_516 = arith.constant 14 : i32
          %shift_left3A_517 = vector.broadcast %shift_left3A_516 : i32 to vector<16xi32>
          %shift_left3A_518 = arith.shli %shift_right_logical3A_508, %shift_left3A_517 : vector<16xi32>
          %sub3A_519 = arith.subi %get3A_505, %shift_left3A_518 : vector<16xi32>
          %swap3A_520 = arith.constant 16 : index
          %swap3A_521 = tpu.vector_load %arg9[%swap3A_520] {strides = array<i32>} : memref<128xi32, #tpu.memory_space<vmem>>, vector<16xi32>,
          %swap3A_522 = vector.shape_cast %swap3A_521 : vector<16xi32> to vector<16xi32>
          %swap3A_523 = vector.shape_cast %shift_right_logical3A_511 : vector<16xi32> to vector<16xi32>
          tpu.vector_store %arg9[%swap3A_520], %swap3A_523 {strides = array<i32>} : memref<128xi32, #tpu.memory_space<vmem>>, vector<16xi32>,
          %swap3A_524 = arith.constant 16 : index
          %swap3A_525 = tpu.vector_load %arg11[%swap3A_524] {strides = array<i32>} : memref<128xi32, #tpu.memory_space<vmem>>, vector<16xi32>,
          %swap3A_526 = vector.shape_cast %swap3A_525 : vector<16xi32> to vector<16xi32>
          %swap3A_527 = vector.shape_cast %shift_right_logical3A_508 : vector<16xi32> to vector<16xi32>
          tpu.vector_store %arg11[%swap3A_524], %swap3A_527 {strides = array<i32>} : memref<128xi32, #tpu.memory_space<vmem>>, vector<16xi32>,
          %mul3A_528 = arith.constant 10000 : i32
          %mul3A_529 = vector.broadcast %mul3A_528 : i32 to vector<16xi32>
          %mul3A_530 = arith.muli %sub3A_515, %mul3A_529 : vector<16xi32>
          %add3A_531 = arith.addi %mul3A_530, %sub3A_519 : vector<16xi32>
          %swap3A_532 = arith.constant 16 : index
          %swap3A_533 = tpu.vector_load %arg13[%swap3A_532] {strides = array<i32>} : memref<128xi32, #tpu.memory_space<vmem>>, vector<16xi32>,
          %swap3A_534 = vector.shape_cast %swap3A_533 : vector<16xi32> to vector<16xi32>
          %swap3A_535 = vector.shape_cast %add3A_531 : vector<16xi32> to vector<16xi32>
          tpu.vector_store %arg13[%swap3A_532], %swap3A_535 {strides = array<i32>} : memref<128xi32, #tpu.memory_space<vmem>>, vector<16xi32>,
          %get3A_536 = arith.constant 1 : i32
          %get3A_537 = arith.index_cast %get3A_536 : i32 to index
          %get3A_538 = arith.constant 32 : index
          %get3A_539 = tpu.vector_load %arg7[%get3A_537, %get3A_538] {strides = array<i32>} : memref<2x128xi32, #tpu.memory_space<vmem>>, vector<1x16xi32>,
          %get3A_540 = vector.shape_cast %get3A_539 : vector<1x16xi32> to vector<16xi32>
          %shift_right_logical3A_541 = arith.constant 14 : i32
          %shift_right_logical3A_542 = vector.broadcast %shift_right_logical3A_541 : i32 to vector<16xi32>
          %shift_right_logical3A_543 = arith.shrui %get3A_540, %shift_right_logical3A_542 : vector<16xi32>
          %shift_right_logical3A_544 = arith.constant 3 : i32
          %shift_right_logical3A_545 = vector.broadcast %shift_right_logical3A_544 : i32 to vector<16xi32>
          %shift_right_logical3A_546 = arith.shrui %shift_right_logical3A_543, %shift_right_logical3A_545 : vector<16xi32>
          %shift_left3A_547 = arith.constant 3 : i32
          %shift_left3A_548 = vector.broadcast %shift_left3A_547 : i32 to vector<16xi32>
          %shift_left3A_549 = arith.shli %shift_right_logical3A_546, %shift_left3A_548 : vector<16xi32>
          %sub3A_550 = arith.subi %shift_right_logical3A_543, %shift_left3A_549 : vector<16xi32>
          %shift_left3A_551 = arith.constant 14 : i32
          %shift_left3A_552 = vector.broadcast %shift_left3A_551 : i32 to vector<16xi32>
          %shift_left3A_553 = arith.shli %shift_right_logical3A_543, %shift_left3A_552 : vector<16xi32>
          %sub3A_554 = arith.subi %get3A_540, %shift_left3A_553 : vector<16xi32>
          %swap3A_555 = arith.constant 32 : index
          %swap3A_556 = tpu.vector_load %arg9[%swap3A_555] {strides = array<i32>} : memref<128xi32, #tpu.memory_space<vmem>>, vector<16xi32>,
          %swap3A_557 = vector.shape_cast %swap3A_556 : vector<16xi32> to vector<16xi32>
          %swap3A_558 = vector.shape_cast %shift_right_logical3A_546 : vector<16xi32> to vector<16xi32>
          tpu.vector_store %arg9[%swap3A_555], %swap3A_558 {strides = array<i32>} : memref<128xi32, #tpu.memory_space<vmem>>, vector<16xi32>,
          %swap3A_559 = arith.constant 32 : index
          %swap3A_560 = tpu.vector_load %arg11[%swap3A_559] {strides = array<i32>} : memref<128xi32, #tpu.memory_space<vmem>>, vector<16xi32>,
          %swap3A_561 = vector.shape_cast %swap3A_560 : vector<16xi32> to vector<16xi32>
          %swap3A_562 = vector.shape_cast %shift_right_logical3A_543 : vector<16xi32> to vector<16xi32>
          tpu.vector_store %arg11[%swap3A_559], %swap3A_562 {strides = array<i32>} : memref<128xi32, #tpu.memory_space<vmem>>, vector<16xi32>,
          %mul3A_563 = arith.constant 10000 : i32
          %mul3A_564 = vector.broadcast %mul3A_563 : i32 to vector<16xi32>
          %mul3A_565 = arith.muli %sub3A_550, %mul3A_564 : vector<16xi32>
          %add3A_566 = arith.addi %mul3A_565, %sub3A_554 : vector<16xi32>
          %swap3A_567 = arith.constant 32 : index
          %swap3A_568 = tpu.vector_load %arg13[%swap3A_567] {strides = array<i32>} : memref<128xi32, #tpu.memory_space<vmem>>, vector<16xi32>,
          %swap3A_569 = vector.shape_cast %swap3A_568 : vector<16xi32> to vector<16xi32>
          %swap3A_570 = vector.shape_cast %add3A_566 : vector<16xi32> to vector<16xi32>
          tpu.vector_store %arg13[%swap3A_567], %swap3A_570 {strides = array<i32>} : memref<128xi32, #tpu.memory_space<vmem>>, vector<16xi32>,
          %get3A_571 = arith.constant 1 : i32
          %get3A_572 = arith.index_cast %get3A_571 : i32 to index
          %get3A_573 = arith.constant 48 : index
          %get3A_574 = tpu.vector_load %arg7[%get3A_572, %get3A_573] {strides = array<i32>} : memref<2x128xi32, #tpu.memory_space<vmem>>, vector<1x16xi32>,
          %get3A_575 = vector.shape_cast %get3A_574 : vector<1x16xi32> to vector<16xi32>
          %shift_right_logical3A_576 = arith.constant 14 : i32
          %shift_right_logical3A_577 = vector.broadcast %shift_right_logical3A_576 : i32 to vector<16xi32>
          %shift_right_logical3A_578 = arith.shrui %get3A_575, %shift_right_logical3A_577 : vector<16xi32>
          %shift_right_logical3A_579 = arith.constant 3 : i32
          %shift_right_logical3A_580 = vector.broadcast %shift_right_logical3A_579 : i32 to vector<16xi32>
          %shift_right_logical3A_581 = arith.shrui %shift_right_logical3A_578, %shift_right_logical3A_580 : vector<16xi32>
          %shift_left3A_582 = arith.constant 3 : i32
          %shift_left3A_583 = vector.broadcast %shift_left3A_582 : i32 to vector<16xi32>
          %shift_left3A_584 = arith.shli %shift_right_logical3A_581, %shift_left3A_583 : vector<16xi32>
          %sub3A_585 = arith.subi %shift_right_logical3A_578, %shift_left3A_584 : vector<16xi32>
          %shift_left3A_586 = arith.constant 14 : i32
          %shift_left3A_587 = vector.broadcast %shift_left3A_586 : i32 to vector<16xi32>
          %shift_left3A_588 = arith.shli %shift_right_logical3A_578, %shift_left3A_587 : vector<16xi32>
          %sub3A_589 = arith.subi %get3A_575, %shift_left3A_588 : vector<16xi32>
          %swap3A_590 = arith.constant 48 : index
          %swap3A_591 = tpu.vector_load %arg9[%swap3A_590] {strides = array<i32>} : memref<128xi32, #tpu.memory_space<vmem>>, vector<16xi32>,
          %swap3A_592 = vector.shape_cast %swap3A_591 : vector<16xi32> to vector<16xi32>
          %swap3A_593 = vector.shape_cast %shift_right_logical3A_581 : vector<16xi32> to vector<16xi32>
          tpu.vector_store %arg9[%swap3A_590], %swap3A_593 {strides = array<i32>} : memref<128xi32, #tpu.memory_space<vmem>>, vector<16xi32>,
          %swap3A_594 = arith.constant 48 : index
          %swap3A_595 = tpu.vector_load %arg11[%swap3A_594] {strides = array<i32>} : memref<128xi32, #tpu.memory_space<vmem>>, vector<16xi32>,
          %swap3A_596 = vector.shape_cast %swap3A_595 : vector<16xi32> to vector<16xi32>
          %swap3A_597 = vector.shape_cast %shift_right_logical3A_578 : vector<16xi32> to vector<16xi32>
          tpu.vector_store %arg11[%swap3A_594], %swap3A_597 {strides = array<i32>} : memref<128xi32, #tpu.memory_space<vmem>>, vector<16xi32>,
          %mul3A_598 = arith.constant 10000 : i32
          %mul3A_599 = vector.broadcast %mul3A_598 : i32 to vector<16xi32>
          %mul3A_600 = arith.muli %sub3A_585, %mul3A_599 : vector<16xi32>
          %add3A_601 = arith.addi %mul3A_600, %sub3A_589 : vector<16xi32>
          %swap3A_602 = arith.constant 48 : index
          %swap3A_603 = tpu.vector_load %arg13[%swap3A_602] {strides = array<i32>} : memref<128xi32, #tpu.memory_space<vmem>>, vector<16xi32>,
          %swap3A_604 = vector.shape_cast %swap3A_603 : vector<16xi32> to vector<16xi32>
          %swap3A_605 = vector.shape_cast %add3A_601 : vector<16xi32> to vector<16xi32>
          tpu.vector_store %arg13[%swap3A_602], %swap3A_605 {strides = array<i32>} : memref<128xi32, #tpu.memory_space<vmem>>, vector<16xi32>,
          %get3A_606 = arith.constant 1 : i32
          %get3A_607 = arith.index_cast %get3A_606 : i32 to index
          %get3A_608 = arith.constant 64 : index
          %get3A_609 = tpu.vector_load %arg7[%get3A_607, %get3A_608] {strides = array<i32>} : memref<2x128xi32, #tpu.memory_space<vmem>>, vector<1x16xi32>,
          %get3A_610 = vector.shape_cast %get3A_609 : vector<1x16xi32> to vector<16xi32>
          %shift_right_logical3A_611 = arith.constant 14 : i32
          %shift_right_logical3A_612 = vector.broadcast %shift_right_logical3A_611 : i32 to vector<16xi32>
          %shift_right_logical3A_613 = arith.shrui %get3A_610, %shift_right_logical3A_612 : vector<16xi32>
          %shift_right_logical3A_614 = arith.constant 3 : i32
          %shift_right_logical3A_615 = vector.broadcast %shift_right_logical3A_614 : i32 to vector<16xi32>
          %shift_right_logical3A_616 = arith.shrui %shift_right_logical3A_613, %shift_right_logical3A_615 : vector<16xi32>
          %shift_left3A_617 = arith.constant 3 : i32
          %shift_left3A_618 = vector.broadcast %shift_left3A_617 : i32 to vector<16xi32>
          %shift_left3A_619 = arith.shli %shift_right_logical3A_616, %shift_left3A_618 : vector<16xi32>
          %sub3A_620 = arith.subi %shift_right_logical3A_613, %shift_left3A_619 : vector<16xi32>
          %shift_left3A_621 = arith.constant 14 : i32
          %shift_left3A_622 = vector.broadcast %shift_left3A_621 : i32 to vector<16xi32>
          %shift_left3A_623 = arith.shli %shift_right_logical3A_613, %shift_left3A_622 : vector<16xi32>
          %sub3A_624 = arith.subi %get3A_610, %shift_left3A_623 : vector<16xi32>
          %swap3A_625 = arith.constant 64 : index
          %swap3A_626 = tpu.vector_load %arg9[%swap3A_625] {strides = array<i32>} : memref<128xi32, #tpu.memory_space<vmem>>, vector<16xi32>,
          %swap3A_627 = vector.shape_cast %swap3A_626 : vector<16xi32> to vector<16xi32>
          %swap3A_628 = vector.shape_cast %shift_right_logical3A_616 : vector<16xi32> to vector<16xi32>
          tpu.vector_store %arg9[%swap3A_625], %swap3A_628 {strides = array<i32>} : memref<128xi32, #tpu.memory_space<vmem>>, vector<16xi32>,
          %swap3A_629 = arith.constant 64 : index
          %swap3A_630 = tpu.vector_load %arg11[%swap3A_629] {strides = array<i32>} : memref<128xi32, #tpu.memory_space<vmem>>, vector<16xi32>,
          %swap3A_631 = vector.shape_cast %swap3A_630 : vector<16xi32> to vector<16xi32>
          %swap3A_632 = vector.shape_cast %shift_right_logical3A_613 : vector<16xi32> to vector<16xi32>
          tpu.vector_store %arg11[%swap3A_629], %swap3A_632 {strides = array<i32>} : memref<128xi32, #tpu.memory_space<vmem>>, vector<16xi32>,
          %mul3A_633 = arith.constant 10000 : i32
          %mul3A_634 = vector.broadcast %mul3A_633 : i32 to vector<16xi32>
          %mul3A_635 = arith.muli %sub3A_620, %mul3A_634 : vector<16xi32>
          %add3A_636 = arith.addi %mul3A_635, %sub3A_624 : vector<16xi32>
          %swap3A_637 = arith.constant 64 : index
          %swap3A_638 = tpu.vector_load %arg13[%swap3A_637] {strides = array<i32>} : memref<128xi32, #tpu.memory_space<vmem>>, vector<16xi32>,
          %swap3A_639 = vector.shape_cast %swap3A_638 : vector<16xi32> to vector<16xi32>
          %swap3A_640 = vector.shape_cast %add3A_636 : vector<16xi32> to vector<16xi32>
          tpu.vector_store %arg13[%swap3A_637], %swap3A_640 {strides = array<i32>} : memref<128xi32, #tpu.memory_space<vmem>>, vector<16xi32>,
          %get3A_641 = arith.constant 1 : i32
          %get3A_642 = arith.index_cast %get3A_641 : i32 to index
          %get3A_643 = arith.constant 80 : index
          %get3A_644 = tpu.vector_load %arg7[%get3A_642, %get3A_643] {strides = array<i32>} : memref<2x128xi32, #tpu.memory_space<vmem>>, vector<1x16xi32>,
          %get3A_645 = vector.shape_cast %get3A_644 : vector<1x16xi32> to vector<16xi32>
          %shift_right_logical3A_646 = arith.constant 14 : i32
          %shift_right_logical3A_647 = vector.broadcast %shift_right_logical3A_646 : i32 to vector<16xi32>
          %shift_right_logical3A_648 = arith.shrui %get3A_645, %shift_right_logical3A_647 : vector<16xi32>
          %shift_right_logical3A_649 = arith.constant 3 : i32
          %shift_right_logical3A_650 = vector.broadcast %shift_right_logical3A_649 : i32 to vector<16xi32>
          %shift_right_logical3A_651 = arith.shrui %shift_right_logical3A_648, %shift_right_logical3A_650 : vector<16xi32>
          %shift_left3A_652 = arith.constant 3 : i32
          %shift_left3A_653 = vector.broadcast %shift_left3A_652 : i32 to vector<16xi32>
          %shift_left3A_654 = arith.shli %shift_right_logical3A_651, %shift_left3A_653 : vector<16xi32>
          %sub3A_655 = arith.subi %shift_right_logical3A_648, %shift_left3A_654 : vector<16xi32>
          %shift_left3A_656 = arith.constant 14 : i32
          %shift_left3A_657 = vector.broadcast %shift_left3A_656 : i32 to vector<16xi32>
          %shift_left3A_658 = arith.shli %shift_right_logical3A_648, %shift_left3A_657 : vector<16xi32>
          %sub3A_659 = arith.subi %get3A_645, %shift_left3A_658 : vector<16xi32>
          %swap3A_660 = arith.constant 80 : index
          %swap3A_661 = tpu.vector_load %arg9[%swap3A_660] {strides = array<i32>} : memref<128xi32, #tpu.memory_space<vmem>>, vector<16xi32>,
          %swap3A_662 = vector.shape_cast %swap3A_661 : vector<16xi32> to vector<16xi32>
          %swap3A_663 = vector.shape_cast %shift_right_logical3A_651 : vector<16xi32> to vector<16xi32>
          tpu.vector_store %arg9[%swap3A_660], %swap3A_663 {strides = array<i32>} : memref<128xi32, #tpu.memory_space<vmem>>, vector<16xi32>,
          %swap3A_664 = arith.constant 80 : index
          %swap3A_665 = tpu.vector_load %arg11[%swap3A_664] {strides = array<i32>} : memref<128xi32, #tpu.memory_space<vmem>>, vector<16xi32>,
          %swap3A_666 = vector.shape_cast %swap3A_665 : vector<16xi32> to vector<16xi32>
          %swap3A_667 = vector.shape_cast %shift_right_logical3A_648 : vector<16xi32> to vector<16xi32>
          tpu.vector_store %arg11[%swap3A_664], %swap3A_667 {strides = array<i32>} : memref<128xi32, #tpu.memory_space<vmem>>, vector<16xi32>,
          %mul3A_668 = arith.constant 10000 : i32
          %mul3A_669 = vector.broadcast %mul3A_668 : i32 to vector<16xi32>
          %mul3A_670 = arith.muli %sub3A_655, %mul3A_669 : vector<16xi32>
          %add3A_671 = arith.addi %mul3A_670, %sub3A_659 : vector<16xi32>
          %swap3A_672 = arith.constant 80 : index
          %swap3A_673 = tpu.vector_load %arg13[%swap3A_672] {strides = array<i32>} : memref<128xi32, #tpu.memory_space<vmem>>, vector<16xi32>,
          %swap3A_674 = vector.shape_cast %swap3A_673 : vector<16xi32> to vector<16xi32>
          %swap3A_675 = vector.shape_cast %add3A_671 : vector<16xi32> to vector<16xi32>
          tpu.vector_store %arg13[%swap3A_672], %swap3A_675 {strides = array<i32>} : memref<128xi32, #tpu.memory_space<vmem>>, vector<16xi32>,
          %get3A_676 = arith.constant 1 : i32
          %get3A_677 = arith.index_cast %get3A_676 : i32 to index
          %get3A_678 = arith.constant 96 : index
          %get3A_679 = tpu.vector_load %arg7[%get3A_677, %get3A_678] {strides = array<i32>} : memref<2x128xi32, #tpu.memory_space<vmem>>, vector<1x16xi32>,
          %get3A_680 = vector.shape_cast %get3A_679 : vector<1x16xi32> to vector<16xi32>
          %shift_right_logical3A_681 = arith.constant 14 : i32
          %shift_right_logical3A_682 = vector.broadcast %shift_right_logical3A_681 : i32 to vector<16xi32>
          %shift_right_logical3A_683 = arith.shrui %get3A_680, %shift_right_logical3A_682 : vector<16xi32>
          %shift_right_logical3A_684 = arith.constant 3 : i32
          %shift_right_logical3A_685 = vector.broadcast %shift_right_logical3A_684 : i32 to vector<16xi32>
          %shift_right_logical3A_686 = arith.shrui %shift_right_logical3A_683, %shift_right_logical3A_685 : vector<16xi32>
          %shift_left3A_687 = arith.constant 3 : i32
          %shift_left3A_688 = vector.broadcast %shift_left3A_687 : i32 to vector<16xi32>
          %shift_left3A_689 = arith.shli %shift_right_logical3A_686, %shift_left3A_688 : vector<16xi32>
          %sub3A_690 = arith.subi %shift_right_logical3A_683, %shift_left3A_689 : vector<16xi32>
          %shift_left3A_691 = arith.constant 14 : i32
          %shift_left3A_692 = vector.broadcast %shift_left3A_691 : i32 to vector<16xi32>
          %shift_left3A_693 = arith.shli %shift_right_logical3A_683, %shift_left3A_692 : vector<16xi32>
          %sub3A_694 = arith.subi %get3A_680, %shift_left3A_693 : vector<16xi32>
          %swap3A_695 = arith.constant 96 : index
          %swap3A_696 = tpu.vector_load %arg9[%swap3A_695] {strides = array<i32>} : memref<128xi32, #tpu.memory_space<vmem>>, vector<16xi32>,
          %swap3A_697 = vector.shape_cast %swap3A_696 : vector<16xi32> to vector<16xi32>
          %swap3A_698 = vector.shape_cast %shift_right_logical3A_686 : vector<16xi32> to vector<16xi32>
          tpu.vector_store %arg9[%swap3A_695], %swap3A_698 {strides = array<i32>} : memref<128xi32, #tpu.memory_space<vmem>>, vector<16xi32>,
          %swap3A_699 = arith.constant 96 : index
          %swap3A_700 = tpu.vector_load %arg11[%swap3A_699] {strides = array<i32>} : memref<128xi32, #tpu.memory_space<vmem>>, vector<16xi32>,
          %swap3A_701 = vector.shape_cast %swap3A_700 : vector<16xi32> to vector<16xi32>
          %swap3A_702 = vector.shape_cast %shift_right_logical3A_683 : vector<16xi32> to vector<16xi32>
          tpu.vector_store %arg11[%swap3A_699], %swap3A_702 {strides = array<i32>} : memref<128xi32, #tpu.memory_space<vmem>>, vector<16xi32>,
          %mul3A_703 = arith.constant 10000 : i32
          %mul3A_704 = vector.broadcast %mul3A_703 : i32 to vector<16xi32>
          %mul3A_705 = arith.muli %sub3A_690, %mul3A_704 : vector<16xi32>
          %add3A_706 = arith.addi %mul3A_705, %sub3A_694 : vector<16xi32>
          %swap3A_707 = arith.constant 96 : index
          %swap3A_708 = tpu.vector_load %arg13[%swap3A_707] {strides = array<i32>} : memref<128xi32, #tpu.memory_space<vmem>>, vector<16xi32>,
          %swap3A_709 = vector.shape_cast %swap3A_708 : vector<16xi32> to vector<16xi32>
          %swap3A_710 = vector.shape_cast %add3A_706 : vector<16xi32> to vector<16xi32>
          tpu.vector_store %arg13[%swap3A_707], %swap3A_710 {strides = array<i32>} : memref<128xi32, #tpu.memory_space<vmem>>, vector<16xi32>,
          %get3A_711 = arith.constant 1 : i32
          %get3A_712 = arith.index_cast %get3A_711 : i32 to index
          %get3A_713 = arith.constant 112 : index
          %get3A_714 = tpu.vector_load %arg7[%get3A_712, %get3A_713] {strides = array<i32>} : memref<2x128xi32, #tpu.memory_space<vmem>>, vector<1x16xi32>,
          %get3A_715 = vector.shape_cast %get3A_714 : vector<1x16xi32> to vector<16xi32>
          %shift_right_logical3A_716 = arith.constant 14 : i32
          %shift_right_logical3A_717 = vector.broadcast %shift_right_logical3A_716 : i32 to vector<16xi32>
          %shift_right_logical3A_718 = arith.shrui %get3A_715, %shift_right_logical3A_717 : vector<16xi32>
          %shift_right_logical3A_719 = arith.constant 3 : i32
          %shift_right_logical3A_720 = vector.broadcast %shift_right_logical3A_719 : i32 to vector<16xi32>
          %shift_right_logical3A_721 = arith.shrui %shift_right_logical3A_718, %shift_right_logical3A_720 : vector<16xi32>
          %shift_left3A_722 = arith.constant 3 : i32
          %shift_left3A_723 = vector.broadcast %shift_left3A_722 : i32 to vector<16xi32>
          %shift_left3A_724 = arith.shli %shift_right_logical3A_721, %shift_left3A_723 : vector<16xi32>
          %sub3A_725 = arith.subi %shift_right_logical3A_718, %shift_left3A_724 : vector<16xi32>
          %shift_left3A_726 = arith.constant 14 : i32
          %shift_left3A_727 = vector.broadcast %shift_left3A_726 : i32 to vector<16xi32>
          %shift_left3A_728 = arith.shli %shift_right_logical3A_718, %shift_left3A_727 : vector<16xi32>
          %sub3A_729 = arith.subi %get3A_715, %shift_left3A_728 : vector<16xi32>
          %swap3A_730 = arith.constant 112 : index
          %swap3A_731 = tpu.vector_load %arg9[%swap3A_730] {strides = array<i32>} : memref<128xi32, #tpu.memory_space<vmem>>, vector<16xi32>,
          %swap3A_732 = vector.shape_cast %swap3A_731 : vector<16xi32> to vector<16xi32>
          %swap3A_733 = vector.shape_cast %shift_right_logical3A_721 : vector<16xi32> to vector<16xi32>
          tpu.vector_store %arg9[%swap3A_730], %swap3A_733 {strides = array<i32>} : memref<128xi32, #tpu.memory_space<vmem>>, vector<16xi32>,
          %swap3A_734 = arith.constant 112 : index
          %swap3A_735 = tpu.vector_load %arg11[%swap3A_734] {strides = array<i32>} : memref<128xi32, #tpu.memory_space<vmem>>, vector<16xi32>,
          %swap3A_736 = vector.shape_cast %swap3A_735 : vector<16xi32> to vector<16xi32>
          %swap3A_737 = vector.shape_cast %shift_right_logical3A_718 : vector<16xi32> to vector<16xi32>
          tpu.vector_store %arg11[%swap3A_734], %swap3A_737 {strides = array<i32>} : memref<128xi32, #tpu.memory_space<vmem>>, vector<16xi32>,
          %mul3A_738 = arith.constant 10000 : i32
          %mul3A_739 = vector.broadcast %mul3A_738 : i32 to vector<16xi32>
          %mul3A_740 = arith.muli %sub3A_725, %mul3A_739 : vector<16xi32>
          %add3A_741 = arith.addi %mul3A_740, %sub3A_729 : vector<16xi32>
          %swap3A_742 = arith.constant 112 : index
          %swap3A_743 = tpu.vector_load %arg13[%swap3A_742] {strides = array<i32>} : memref<128xi32, #tpu.memory_space<vmem>>, vector<16xi32>,
          %swap3A_744 = vector.shape_cast %swap3A_743 : vector<16xi32> to vector<16xi32>
          %swap3A_745 = vector.shape_cast %add3A_741 : vector<16xi32> to vector<16xi32>
          tpu.vector_store %arg13[%swap3A_742], %swap3A_745 {strides = array<i32>} : memref<128xi32, #tpu.memory_space<vmem>>, vector<16xi32>,
          %dma_start3A_746 = arith.constant 1 : i32
          %dma_start3A_747 = arith.constant 0 : i32
          %dma_start3A_748 = arith.constant 0 : i32
          %dma_start3A_749 = tpu.memref_slice %arg16[%dma_start3A_746, %dma_start3A_747, %dma_start3A_748] : memref<2x128x128xf32, #tpu.memory_space<vmem>> -> memref<1x64x128xf32, #tpu.memory_space<vmem>>
          %dma_start3A_750 = tpu.memref_squeeze %dma_start3A_749 : memref<1x64x128xf32, #tpu.memory_space<vmem>> -> memref<64x128xf32, #tpu.memory_space<vmem>>
          %dma_start3A_751 = arith.constant 0 : i32
          %dma_start3A_752 = tpu.memref_slice %arg13[%dma_start3A_751] : memref<128xi32, #tpu.memory_space<vmem>> -> memref<64xi32, #tpu.memory_space<vmem>>
          %dma_start3A_753 = arith.constant 0 : i32
          %dma_start3A_754 = arith.constant 0 : i32
          %dma_start3A_755 = tpu.memref_slice %arg3[%dma_start3A_753, %dma_start3A_754] : memref<80000x128xf32, #tpu.memory_space<hbm>> -> memref<80000x128xf32, #tpu.memory_space<hbm>>
          tpu.enqueue_indirect_dma source(%dma_start3A_755 : memref<80000x128xf32, #tpu.memory_space<hbm>>) target(%dma_start3A_750 : memref<64x128xf32, #tpu.memory_space<vmem>>) offsets(%dma_start3A_752 : memref<64xi32, #tpu.memory_space<vmem>>) semaphore(%arg21 : memref<!tpu.dma_semaphore, #tpu.memory_space<semaphore_mem>>)
          %dma_start3A_756 = arith.constant 1 : i32
          %dma_start3A_757 = arith.constant 64 : i32
          %dma_start3A_758 = arith.constant 0 : i32
          %dma_start3A_759 = tpu.memref_slice %arg16[%dma_start3A_756, %dma_start3A_757, %dma_start3A_758] : memref<2x128x128xf32, #tpu.memory_space<vmem>> -> memref<1x64x128xf32, #tpu.memory_space<vmem>>
          %dma_start3A_760 = tpu.memref_squeeze %dma_start3A_759 : memref<1x64x128xf32, #tpu.memory_space<vmem>> -> memref<64x128xf32, #tpu.memory_space<vmem>>
          %dma_start3A_761 = arith.constant 64 : i32
          %dma_start3A_762 = tpu.memref_slice %arg13[%dma_start3A_761] : memref<128xi32, #tpu.memory_space<vmem>> -> memref<64xi32, #tpu.memory_space<vmem>>
          %dma_start3A_763 = arith.constant 0 : i32
          %dma_start3A_764 = arith.constant 0 : i32
          %dma_start3A_765 = tpu.memref_slice %arg3[%dma_start3A_763, %dma_start3A_764] : memref<80000x128xf32, #tpu.memory_space<hbm>> -> memref<80000x128xf32, #tpu.memory_space<hbm>>
          tpu.enqueue_indirect_dma source(%dma_start3A_765 : memref<80000x128xf32, #tpu.memory_space<hbm>>) target(%dma_start3A_760 : memref<64x128xf32, #tpu.memory_space<vmem>>) offsets(%dma_start3A_762 : memref<64xi32, #tpu.memory_space<vmem>>) semaphore(%arg21 : memref<!tpu.dma_semaphore, #tpu.memory_space<semaphore_mem>>)
          %dma_start3A_766 = arith.constant 0 : i32
          %dma_start3A_767 = tpu.memref_slice %arg15[%dma_start3A_766] : memref<144xf32, #tpu.memory_space<vmem>> -> memref<128xf32, #tpu.memory_space<vmem>>
          %dma_start3A_768 = arith.constant 0 : i32
          %dma_start3A_769 = tpu.memref_slice %arg4[%dma_start3A_768] : memref<80128xf32, #tpu.memory_space<hbm>> -> memref<80128xf32, #tpu.memory_space<hbm>>
          tpu.enqueue_indirect_dma source(%dma_start3A_769 : memref<80128xf32, #tpu.memory_space<hbm>>) target(%dma_start3A_767 : memref<128xf32, #tpu.memory_space<vmem>>) offsets(%arg11 : memref<128xi32, #tpu.memory_space<vmem>>) semaphore(%arg23 : memref<!tpu.dma_semaphore, #tpu.memory_space<semaphore_mem>>)
        } else {
        }
        %dma_wait3A_416 = arith.constant 0 : i32
        %dma_wait3A_417 = arith.constant 0 : i32
        %dma_wait3A_418 = arith.constant 0 : i32
        %dma_wait3A_419 = tpu.memref_slice %arg16[%dma_wait3A_416, %dma_wait3A_417, %dma_wait3A_418] : memref<2x128x128xf32, #tpu.memory_space<vmem>> -> memref<1x64x128xf32, #tpu.memory_space<vmem>>
        %dma_wait3A_420 = tpu.memref_squeeze %dma_wait3A_419 : memref<1x64x128xf32, #tpu.memory_space<vmem>> -> memref<64x128xf32, #tpu.memory_space<vmem>>
        %dma_wait3A_421 = arith.constant 0 : i32
        %dma_wait3A_422 = tpu.memref_slice %arg12[%dma_wait3A_421] : memref<128xi32, #tpu.memory_space<vmem>> -> memref<64xi32, #tpu.memory_space<vmem>>
        %dma_wait3A_423 = arith.constant 0 : i32
        %dma_wait3A_424 = arith.constant 0 : i32
        %dma_wait3A_425 = tpu.memref_slice %arg3[%dma_wait3A_423, %dma_wait3A_424] : memref<80000x128xf32, #tpu.memory_space<hbm>> -> memref<80000x128xf32, #tpu.memory_space<hbm>>
        tpu.wait_indirect_dma semaphore(%arg20 : memref<!tpu.dma_semaphore, #tpu.memory_space<semaphore_mem>>) src(%dma_wait3A_425 : memref<80000x128xf32, #tpu.memory_space<hbm>>) dst(%dma_wait3A_420 : memref<64x128xf32, #tpu.memory_space<vmem>>)
        %dma_wait3A_426 = arith.constant 0 : i32
        %dma_wait3A_427 = arith.constant 64 : i32
        %dma_wait3A_428 = arith.constant 0 : i32
        %dma_wait3A_429 = tpu.memref_slice %arg16[%dma_wait3A_426, %dma_wait3A_427, %dma_wait3A_428] : memref<2x128x128xf32, #tpu.memory_space<vmem>> -> memref<1x64x128xf32, #tpu.memory_space<vmem>>
        %dma_wait3A_430 = tpu.memref_squeeze %dma_wait3A_429 : memref<1x64x128xf32, #tpu.memory_space<vmem>> -> memref<64x128xf32, #tpu.memory_space<vmem>>
        %dma_wait3A_431 = arith.constant 64 : i32
        %dma_wait3A_432 = tpu.memref_slice %arg12[%dma_wait3A_431] : memref<128xi32, #tpu.memory_space<vmem>> -> memref<64xi32, #tpu.memory_space<vmem>>
        %dma_wait3A_433 = arith.constant 0 : i32
        %dma_wait3A_434 = arith.constant 0 : i32
        %dma_wait3A_435 = tpu.memref_slice %arg3[%dma_wait3A_433, %dma_wait3A_434] : memref<80000x128xf32, #tpu.memory_space<hbm>> -> memref<80000x128xf32, #tpu.memory_space<hbm>>
        tpu.wait_indirect_dma semaphore(%arg20 : memref<!tpu.dma_semaphore, #tpu.memory_space<semaphore_mem>>) src(%dma_wait3A_435 : memref<80000x128xf32, #tpu.memory_space<hbm>>) dst(%dma_wait3A_430 : memref<64x128xf32, #tpu.memory_space<vmem>>)
        %dma_wait3A_436 = arith.constant 0 : i32
        %dma_wait3A_437 = tpu.memref_slice %arg14[%dma_wait3A_436] : memref<144xf32, #tpu.memory_space<vmem>> -> memref<128xf32, #tpu.memory_space<vmem>>
        %dma_wait3A_438 = arith.constant 0 : i32
        %dma_wait3A_439 = tpu.memref_slice %arg4[%dma_wait3A_438] : memref<80128xf32, #tpu.memory_space<hbm>> -> memref<80128xf32, #tpu.memory_space<hbm>>
        tpu.wait_indirect_dma semaphore(%arg22 : memref<!tpu.dma_semaphore, #tpu.memory_space<semaphore_mem>>) src(%dma_wait3A_439 : memref<80128xf32, #tpu.memory_space<hbm>>) dst(%dma_wait3A_437 : memref<128xf32, #tpu.memory_space<vmem>>)
        %scan3A_440 = arith.constant 0 : i32
        %scan3A_441 = arith.constant 128 : i32
        %scan3A_442 = arith.addi %scan3A_440, %scan3A_441 : i32
        %scan3A_443 = arith.constant 1 : i32
        scf.for %scan3A_453 = %scan3A_440 to %scan3A_442 step %scan3A_443  : i32 {
          %get3A_454 = arith.index_cast %scan3A_453 : i32 to index
          %get3A_455 = tpu.vector_load %arg14[%get3A_454] {strides = array<i32>} : memref<144xf32, #tpu.memory_space<vmem>>, vector<16xf32>,
          %get3A_456 = vector.shape_cast %get3A_455 : vector<16xf32> to vector<16xf32>
          %slice3A = vector.extract_strided_slice %get3A_456 {offsets = [0], sizes = [1], strides = [1]} : vector<16xf32> to vector<1xf32>
          %squeeze3A = vector.extract %slice3A[0] : f32 from vector<1xf32>
          %get3A_457 = arith.constant 0 : i32
          %get3A_458 = arith.index_cast %get3A_457 : i32 to index
          %get3A_459 = arith.index_cast %scan3A_453 : i32 to index
          %get3A_460 = arith.constant 0 : index
          %get3A_461 = tpu.vector_load %arg16[%get3A_458, %get3A_459, %get3A_460] {strides = array<i32>} : memref<2x128x128xf32, #tpu.memory_space<vmem>>, vector<1x1x16xf32>,
          %get3A_462 = vector.shape_cast %get3A_461 : vector<1x1x16xf32> to vector<16xf32>
          %mul3A_463 = vector.broadcast %squeeze3A : f32 to vector<16xf32>
          %mul3A_464 = arith.mulf %get3A_462, %mul3A_463 : vector<16xf32>
          %swap3A_465 = arith.constant 0 : i32
          %swap3A_466 = arith.index_cast %swap3A_465 : i32 to index
          %swap3A_467 = arith.index_cast %scan3A_453 : i32 to index
          %swap3A_468 = arith.constant 0 : index
          %swap3A_469 = tpu.vector_load %arg16[%swap3A_466, %swap3A_467, %swap3A_468] {strides = array<i32>} : memref<2x128x128xf32, #tpu.memory_space<vmem>>, vector<1x1x16xf32>,
          %swap3A_470 = vector.shape_cast %swap3A_469 : vector<1x1x16xf32> to vector<16xf32>
          %swap3A_471 = vector.shape_cast %mul3A_464 : vector<16xf32> to vector<1x1x16xf32>
          tpu.vector_store %arg16[%swap3A_466, %swap3A_467, %swap3A_468], %swap3A_471 {strides = array<i32>} : memref<2x128x128xf32, #tpu.memory_space<vmem>>, vector<1x1x16xf32>,
          %get3A_472 = arith.constant 0 : i32
          %get3A_473 = arith.index_cast %get3A_472 : i32 to index
          %get3A_474 = arith.index_cast %scan3A_453 : i32 to index
          %get3A_475 = arith.constant 16 : index
          %get3A_476 = tpu.vector_load %arg16[%get3A_473, %get3A_474, %get3A_475] {strides = array<i32>} : memref<2x128x128xf32, #tpu.memory_space<vmem>>, vector<1x1x16xf32>,
          %get3A_477 = vector.shape_cast %get3A_476 : vector<1x1x16xf32> to vector<16xf32>
          %mul3A_478 = vector.broadcast %squeeze3A : f32 to vector<16xf32>
          %mul3A_479 = arith.mulf %get3A_477, %mul3A_478 : vector<16xf32>
          %swap3A_480 = arith.constant 0 : i32
          %swap3A_481 = arith.index_cast %swap3A_480 : i32 to index
          %swap3A_482 = arith.index_cast %scan3A_453 : i32 to index
          %swap3A_483 = arith.constant 16 : index
          %swap3A_484 = tpu.vector_load %arg16[%swap3A_481, %swap3A_482, %swap3A_483] {strides = array<i32>} : memref<2x128x128xf32, #tpu.memory_space<vmem>>, vector<1x1x16xf32>,
          %swap3A_485 = vector.shape_cast %swap3A_484 : vector<1x1x16xf32> to vector<16xf32>
          %swap3A_486 = vector.shape_cast %mul3A_479 : vector<16xf32> to vector<1x1x16xf32>
          tpu.vector_store %arg16[%swap3A_481, %swap3A_482, %swap3A_483], %swap3A_486 {strides = array<i32>} : memref<2x128x128xf32, #tpu.memory_space<vmem>>, vector<1x1x16xf32>,
          %get3A_487 = arith.constant 0 : i32
          %get3A_488 = arith.index_cast %get3A_487 : i32 to index
          %get3A_489 = arith.index_cast %scan3A_453 : i32 to index
          %get3A_490 = arith.constant 32 : index
          %get3A_491 = tpu.vector_load %arg16[%get3A_488, %get3A_489, %get3A_490] {strides = array<i32>} : memref<2x128x128xf32, #tpu.memory_space<vmem>>, vector<1x1x16xf32>,
          %get3A_492 = vector.shape_cast %get3A_491 : vector<1x1x16xf32> to vector<16xf32>
          %mul3A_493 = vector.broadcast %squeeze3A : f32 to vector<16xf32>
          %mul3A_494 = arith.mulf %get3A_492, %mul3A_493 : vector<16xf32>
          %swap3A_495 = arith.constant 0 : i32
          %swap3A_496 = arith.index_cast %swap3A_495 : i32 to index
          %swap3A_497 = arith.index_cast %scan3A_453 : i32 to index
          %swap3A_498 = arith.constant 32 : index
          %swap3A_499 = tpu.vector_load %arg16[%swap3A_496, %swap3A_497, %swap3A_498] {strides = array<i32>} : memref<2x128x128xf32, #tpu.memory_space<vmem>>, vector<1x1x16xf32>,
          %swap3A_500 = vector.shape_cast %swap3A_499 : vector<1x1x16xf32> to vector<16xf32>
          %swap3A_501 = vector.shape_cast %mul3A_494 : vector<16xf32> to vector<1x1x16xf32>
          tpu.vector_store %arg16[%swap3A_496, %swap3A_497, %swap3A_498], %swap3A_501 {strides = array<i32>} : memref<2x128x128xf32, #tpu.memory_space<vmem>>, vector<1x1x16xf32>,
          %get3A_502 = arith.constant 0 : i32
          %get3A_503 = arith.index_cast %get3A_502 : i32 to index
          %get3A_504 = arith.index_cast %scan3A_453 : i32 to index
          %get3A_505 = arith.constant 48 : index
          %get3A_506 = tpu.vector_load %arg16[%get3A_503, %get3A_504, %get3A_505] {strides = array<i32>} : memref<2x128x128xf32, #tpu.memory_space<vmem>>, vector<1x1x16xf32>,
          %get3A_507 = vector.shape_cast %get3A_506 : vector<1x1x16xf32> to vector<16xf32>
          %mul3A_508 = vector.broadcast %squeeze3A : f32 to vector<16xf32>
          %mul3A_509 = arith.mulf %get3A_507, %mul3A_508 : vector<16xf32>
          %swap3A_510 = arith.constant 0 : i32
          %swap3A_511 = arith.index_cast %swap3A_510 : i32 to index
          %swap3A_512 = arith.index_cast %scan3A_453 : i32 to index
          %swap3A_513 = arith.constant 48 : index
          %swap3A_514 = tpu.vector_load %arg16[%swap3A_511, %swap3A_512, %swap3A_513] {strides = array<i32>} : memref<2x128x128xf32, #tpu.memory_space<vmem>>, vector<1x1x16xf32>,
          %swap3A_515 = vector.shape_cast %swap3A_514 : vector<1x1x16xf32> to vector<16xf32>
          %swap3A_516 = vector.shape_cast %mul3A_509 : vector<16xf32> to vector<1x1x16xf32>
          tpu.vector_store %arg16[%swap3A_511, %swap3A_512, %swap3A_513], %swap3A_516 {strides = array<i32>} : memref<2x128x128xf32, #tpu.memory_space<vmem>>, vector<1x1x16xf32>,
          %get3A_517 = arith.constant 0 : i32
          %get3A_518 = arith.index_cast %get3A_517 : i32 to index
          %get3A_519 = arith.index_cast %scan3A_453 : i32 to index
          %get3A_520 = arith.constant 64 : index
          %get3A_521 = tpu.vector_load %arg16[%get3A_518, %get3A_519, %get3A_520] {strides = array<i32>} : memref<2x128x128xf32, #tpu.memory_space<vmem>>, vector<1x1x16xf32>,
          %get3A_522 = vector.shape_cast %get3A_521 : vector<1x1x16xf32> to vector<16xf32>
          %mul3A_523 = vector.broadcast %squeeze3A : f32 to vector<16xf32>
          %mul3A_524 = arith.mulf %get3A_522, %mul3A_523 : vector<16xf32>
          %swap3A_525 = arith.constant 0 : i32
          %swap3A_526 = arith.index_cast %swap3A_525 : i32 to index
          %swap3A_527 = arith.index_cast %scan3A_453 : i32 to index
          %swap3A_528 = arith.constant 64 : index
          %swap3A_529 = tpu.vector_load %arg16[%swap3A_526, %swap3A_527, %swap3A_528] {strides = array<i32>} : memref<2x128x128xf32, #tpu.memory_space<vmem>>, vector<1x1x16xf32>,
          %swap3A_530 = vector.shape_cast %swap3A_529 : vector<1x1x16xf32> to vector<16xf32>
          %swap3A_531 = vector.shape_cast %mul3A_524 : vector<16xf32> to vector<1x1x16xf32>
          tpu.vector_store %arg16[%swap3A_526, %swap3A_527, %swap3A_528], %swap3A_531 {strides = array<i32>} : memref<2x128x128xf32, #tpu.memory_space<vmem>>, vector<1x1x16xf32>,
          %get3A_532 = arith.constant 0 : i32
          %get3A_533 = arith.index_cast %get3A_532 : i32 to index
          %get3A_534 = arith.index_cast %scan3A_453 : i32 to index
          %get3A_535 = arith.constant 80 : index
          %get3A_536 = tpu.vector_load %arg16[%get3A_533, %get3A_534, %get3A_535] {strides = array<i32>} : memref<2x128x128xf32, #tpu.memory_space<vmem>>, vector<1x1x16xf32>,
          %get3A_537 = vector.shape_cast %get3A_536 : vector<1x1x16xf32> to vector<16xf32>
          %mul3A_538 = vector.broadcast %squeeze3A : f32 to vector<16xf32>
          %mul3A_539 = arith.mulf %get3A_537, %mul3A_538 : vector<16xf32>
          %swap3A_540 = arith.constant 0 : i32
          %swap3A_541 = arith.index_cast %swap3A_540 : i32 to index
          %swap3A_542 = arith.index_cast %scan3A_453 : i32 to index
          %swap3A_543 = arith.constant 80 : index
          %swap3A_544 = tpu.vector_load %arg16[%swap3A_541, %swap3A_542, %swap3A_543] {strides = array<i32>} : memref<2x128x128xf32, #tpu.memory_space<vmem>>, vector<1x1x16xf32>,
          %swap3A_545 = vector.shape_cast %swap3A_544 : vector<1x1x16xf32> to vector<16xf32>
          %swap3A_546 = vector.shape_cast %mul3A_539 : vector<16xf32> to vector<1x1x16xf32>
          tpu.vector_store %arg16[%swap3A_541, %swap3A_542, %swap3A_543], %swap3A_546 {strides = array<i32>} : memref<2x128x128xf32, #tpu.memory_space<vmem>>, vector<1x1x16xf32>,
          %get3A_547 = arith.constant 0 : i32
          %get3A_548 = arith.index_cast %get3A_547 : i32 to index
          %get3A_549 = arith.index_cast %scan3A_453 : i32 to index
          %get3A_550 = arith.constant 96 : index
          %get3A_551 = tpu.vector_load %arg16[%get3A_548, %get3A_549, %get3A_550] {strides = array<i32>} : memref<2x128x128xf32, #tpu.memory_space<vmem>>, vector<1x1x16xf32>,
          %get3A_552 = vector.shape_cast %get3A_551 : vector<1x1x16xf32> to vector<16xf32>
          %mul3A_553 = vector.broadcast %squeeze3A : f32 to vector<16xf32>
          %mul3A_554 = arith.mulf %get3A_552, %mul3A_553 : vector<16xf32>
          %swap3A_555 = arith.constant 0 : i32
          %swap3A_556 = arith.index_cast %swap3A_555 : i32 to index
          %swap3A_557 = arith.index_cast %scan3A_453 : i32 to index
          %swap3A_558 = arith.constant 96 : index
          %swap3A_559 = tpu.vector_load %arg16[%swap3A_556, %swap3A_557, %swap3A_558] {strides = array<i32>} : memref<2x128x128xf32, #tpu.memory_space<vmem>>, vector<1x1x16xf32>,
          %swap3A_560 = vector.shape_cast %swap3A_559 : vector<1x1x16xf32> to vector<16xf32>
          %swap3A_561 = vector.shape_cast %mul3A_554 : vector<16xf32> to vector<1x1x16xf32>
          tpu.vector_store %arg16[%swap3A_556, %swap3A_557, %swap3A_558], %swap3A_561 {strides = array<i32>} : memref<2x128x128xf32, #tpu.memory_space<vmem>>, vector<1x1x16xf32>,
          %get3A_562 = arith.constant 0 : i32
          %get3A_563 = arith.index_cast %get3A_562 : i32 to index
          %get3A_564 = arith.index_cast %scan3A_453 : i32 to index
          %get3A_565 = arith.constant 112 : index
          %get3A_566 = tpu.vector_load %arg16[%get3A_563, %get3A_564, %get3A_565] {strides = array<i32>} : memref<2x128x128xf32, #tpu.memory_space<vmem>>, vector<1x1x16xf32>,
          %get3A_567 = vector.shape_cast %get3A_566 : vector<1x1x16xf32> to vector<16xf32>
          %mul3A_568 = vector.broadcast %squeeze3A : f32 to vector<16xf32>
          %mul3A_569 = arith.mulf %get3A_567, %mul3A_568 : vector<16xf32>
          %swap3A_570 = arith.constant 0 : i32
          %swap3A_571 = arith.index_cast %swap3A_570 : i32 to index
          %swap3A_572 = arith.index_cast %scan3A_453 : i32 to index
          %swap3A_573 = arith.constant 112 : index
          %swap3A_574 = tpu.vector_load %arg16[%swap3A_571, %swap3A_572, %swap3A_573] {strides = array<i32>} : memref<2x128x128xf32, #tpu.memory_space<vmem>>, vector<1x1x16xf32>,
          %swap3A_575 = vector.shape_cast %swap3A_574 : vector<1x1x16xf32> to vector<16xf32>
          %swap3A_576 = vector.shape_cast %mul3A_569 : vector<16xf32> to vector<1x1x16xf32>
          tpu.vector_store %arg16[%swap3A_571, %swap3A_572, %swap3A_573], %swap3A_576 {strides = array<i32>} : memref<2x128x128xf32, #tpu.memory_space<vmem>>, vector<1x1x16xf32>,
        }
        %scan3A_444 = arith.constant 128 : i32
        %dma_start3A_445 = arith.constant 0 : i32
        %dma_start3A_446 = arith.constant 0 : i32
        %dma_start3A_447 = arith.constant 0 : i32
        %dma_start3A_448 = tpu.memref_slice %arg16[%dma_start3A_445, %dma_start3A_446, %dma_start3A_447] : memref<2x128x128xf32, #tpu.memory_space<vmem>> -> memref<1x128x128xf32, #tpu.memory_space<vmem>>
        %dma_start3A_449 = tpu.memref_squeeze %dma_start3A_448 : memref<1x128x128xf32, #tpu.memory_space<vmem>> -> memref<128x128xf32, #tpu.memory_space<vmem>>
        %dma_start3A_450 = arith.constant 0 : i32
        %dma_start3A_451 = arith.constant 0 : i32
        %dma_start3A_452 = tpu.memref_slice %arg17[%dma_start3A_450, %dma_start3A_451] : memref<10112x128xf32, #tpu.memory_space<vmem_shared>> -> memref<10112x128xf32, #tpu.memory_space<vmem_shared>>
        tpu.enqueue_indirect_dma source(%dma_start3A_449 : memref<128x128xf32, #tpu.memory_space<vmem>>) target(%dma_start3A_452 : memref<10112x128xf32, #tpu.memory_space<vmem_shared>>) offsets(%arg8 : memref<128xi32, #tpu.memory_space<vmem>>) semaphore(%arg24 : memref<!tpu.dma_semaphore, #tpu.memory_space<semaphore_mem>>) {add = true}
      } else {
      }
      %eq3A_397 = arith.constant 1 : i32
      %eq3A_398 = arith.cmpi eq, %select_n3A_391, %eq3A_397 : i32
      %convert_element_type3A_399 = arith.extui %eq3A_398 : i1 to i32
      %cond3A_400 = arith.constant 0 : i32
      %cond3A_401 = arith.cmpi ne, %convert_element_type3A_399, %cond3A_400 : i32
      scf.if %cond3A_401 {
        %add3A_402 = arith.constant 2 : i32
        %add3A_403 = arith.addi %scan3A_381, %add3A_402 : i32
        %lt3A_404 = arith.constant 80 : i32
        %lt3A_405 = arith.cmpi slt, %add3A_403, %lt3A_404 : i32
        %convert_element_type3A_406 = arith.extui %lt3A_405 : i1 to i32
        %cond3A_407 = arith.constant 0 : i32
        %cond3A_408 = arith.cmpi ne, %convert_element_type3A_406, %cond3A_407 : i32
        scf.if %cond3A_408 {
          %add3A_453 = arith.constant 2 : i32
          %add3A_454 = arith.addi %scan3A_381, %add3A_453 : i32
          %mul3A_455 = arith.constant 128 : i32
          %mul3A_456 = arith.muli %add3A_454, %mul3A_455 : i32
          %add3A_457 = arith.addi %mul3A_2, %mul3A_456 : i32
          %dma_start3A_458 = arith.constant 1 : i32
          %dma_start3A_459 = arith.constant 0 : i32
          %dma_start3A_460 = tpu.memref_slice %arg7[%dma_start3A_458, %dma_start3A_459] : memref<2x128xi32, #tpu.memory_space<vmem>> -> memref<1x128xi32, #tpu.memory_space<vmem>>
          %dma_start3A_461 = tpu.memref_squeeze %dma_start3A_460 : memref<1x128xi32, #tpu.memory_space<vmem>> -> memref<128xi32, #tpu.memory_space<vmem>>
          %dma_start3A_462 = tpu.memref_slice %arg2[%add3A_457] : memref<327680xi32, #tpu.memory_space<hbm>> -> memref<128xi32, #tpu.memory_space<hbm>>
          %dma_start3A_463 = arith.constant 0 : i32
          %dma_start3A_464 = tpu.memref_slice %arg7[%dma_start3A_458, %dma_start3A_463] : memref<2x128xi32, #tpu.memory_space<vmem>> -> memref<1x128xi32, #tpu.memory_space<vmem>>
          %dma_start3A_465 = tpu.memref_squeeze %dma_start3A_464 : memref<1x128xi32, #tpu.memory_space<vmem>> -> memref<128xi32, #tpu.memory_space<vmem>>
          %dma_start3A_466 = tpu.memref_slice %arg2[%add3A_457] : memref<327680xi32, #tpu.memory_space<hbm>> -> memref<128xi32, #tpu.memory_space<hbm>>
          tpu.enqueue_dma source(%dma_start3A_466 : memref<128xi32, #tpu.memory_space<hbm>>) target(%dma_start3A_465 : memref<128xi32, #tpu.memory_space<vmem>>) target_semaphore(%arg19 : memref<!tpu.dma_semaphore, #tpu.memory_space<semaphore_mem>>)
        } else {
        }
        %add3A_409 = arith.constant 1 : i32
        %add3A_410 = arith.addi %scan3A_381, %add3A_409 : i32
        %lt3A_411 = arith.constant 80 : i32
        %lt3A_412 = arith.cmpi slt, %add3A_410, %lt3A_411 : i32
        %convert_element_type3A_413 = arith.extui %lt3A_412 : i1 to i32
        %cond3A_414 = arith.constant 0 : i32
        %cond3A_415 = arith.cmpi ne, %convert_element_type3A_413, %cond3A_414 : i32
        scf.if %cond3A_415 {
          %ge3A = arith.constant 1 : i32
          %ge3A_453 = arith.cmpi sge, %scan3A_381, %ge3A : i32
          %convert_element_type3A_454 = arith.extui %ge3A_453 : i1 to i32
          %cond3A_455 = arith.constant 0 : i32
          %cond3A_456 = arith.cmpi ne, %convert_element_type3A_454, %cond3A_455 : i32
          scf.if %cond3A_456 {
            %dma_wait3A_770 = arith.constant 0 : i32
            %dma_wait3A_771 = arith.constant 0 : i32
            %dma_wait3A_772 = arith.constant 0 : i32
            %dma_wait3A_773 = tpu.memref_slice %arg16[%dma_wait3A_770, %dma_wait3A_771, %dma_wait3A_772] : memref<2x128x128xf32, #tpu.memory_space<vmem>> -> memref<1x128x128xf32, #tpu.memory_space<vmem>>
            %dma_wait3A_774 = tpu.memref_squeeze %dma_wait3A_773 : memref<1x128x128xf32, #tpu.memory_space<vmem>> -> memref<128x128xf32, #tpu.memory_space<vmem>>
            %dma_wait3A_775 = arith.constant 0 : i32
            %dma_wait3A_776 = arith.constant 0 : i32
            %dma_wait3A_777 = tpu.memref_slice %arg17[%dma_wait3A_775, %dma_wait3A_776] : memref<10112x128xf32, #tpu.memory_space<vmem_shared>> -> memref<10112x128xf32, #tpu.memory_space<vmem_shared>>
            tpu.wait_indirect_dma semaphore(%arg24 : memref<!tpu.dma_semaphore, #tpu.memory_space<semaphore_mem>>) src(%dma_wait3A_774 : memref<128x128xf32, #tpu.memory_space<vmem>>) dst(%dma_wait3A_777 : memref<10112x128xf32, #tpu.memory_space<vmem_shared>>)
          } else {
          }
          %dma_wait3A_457 = arith.constant 0 : i32
          %dma_wait3A_458 = arith.constant 0 : i32
          %dma_wait3A_459 = tpu.memref_slice %arg7[%dma_wait3A_457, %dma_wait3A_458] : memref<2x128xi32, #tpu.memory_space<vmem>> -> memref<1x128xi32, #tpu.memory_space<vmem>>
          %dma_wait3A_460 = tpu.memref_squeeze %dma_wait3A_459 : memref<1x128xi32, #tpu.memory_space<vmem>> -> memref<128xi32, #tpu.memory_space<vmem>>
          %dma_wait3A_461 = tpu.memref_slice %arg2[%mul3A_2] : memref<327680xi32, #tpu.memory_space<hbm>> -> memref<128xi32, #tpu.memory_space<hbm>>
          %dma_wait3A_462 = arith.constant 0 : i32
          %dma_wait3A_463 = tpu.memref_slice %arg7[%dma_wait3A_457, %dma_wait3A_462] : memref<2x128xi32, #tpu.memory_space<vmem>> -> memref<1x128xi32, #tpu.memory_space<vmem>>
          %dma_wait3A_464 = tpu.memref_squeeze %dma_wait3A_463 : memref<1x128xi32, #tpu.memory_space<vmem>> -> memref<128xi32, #tpu.memory_space<vmem>>
          %dma_wait3A_465 = tpu.memref_slice %arg2[%mul3A_2] : memref<327680xi32, #tpu.memory_space<hbm>> -> memref<128xi32, #tpu.memory_space<hbm>>
          tpu.wait_dma2 semaphore(%arg18 : memref<!tpu.dma_semaphore, #tpu.memory_space<semaphore_mem>>) src(%dma_wait3A_465 : memref<128xi32, #tpu.memory_space<hbm>>) dst(%dma_wait3A_464 : memref<128xi32, #tpu.memory_space<vmem>>)
          %get3A_466 = arith.constant 0 : i32
          %get3A_467 = arith.index_cast %get3A_466 : i32 to index
          %get3A_468 = arith.constant 0 : index
          %get3A_469 = tpu.vector_load %arg7[%get3A_467, %get3A_468] {strides = array<i32>} : memref<2x128xi32, #tpu.memory_space<vmem>>, vector<1x16xi32>,
          %get3A_470 = vector.shape_cast %get3A_469 : vector<1x16xi32> to vector<16xi32>
          %shift_right_logical3A_471 = arith.constant 14 : i32
          %shift_right_logical3A_472 = vector.broadcast %shift_right_logical3A_471 : i32 to vector<16xi32>
          %shift_right_logical3A_473 = arith.shrui %get3A_470, %shift_right_logical3A_472 : vector<16xi32>
          %shift_right_logical3A_474 = arith.constant 3 : i32
          %shift_right_logical3A_475 = vector.broadcast %shift_right_logical3A_474 : i32 to vector<16xi32>
          %shift_right_logical3A_476 = arith.shrui %shift_right_logical3A_473, %shift_right_logical3A_475 : vector<16xi32>
          %shift_left3A_477 = arith.constant 3 : i32
          %shift_left3A_478 = vector.broadcast %shift_left3A_477 : i32 to vector<16xi32>
          %shift_left3A_479 = arith.shli %shift_right_logical3A_476, %shift_left3A_478 : vector<16xi32>
          %sub3A_480 = arith.subi %shift_right_logical3A_473, %shift_left3A_479 : vector<16xi32>
          %shift_left3A_481 = arith.constant 14 : i32
          %shift_left3A_482 = vector.broadcast %shift_left3A_481 : i32 to vector<16xi32>
          %shift_left3A_483 = arith.shli %shift_right_logical3A_473, %shift_left3A_482 : vector<16xi32>
          %sub3A_484 = arith.subi %get3A_470, %shift_left3A_483 : vector<16xi32>
          %swap3A_485 = arith.constant 0 : index
          %swap3A_486 = tpu.vector_load %arg8[%swap3A_485] {strides = array<i32>} : memref<128xi32, #tpu.memory_space<vmem>>, vector<16xi32>,
          %swap3A_487 = vector.shape_cast %swap3A_486 : vector<16xi32> to vector<16xi32>
          %swap3A_488 = vector.shape_cast %shift_right_logical3A_476 : vector<16xi32> to vector<16xi32>
          tpu.vector_store %arg8[%swap3A_485], %swap3A_488 {strides = array<i32>} : memref<128xi32, #tpu.memory_space<vmem>>, vector<16xi32>,
          %swap3A_489 = arith.constant 0 : index
          %swap3A_490 = tpu.vector_load %arg10[%swap3A_489] {strides = array<i32>} : memref<128xi32, #tpu.memory_space<vmem>>, vector<16xi32>,
          %swap3A_491 = vector.shape_cast %swap3A_490 : vector<16xi32> to vector<16xi32>
          %swap3A_492 = vector.shape_cast %shift_right_logical3A_473 : vector<16xi32> to vector<16xi32>
          tpu.vector_store %arg10[%swap3A_489], %swap3A_492 {strides = array<i32>} : memref<128xi32, #tpu.memory_space<vmem>>, vector<16xi32>,
          %mul3A_493 = arith.constant 10000 : i32
          %mul3A_494 = vector.broadcast %mul3A_493 : i32 to vector<16xi32>
          %mul3A_495 = arith.muli %sub3A_480, %mul3A_494 : vector<16xi32>
          %add3A_496 = arith.addi %mul3A_495, %sub3A_484 : vector<16xi32>
          %swap3A_497 = arith.constant 0 : index
          %swap3A_498 = tpu.vector_load %arg12[%swap3A_497] {strides = array<i32>} : memref<128xi32, #tpu.memory_space<vmem>>, vector<16xi32>,
          %swap3A_499 = vector.shape_cast %swap3A_498 : vector<16xi32> to vector<16xi32>
          %swap3A_500 = vector.shape_cast %add3A_496 : vector<16xi32> to vector<16xi32>
          tpu.vector_store %arg12[%swap3A_497], %swap3A_500 {strides = array<i32>} : memref<128xi32, #tpu.memory_space<vmem>>, vector<16xi32>,
          %get3A_501 = arith.constant 0 : i32
          %get3A_502 = arith.index_cast %get3A_501 : i32 to index
          %get3A_503 = arith.constant 16 : index
          %get3A_504 = tpu.vector_load %arg7[%get3A_502, %get3A_503] {strides = array<i32>} : memref<2x128xi32, #tpu.memory_space<vmem>>, vector<1x16xi32>,
          %get3A_505 = vector.shape_cast %get3A_504 : vector<1x16xi32> to vector<16xi32>
          %shift_right_logical3A_506 = arith.constant 14 : i32
          %shift_right_logical3A_507 = vector.broadcast %shift_right_logical3A_506 : i32 to vector<16xi32>
          %shift_right_logical3A_508 = arith.shrui %get3A_505, %shift_right_logical3A_507 : vector<16xi32>
          %shift_right_logical3A_509 = arith.constant 3 : i32
          %shift_right_logical3A_510 = vector.broadcast %shift_right_logical3A_509 : i32 to vector<16xi32>
          %shift_right_logical3A_511 = arith.shrui %shift_right_logical3A_508, %shift_right_logical3A_510 : vector<16xi32>
          %shift_left3A_512 = arith.constant 3 : i32
          %shift_left3A_513 = vector.broadcast %shift_left3A_512 : i32 to vector<16xi32>
          %shift_left3A_514 = arith.shli %shift_right_logical3A_511, %shift_left3A_513 : vector<16xi32>
          %sub3A_515 = arith.subi %shift_right_logical3A_508, %shift_left3A_514 : vector<16xi32>
          %shift_left3A_516 = arith.constant 14 : i32
          %shift_left3A_517 = vector.broadcast %shift_left3A_516 : i32 to vector<16xi32>
          %shift_left3A_518 = arith.shli %shift_right_logical3A_508, %shift_left3A_517 : vector<16xi32>
          %sub3A_519 = arith.subi %get3A_505, %shift_left3A_518 : vector<16xi32>
          %swap3A_520 = arith.constant 16 : index
          %swap3A_521 = tpu.vector_load %arg8[%swap3A_520] {strides = array<i32>} : memref<128xi32, #tpu.memory_space<vmem>>, vector<16xi32>,
          %swap3A_522 = vector.shape_cast %swap3A_521 : vector<16xi32> to vector<16xi32>
          %swap3A_523 = vector.shape_cast %shift_right_logical3A_511 : vector<16xi32> to vector<16xi32>
          tpu.vector_store %arg8[%swap3A_520], %swap3A_523 {strides = array<i32>} : memref<128xi32, #tpu.memory_space<vmem>>, vector<16xi32>,
          %swap3A_524 = arith.constant 16 : index
          %swap3A_525 = tpu.vector_load %arg10[%swap3A_524] {strides = array<i32>} : memref<128xi32, #tpu.memory_space<vmem>>, vector<16xi32>,
          %swap3A_526 = vector.shape_cast %swap3A_525 : vector<16xi32> to vector<16xi32>
          %swap3A_527 = vector.shape_cast %shift_right_logical3A_508 : vector<16xi32> to vector<16xi32>
          tpu.vector_store %arg10[%swap3A_524], %swap3A_527 {strides = array<i32>} : memref<128xi32, #tpu.memory_space<vmem>>, vector<16xi32>,
          %mul3A_528 = arith.constant 10000 : i32
          %mul3A_529 = vector.broadcast %mul3A_528 : i32 to vector<16xi32>
          %mul3A_530 = arith.muli %sub3A_515, %mul3A_529 : vector<16xi32>
          %add3A_531 = arith.addi %mul3A_530, %sub3A_519 : vector<16xi32>
          %swap3A_532 = arith.constant 16 : index
          %swap3A_533 = tpu.vector_load %arg12[%swap3A_532] {strides = array<i32>} : memref<128xi32, #tpu.memory_space<vmem>>, vector<16xi32>,
          %swap3A_534 = vector.shape_cast %swap3A_533 : vector<16xi32> to vector<16xi32>
          %swap3A_535 = vector.shape_cast %add3A_531 : vector<16xi32> to vector<16xi32>
          tpu.vector_store %arg12[%swap3A_532], %swap3A_535 {strides = array<i32>} : memref<128xi32, #tpu.memory_space<vmem>>, vector<16xi32>,
          %get3A_536 = arith.constant 0 : i32
          %get3A_537 = arith.index_cast %get3A_536 : i32 to index
          %get3A_538 = arith.constant 32 : index
          %get3A_539 = tpu.vector_load %arg7[%get3A_537, %get3A_538] {strides = array<i32>} : memref<2x128xi32, #tpu.memory_space<vmem>>, vector<1x16xi32>,
          %get3A_540 = vector.shape_cast %get3A_539 : vector<1x16xi32> to vector<16xi32>
          %shift_right_logical3A_541 = arith.constant 14 : i32
          %shift_right_logical3A_542 = vector.broadcast %shift_right_logical3A_541 : i32 to vector<16xi32>
          %shift_right_logical3A_543 = arith.shrui %get3A_540, %shift_right_logical3A_542 : vector<16xi32>
          %shift_right_logical3A_544 = arith.constant 3 : i32
          %shift_right_logical3A_545 = vector.broadcast %shift_right_logical3A_544 : i32 to vector<16xi32>
          %shift_right_logical3A_546 = arith.shrui %shift_right_logical3A_543, %shift_right_logical3A_545 : vector<16xi32>
          %shift_left3A_547 = arith.constant 3 : i32
          %shift_left3A_548 = vector.broadcast %shift_left3A_547 : i32 to vector<16xi32>
          %shift_left3A_549 = arith.shli %shift_right_logical3A_546, %shift_left3A_548 : vector<16xi32>
          %sub3A_550 = arith.subi %shift_right_logical3A_543, %shift_left3A_549 : vector<16xi32>
          %shift_left3A_551 = arith.constant 14 : i32
          %shift_left3A_552 = vector.broadcast %shift_left3A_551 : i32 to vector<16xi32>
          %shift_left3A_553 = arith.shli %shift_right_logical3A_543, %shift_left3A_552 : vector<16xi32>
          %sub3A_554 = arith.subi %get3A_540, %shift_left3A_553 : vector<16xi32>
          %swap3A_555 = arith.constant 32 : index
          %swap3A_556 = tpu.vector_load %arg8[%swap3A_555] {strides = array<i32>} : memref<128xi32, #tpu.memory_space<vmem>>, vector<16xi32>,
          %swap3A_557 = vector.shape_cast %swap3A_556 : vector<16xi32> to vector<16xi32>
          %swap3A_558 = vector.shape_cast %shift_right_logical3A_546 : vector<16xi32> to vector<16xi32>
          tpu.vector_store %arg8[%swap3A_555], %swap3A_558 {strides = array<i32>} : memref<128xi32, #tpu.memory_space<vmem>>, vector<16xi32>,
          %swap3A_559 = arith.constant 32 : index
          %swap3A_560 = tpu.vector_load %arg10[%swap3A_559] {strides = array<i32>} : memref<128xi32, #tpu.memory_space<vmem>>, vector<16xi32>,
          %swap3A_561 = vector.shape_cast %swap3A_560 : vector<16xi32> to vector<16xi32>
          %swap3A_562 = vector.shape_cast %shift_right_logical3A_543 : vector<16xi32> to vector<16xi32>
          tpu.vector_store %arg10[%swap3A_559], %swap3A_562 {strides = array<i32>} : memref<128xi32, #tpu.memory_space<vmem>>, vector<16xi32>,
          %mul3A_563 = arith.constant 10000 : i32
          %mul3A_564 = vector.broadcast %mul3A_563 : i32 to vector<16xi32>
          %mul3A_565 = arith.muli %sub3A_550, %mul3A_564 : vector<16xi32>
          %add3A_566 = arith.addi %mul3A_565, %sub3A_554 : vector<16xi32>
          %swap3A_567 = arith.constant 32 : index
          %swap3A_568 = tpu.vector_load %arg12[%swap3A_567] {strides = array<i32>} : memref<128xi32, #tpu.memory_space<vmem>>, vector<16xi32>,
          %swap3A_569 = vector.shape_cast %swap3A_568 : vector<16xi32> to vector<16xi32>
          %swap3A_570 = vector.shape_cast %add3A_566 : vector<16xi32> to vector<16xi32>
          tpu.vector_store %arg12[%swap3A_567], %swap3A_570 {strides = array<i32>} : memref<128xi32, #tpu.memory_space<vmem>>, vector<16xi32>,
          %get3A_571 = arith.constant 0 : i32
          %get3A_572 = arith.index_cast %get3A_571 : i32 to index
          %get3A_573 = arith.constant 48 : index
          %get3A_574 = tpu.vector_load %arg7[%get3A_572, %get3A_573] {strides = array<i32>} : memref<2x128xi32, #tpu.memory_space<vmem>>, vector<1x16xi32>,
          %get3A_575 = vector.shape_cast %get3A_574 : vector<1x16xi32> to vector<16xi32>
          %shift_right_logical3A_576 = arith.constant 14 : i32
          %shift_right_logical3A_577 = vector.broadcast %shift_right_logical3A_576 : i32 to vector<16xi32>
          %shift_right_logical3A_578 = arith.shrui %get3A_575, %shift_right_logical3A_577 : vector<16xi32>
          %shift_right_logical3A_579 = arith.constant 3 : i32
          %shift_right_logical3A_580 = vector.broadcast %shift_right_logical3A_579 : i32 to vector<16xi32>
          %shift_right_logical3A_581 = arith.shrui %shift_right_logical3A_578, %shift_right_logical3A_580 : vector<16xi32>
          %shift_left3A_582 = arith.constant 3 : i32
          %shift_left3A_583 = vector.broadcast %shift_left3A_582 : i32 to vector<16xi32>
          %shift_left3A_584 = arith.shli %shift_right_logical3A_581, %shift_left3A_583 : vector<16xi32>
          %sub3A_585 = arith.subi %shift_right_logical3A_578, %shift_left3A_584 : vector<16xi32>
          %shift_left3A_586 = arith.constant 14 : i32
          %shift_left3A_587 = vector.broadcast %shift_left3A_586 : i32 to vector<16xi32>
          %shift_left3A_588 = arith.shli %shift_right_logical3A_578, %shift_left3A_587 : vector<16xi32>
          %sub3A_589 = arith.subi %get3A_575, %shift_left3A_588 : vector<16xi32>
          %swap3A_590 = arith.constant 48 : index
          %swap3A_591 = tpu.vector_load %arg8[%swap3A_590] {strides = array<i32>} : memref<128xi32, #tpu.memory_space<vmem>>, vector<16xi32>,
          %swap3A_592 = vector.shape_cast %swap3A_591 : vector<16xi32> to vector<16xi32>
          %swap3A_593 = vector.shape_cast %shift_right_logical3A_581 : vector<16xi32> to vector<16xi32>
          tpu.vector_store %arg8[%swap3A_590], %swap3A_593 {strides = array<i32>} : memref<128xi32, #tpu.memory_space<vmem>>, vector<16xi32>,
          %swap3A_594 = arith.constant 48 : index
          %swap3A_595 = tpu.vector_load %arg10[%swap3A_594] {strides = array<i32>} : memref<128xi32, #tpu.memory_space<vmem>>, vector<16xi32>,
          %swap3A_596 = vector.shape_cast %swap3A_595 : vector<16xi32> to vector<16xi32>
          %swap3A_597 = vector.shape_cast %shift_right_logical3A_578 : vector<16xi32> to vector<16xi32>
          tpu.vector_store %arg10[%swap3A_594], %swap3A_597 {strides = array<i32>} : memref<128xi32, #tpu.memory_space<vmem>>, vector<16xi32>,
          %mul3A_598 = arith.constant 10000 : i32
          %mul3A_599 = vector.broadcast %mul3A_598 : i32 to vector<16xi32>
          %mul3A_600 = arith.muli %sub3A_585, %mul3A_599 : vector<16xi32>
          %add3A_601 = arith.addi %mul3A_600, %sub3A_589 : vector<16xi32>
          %swap3A_602 = arith.constant 48 : index
          %swap3A_603 = tpu.vector_load %arg12[%swap3A_602] {strides = array<i32>} : memref<128xi32, #tpu.memory_space<vmem>>, vector<16xi32>,
          %swap3A_604 = vector.shape_cast %swap3A_603 : vector<16xi32> to vector<16xi32>
          %swap3A_605 = vector.shape_cast %add3A_601 : vector<16xi32> to vector<16xi32>
          tpu.vector_store %arg12[%swap3A_602], %swap3A_605 {strides = array<i32>} : memref<128xi32, #tpu.memory_space<vmem>>, vector<16xi32>,
          %get3A_606 = arith.constant 0 : i32
          %get3A_607 = arith.index_cast %get3A_606 : i32 to index
          %get3A_608 = arith.constant 64 : index
          %get3A_609 = tpu.vector_load %arg7[%get3A_607, %get3A_608] {strides = array<i32>} : memref<2x128xi32, #tpu.memory_space<vmem>>, vector<1x16xi32>,
          %get3A_610 = vector.shape_cast %get3A_609 : vector<1x16xi32> to vector<16xi32>
          %shift_right_logical3A_611 = arith.constant 14 : i32
          %shift_right_logical3A_612 = vector.broadcast %shift_right_logical3A_611 : i32 to vector<16xi32>
          %shift_right_logical3A_613 = arith.shrui %get3A_610, %shift_right_logical3A_612 : vector<16xi32>
          %shift_right_logical3A_614 = arith.constant 3 : i32
          %shift_right_logical3A_615 = vector.broadcast %shift_right_logical3A_614 : i32 to vector<16xi32>
          %shift_right_logical3A_616 = arith.shrui %shift_right_logical3A_613, %shift_right_logical3A_615 : vector<16xi32>
          %shift_left3A_617 = arith.constant 3 : i32
          %shift_left3A_618 = vector.broadcast %shift_left3A_617 : i32 to vector<16xi32>
          %shift_left3A_619 = arith.shli %shift_right_logical3A_616, %shift_left3A_618 : vector<16xi32>
          %sub3A_620 = arith.subi %shift_right_logical3A_613, %shift_left3A_619 : vector<16xi32>
          %shift_left3A_621 = arith.constant 14 : i32
          %shift_left3A_622 = vector.broadcast %shift_left3A_621 : i32 to vector<16xi32>
          %shift_left3A_623 = arith.shli %shift_right_logical3A_613, %shift_left3A_622 : vector<16xi32>
          %sub3A_624 = arith.subi %get3A_610, %shift_left3A_623 : vector<16xi32>
          %swap3A_625 = arith.constant 64 : index
          %swap3A_626 = tpu.vector_load %arg8[%swap3A_625] {strides = array<i32>} : memref<128xi32, #tpu.memory_space<vmem>>, vector<16xi32>,
          %swap3A_627 = vector.shape_cast %swap3A_626 : vector<16xi32> to vector<16xi32>
          %swap3A_628 = vector.shape_cast %shift_right_logical3A_616 : vector<16xi32> to vector<16xi32>
          tpu.vector_store %arg8[%swap3A_625], %swap3A_628 {strides = array<i32>} : memref<128xi32, #tpu.memory_space<vmem>>, vector<16xi32>,
          %swap3A_629 = arith.constant 64 : index
          %swap3A_630 = tpu.vector_load %arg10[%swap3A_629] {strides = array<i32>} : memref<128xi32, #tpu.memory_space<vmem>>, vector<16xi32>,
          %swap3A_631 = vector.shape_cast %swap3A_630 : vector<16xi32> to vector<16xi32>
          %swap3A_632 = vector.shape_cast %shift_right_logical3A_613 : vector<16xi32> to vector<16xi32>
          tpu.vector_store %arg10[%swap3A_629], %swap3A_632 {strides = array<i32>} : memref<128xi32, #tpu.memory_space<vmem>>, vector<16xi32>,
          %mul3A_633 = arith.constant 10000 : i32
          %mul3A_634 = vector.broadcast %mul3A_633 : i32 to vector<16xi32>
          %mul3A_635 = arith.muli %sub3A_620, %mul3A_634 : vector<16xi32>
          %add3A_636 = arith.addi %mul3A_635, %sub3A_624 : vector<16xi32>
          %swap3A_637 = arith.constant 64 : index
          %swap3A_638 = tpu.vector_load %arg12[%swap3A_637] {strides = array<i32>} : memref<128xi32, #tpu.memory_space<vmem>>, vector<16xi32>,
          %swap3A_639 = vector.shape_cast %swap3A_638 : vector<16xi32> to vector<16xi32>
          %swap3A_640 = vector.shape_cast %add3A_636 : vector<16xi32> to vector<16xi32>
          tpu.vector_store %arg12[%swap3A_637], %swap3A_640 {strides = array<i32>} : memref<128xi32, #tpu.memory_space<vmem>>, vector<16xi32>,
          %get3A_641 = arith.constant 0 : i32
          %get3A_642 = arith.index_cast %get3A_641 : i32 to index
          %get3A_643 = arith.constant 80 : index
          %get3A_644 = tpu.vector_load %arg7[%get3A_642, %get3A_643] {strides = array<i32>} : memref<2x128xi32, #tpu.memory_space<vmem>>, vector<1x16xi32>,
          %get3A_645 = vector.shape_cast %get3A_644 : vector<1x16xi32> to vector<16xi32>
          %shift_right_logical3A_646 = arith.constant 14 : i32
          %shift_right_logical3A_647 = vector.broadcast %shift_right_logical3A_646 : i32 to vector<16xi32>
          %shift_right_logical3A_648 = arith.shrui %get3A_645, %shift_right_logical3A_647 : vector<16xi32>
          %shift_right_logical3A_649 = arith.constant 3 : i32
          %shift_right_logical3A_650 = vector.broadcast %shift_right_logical3A_649 : i32 to vector<16xi32>
          %shift_right_logical3A_651 = arith.shrui %shift_right_logical3A_648, %shift_right_logical3A_650 : vector<16xi32>
          %shift_left3A_652 = arith.constant 3 : i32
          %shift_left3A_653 = vector.broadcast %shift_left3A_652 : i32 to vector<16xi32>
          %shift_left3A_654 = arith.shli %shift_right_logical3A_651, %shift_left3A_653 : vector<16xi32>
          %sub3A_655 = arith.subi %shift_right_logical3A_648, %shift_left3A_654 : vector<16xi32>
          %shift_left3A_656 = arith.constant 14 : i32
          %shift_left3A_657 = vector.broadcast %shift_left3A_656 : i32 to vector<16xi32>
          %shift_left3A_658 = arith.shli %shift_right_logical3A_648, %shift_left3A_657 : vector<16xi32>
          %sub3A_659 = arith.subi %get3A_645, %shift_left3A_658 : vector<16xi32>
          %swap3A_660 = arith.constant 80 : index
          %swap3A_661 = tpu.vector_load %arg8[%swap3A_660] {strides = array<i32>} : memref<128xi32, #tpu.memory_space<vmem>>, vector<16xi32>,
          %swap3A_662 = vector.shape_cast %swap3A_661 : vector<16xi32> to vector<16xi32>
          %swap3A_663 = vector.shape_cast %shift_right_logical3A_651 : vector<16xi32> to vector<16xi32>
          tpu.vector_store %arg8[%swap3A_660], %swap3A_663 {strides = array<i32>} : memref<128xi32, #tpu.memory_space<vmem>>, vector<16xi32>,
          %swap3A_664 = arith.constant 80 : index
          %swap3A_665 = tpu.vector_load %arg10[%swap3A_664] {strides = array<i32>} : memref<128xi32, #tpu.memory_space<vmem>>, vector<16xi32>,
          %swap3A_666 = vector.shape_cast %swap3A_665 : vector<16xi32> to vector<16xi32>
          %swap3A_667 = vector.shape_cast %shift_right_logical3A_648 : vector<16xi32> to vector<16xi32>
          tpu.vector_store %arg10[%swap3A_664], %swap3A_667 {strides = array<i32>} : memref<128xi32, #tpu.memory_space<vmem>>, vector<16xi32>,
          %mul3A_668 = arith.constant 10000 : i32
          %mul3A_669 = vector.broadcast %mul3A_668 : i32 to vector<16xi32>
          %mul3A_670 = arith.muli %sub3A_655, %mul3A_669 : vector<16xi32>
          %add3A_671 = arith.addi %mul3A_670, %sub3A_659 : vector<16xi32>
          %swap3A_672 = arith.constant 80 : index
          %swap3A_673 = tpu.vector_load %arg12[%swap3A_672] {strides = array<i32>} : memref<128xi32, #tpu.memory_space<vmem>>, vector<16xi32>,
          %swap3A_674 = vector.shape_cast %swap3A_673 : vector<16xi32> to vector<16xi32>
          %swap3A_675 = vector.shape_cast %add3A_671 : vector<16xi32> to vector<16xi32>
          tpu.vector_store %arg12[%swap3A_672], %swap3A_675 {strides = array<i32>} : memref<128xi32, #tpu.memory_space<vmem>>, vector<16xi32>,
          %get3A_676 = arith.constant 0 : i32
          %get3A_677 = arith.index_cast %get3A_676 : i32 to index
          %get3A_678 = arith.constant 96 : index
          %get3A_679 = tpu.vector_load %arg7[%get3A_677, %get3A_678] {strides = array<i32>} : memref<2x128xi32, #tpu.memory_space<vmem>>, vector<1x16xi32>,
          %get3A_680 = vector.shape_cast %get3A_679 : vector<1x16xi32> to vector<16xi32>
          %shift_right_logical3A_681 = arith.constant 14 : i32
          %shift_right_logical3A_682 = vector.broadcast %shift_right_logical3A_681 : i32 to vector<16xi32>
          %shift_right_logical3A_683 = arith.shrui %get3A_680, %shift_right_logical3A_682 : vector<16xi32>
          %shift_right_logical3A_684 = arith.constant 3 : i32
          %shift_right_logical3A_685 = vector.broadcast %shift_right_logical3A_684 : i32 to vector<16xi32>
          %shift_right_logical3A_686 = arith.shrui %shift_right_logical3A_683, %shift_right_logical3A_685 : vector<16xi32>
          %shift_left3A_687 = arith.constant 3 : i32
          %shift_left3A_688 = vector.broadcast %shift_left3A_687 : i32 to vector<16xi32>
          %shift_left3A_689 = arith.shli %shift_right_logical3A_686, %shift_left3A_688 : vector<16xi32>
          %sub3A_690 = arith.subi %shift_right_logical3A_683, %shift_left3A_689 : vector<16xi32>
          %shift_left3A_691 = arith.constant 14 : i32
          %shift_left3A_692 = vector.broadcast %shift_left3A_691 : i32 to vector<16xi32>
          %shift_left3A_693 = arith.shli %shift_right_logical3A_683, %shift_left3A_692 : vector<16xi32>
          %sub3A_694 = arith.subi %get3A_680, %shift_left3A_693 : vector<16xi32>
          %swap3A_695 = arith.constant 96 : index
          %swap3A_696 = tpu.vector_load %arg8[%swap3A_695] {strides = array<i32>} : memref<128xi32, #tpu.memory_space<vmem>>, vector<16xi32>,
          %swap3A_697 = vector.shape_cast %swap3A_696 : vector<16xi32> to vector<16xi32>
          %swap3A_698 = vector.shape_cast %shift_right_logical3A_686 : vector<16xi32> to vector<16xi32>
          tpu.vector_store %arg8[%swap3A_695], %swap3A_698 {strides = array<i32>} : memref<128xi32, #tpu.memory_space<vmem>>, vector<16xi32>,
          %swap3A_699 = arith.constant 96 : index
          %swap3A_700 = tpu.vector_load %arg10[%swap3A_699] {strides = array<i32>} : memref<128xi32, #tpu.memory_space<vmem>>, vector<16xi32>,
          %swap3A_701 = vector.shape_cast %swap3A_700 : vector<16xi32> to vector<16xi32>
          %swap3A_702 = vector.shape_cast %shift_right_logical3A_683 : vector<16xi32> to vector<16xi32>
          tpu.vector_store %arg10[%swap3A_699], %swap3A_702 {strides = array<i32>} : memref<128xi32, #tpu.memory_space<vmem>>, vector<16xi32>,
          %mul3A_703 = arith.constant 10000 : i32
          %mul3A_704 = vector.broadcast %mul3A_703 : i32 to vector<16xi32>
          %mul3A_705 = arith.muli %sub3A_690, %mul3A_704 : vector<16xi32>
          %add3A_706 = arith.addi %mul3A_705, %sub3A_694 : vector<16xi32>
          %swap3A_707 = arith.constant 96 : index
          %swap3A_708 = tpu.vector_load %arg12[%swap3A_707] {strides = array<i32>} : memref<128xi32, #tpu.memory_space<vmem>>, vector<16xi32>,
          %swap3A_709 = vector.shape_cast %swap3A_708 : vector<16xi32> to vector<16xi32>
          %swap3A_710 = vector.shape_cast %add3A_706 : vector<16xi32> to vector<16xi32>
          tpu.vector_store %arg12[%swap3A_707], %swap3A_710 {strides = array<i32>} : memref<128xi32, #tpu.memory_space<vmem>>, vector<16xi32>,
          %get3A_711 = arith.constant 0 : i32
          %get3A_712 = arith.index_cast %get3A_711 : i32 to index
          %get3A_713 = arith.constant 112 : index
          %get3A_714 = tpu.vector_load %arg7[%get3A_712, %get3A_713] {strides = array<i32>} : memref<2x128xi32, #tpu.memory_space<vmem>>, vector<1x16xi32>,
          %get3A_715 = vector.shape_cast %get3A_714 : vector<1x16xi32> to vector<16xi32>
          %shift_right_logical3A_716 = arith.constant 14 : i32
          %shift_right_logical3A_717 = vector.broadcast %shift_right_logical3A_716 : i32 to vector<16xi32>
          %shift_right_logical3A_718 = arith.shrui %get3A_715, %shift_right_logical3A_717 : vector<16xi32>
          %shift_right_logical3A_719 = arith.constant 3 : i32
          %shift_right_logical3A_720 = vector.broadcast %shift_right_logical3A_719 : i32 to vector<16xi32>
          %shift_right_logical3A_721 = arith.shrui %shift_right_logical3A_718, %shift_right_logical3A_720 : vector<16xi32>
          %shift_left3A_722 = arith.constant 3 : i32
          %shift_left3A_723 = vector.broadcast %shift_left3A_722 : i32 to vector<16xi32>
          %shift_left3A_724 = arith.shli %shift_right_logical3A_721, %shift_left3A_723 : vector<16xi32>
          %sub3A_725 = arith.subi %shift_right_logical3A_718, %shift_left3A_724 : vector<16xi32>
          %shift_left3A_726 = arith.constant 14 : i32
          %shift_left3A_727 = vector.broadcast %shift_left3A_726 : i32 to vector<16xi32>
          %shift_left3A_728 = arith.shli %shift_right_logical3A_718, %shift_left3A_727 : vector<16xi32>
          %sub3A_729 = arith.subi %get3A_715, %shift_left3A_728 : vector<16xi32>
          %swap3A_730 = arith.constant 112 : index
          %swap3A_731 = tpu.vector_load %arg8[%swap3A_730] {strides = array<i32>} : memref<128xi32, #tpu.memory_space<vmem>>, vector<16xi32>,
          %swap3A_732 = vector.shape_cast %swap3A_731 : vector<16xi32> to vector<16xi32>
          %swap3A_733 = vector.shape_cast %shift_right_logical3A_721 : vector<16xi32> to vector<16xi32>
          tpu.vector_store %arg8[%swap3A_730], %swap3A_733 {strides = array<i32>} : memref<128xi32, #tpu.memory_space<vmem>>, vector<16xi32>,
          %swap3A_734 = arith.constant 112 : index
          %swap3A_735 = tpu.vector_load %arg10[%swap3A_734] {strides = array<i32>} : memref<128xi32, #tpu.memory_space<vmem>>, vector<16xi32>,
          %swap3A_736 = vector.shape_cast %swap3A_735 : vector<16xi32> to vector<16xi32>
          %swap3A_737 = vector.shape_cast %shift_right_logical3A_718 : vector<16xi32> to vector<16xi32>
          tpu.vector_store %arg10[%swap3A_734], %swap3A_737 {strides = array<i32>} : memref<128xi32, #tpu.memory_space<vmem>>, vector<16xi32>,
          %mul3A_738 = arith.constant 10000 : i32
          %mul3A_739 = vector.broadcast %mul3A_738 : i32 to vector<16xi32>
          %mul3A_740 = arith.muli %sub3A_725, %mul3A_739 : vector<16xi32>
          %add3A_741 = arith.addi %mul3A_740, %sub3A_729 : vector<16xi32>
          %swap3A_742 = arith.constant 112 : index
          %swap3A_743 = tpu.vector_load %arg12[%swap3A_742] {strides = array<i32>} : memref<128xi32, #tpu.memory_space<vmem>>, vector<16xi32>,
          %swap3A_744 = vector.shape_cast %swap3A_743 : vector<16xi32> to vector<16xi32>
          %swap3A_745 = vector.shape_cast %add3A_741 : vector<16xi32> to vector<16xi32>
          tpu.vector_store %arg12[%swap3A_742], %swap3A_745 {strides = array<i32>} : memref<128xi32, #tpu.memory_space<vmem>>, vector<16xi32>,
          %dma_start3A_746 = arith.constant 0 : i32
          %dma_start3A_747 = arith.constant 0 : i32
          %dma_start3A_748 = arith.constant 0 : i32
          %dma_start3A_749 = tpu.memref_slice %arg16[%dma_start3A_746, %dma_start3A_747, %dma_start3A_748] : memref<2x128x128xf32, #tpu.memory_space<vmem>> -> memref<1x64x128xf32, #tpu.memory_space<vmem>>
          %dma_start3A_750 = tpu.memref_squeeze %dma_start3A_749 : memref<1x64x128xf32, #tpu.memory_space<vmem>> -> memref<64x128xf32, #tpu.memory_space<vmem>>
          %dma_start3A_751 = arith.constant 0 : i32
          %dma_start3A_752 = tpu.memref_slice %arg12[%dma_start3A_751] : memref<128xi32, #tpu.memory_space<vmem>> -> memref<64xi32, #tpu.memory_space<vmem>>
          %dma_start3A_753 = arith.constant 0 : i32
          %dma_start3A_754 = arith.constant 0 : i32
          %dma_start3A_755 = tpu.memref_slice %arg3[%dma_start3A_753, %dma_start3A_754] : memref<80000x128xf32, #tpu.memory_space<hbm>> -> memref<80000x128xf32, #tpu.memory_space<hbm>>
          tpu.enqueue_indirect_dma source(%dma_start3A_755 : memref<80000x128xf32, #tpu.memory_space<hbm>>) target(%dma_start3A_750 : memref<64x128xf32, #tpu.memory_space<vmem>>) offsets(%dma_start3A_752 : memref<64xi32, #tpu.memory_space<vmem>>) semaphore(%arg20 : memref<!tpu.dma_semaphore, #tpu.memory_space<semaphore_mem>>)
          %dma_start3A_756 = arith.constant 0 : i32
          %dma_start3A_757 = arith.constant 64 : i32
          %dma_start3A_758 = arith.constant 0 : i32
          %dma_start3A_759 = tpu.memref_slice %arg16[%dma_start3A_756, %dma_start3A_757, %dma_start3A_758] : memref<2x128x128xf32, #tpu.memory_space<vmem>> -> memref<1x64x128xf32, #tpu.memory_space<vmem>>
          %dma_start3A_760 = tpu.memref_squeeze %dma_start3A_759 : memref<1x64x128xf32, #tpu.memory_space<vmem>> -> memref<64x128xf32, #tpu.memory_space<vmem>>
          %dma_start3A_761 = arith.constant 64 : i32
          %dma_start3A_762 = tpu.memref_slice %arg12[%dma_start3A_761] : memref<128xi32, #tpu.memory_space<vmem>> -> memref<64xi32, #tpu.memory_space<vmem>>
          %dma_start3A_763 = arith.constant 0 : i32
          %dma_start3A_764 = arith.constant 0 : i32
          %dma_start3A_765 = tpu.memref_slice %arg3[%dma_start3A_763, %dma_start3A_764] : memref<80000x128xf32, #tpu.memory_space<hbm>> -> memref<80000x128xf32, #tpu.memory_space<hbm>>
          tpu.enqueue_indirect_dma source(%dma_start3A_765 : memref<80000x128xf32, #tpu.memory_space<hbm>>) target(%dma_start3A_760 : memref<64x128xf32, #tpu.memory_space<vmem>>) offsets(%dma_start3A_762 : memref<64xi32, #tpu.memory_space<vmem>>) semaphore(%arg20 : memref<!tpu.dma_semaphore, #tpu.memory_space<semaphore_mem>>)
          %dma_start3A_766 = arith.constant 0 : i32
          %dma_start3A_767 = tpu.memref_slice %arg14[%dma_start3A_766] : memref<144xf32, #tpu.memory_space<vmem>> -> memref<128xf32, #tpu.memory_space<vmem>>
          %dma_start3A_768 = arith.constant 0 : i32
          %dma_start3A_769 = tpu.memref_slice %arg4[%dma_start3A_768] : memref<80128xf32, #tpu.memory_space<hbm>> -> memref<80128xf32, #tpu.memory_space<hbm>>
          tpu.enqueue_indirect_dma source(%dma_start3A_769 : memref<80128xf32, #tpu.memory_space<hbm>>) target(%dma_start3A_767 : memref<128xf32, #tpu.memory_space<vmem>>) offsets(%arg10 : memref<128xi32, #tpu.memory_space<vmem>>) semaphore(%arg22 : memref<!tpu.dma_semaphore, #tpu.memory_space<semaphore_mem>>)
        } else {
        }
        %dma_wait3A_416 = arith.constant 1 : i32
        %dma_wait3A_417 = arith.constant 0 : i32
        %dma_wait3A_418 = arith.constant 0 : i32
        %dma_wait3A_419 = tpu.memref_slice %arg16[%dma_wait3A_416, %dma_wait3A_417, %dma_wait3A_418] : memref<2x128x128xf32, #tpu.memory_space<vmem>> -> memref<1x64x128xf32, #tpu.memory_space<vmem>>
        %dma_wait3A_420 = tpu.memref_squeeze %dma_wait3A_419 : memref<1x64x128xf32, #tpu.memory_space<vmem>> -> memref<64x128xf32, #tpu.memory_space<vmem>>
        %dma_wait3A_421 = arith.constant 0 : i32
        %dma_wait3A_422 = tpu.memref_slice %arg13[%dma_wait3A_421] : memref<128xi32, #tpu.memory_space<vmem>> -> memref<64xi32, #tpu.memory_space<vmem>>
        %dma_wait3A_423 = arith.constant 0 : i32
        %dma_wait3A_424 = arith.constant 0 : i32
        %dma_wait3A_425 = tpu.memref_slice %arg3[%dma_wait3A_423, %dma_wait3A_424] : memref<80000x128xf32, #tpu.memory_space<hbm>> -> memref<80000x128xf32, #tpu.memory_space<hbm>>
        tpu.wait_indirect_dma semaphore(%arg21 : memref<!tpu.dma_semaphore, #tpu.memory_space<semaphore_mem>>) src(%dma_wait3A_425 : memref<80000x128xf32, #tpu.memory_space<hbm>>) dst(%dma_wait3A_420 : memref<64x128xf32, #tpu.memory_space<vmem>>)
        %dma_wait3A_426 = arith.constant 1 : i32
        %dma_wait3A_427 = arith.constant 64 : i32
        %dma_wait3A_428 = arith.constant 0 : i32
        %dma_wait3A_429 = tpu.memref_slice %arg16[%dma_wait3A_426, %dma_wait3A_427, %dma_wait3A_428] : memref<2x128x128xf32, #tpu.memory_space<vmem>> -> memref<1x64x128xf32, #tpu.memory_space<vmem>>
        %dma_wait3A_430 = tpu.memref_squeeze %dma_wait3A_429 : memref<1x64x128xf32, #tpu.memory_space<vmem>> -> memref<64x128xf32, #tpu.memory_space<vmem>>
        %dma_wait3A_431 = arith.constant 64 : i32
        %dma_wait3A_432 = tpu.memref_slice %arg13[%dma_wait3A_431] : memref<128xi32, #tpu.memory_space<vmem>> -> memref<64xi32, #tpu.memory_space<vmem>>
        %dma_wait3A_433 = arith.constant 0 : i32
        %dma_wait3A_434 = arith.constant 0 : i32
        %dma_wait3A_435 = tpu.memref_slice %arg3[%dma_wait3A_433, %dma_wait3A_434] : memref<80000x128xf32, #tpu.memory_space<hbm>> -> memref<80000x128xf32, #tpu.memory_space<hbm>>
        tpu.wait_indirect_dma semaphore(%arg21 : memref<!tpu.dma_semaphore, #tpu.memory_space<semaphore_mem>>) src(%dma_wait3A_435 : memref<80000x128xf32, #tpu.memory_space<hbm>>) dst(%dma_wait3A_430 : memref<64x128xf32, #tpu.memory_space<vmem>>)
        %dma_wait3A_436 = arith.constant 0 : i32
        %dma_wait3A_437 = tpu.memref_slice %arg15[%dma_wait3A_436] : memref<144xf32, #tpu.memory_space<vmem>> -> memref<128xf32, #tpu.memory_space<vmem>>
        %dma_wait3A_438 = arith.constant 0 : i32
        %dma_wait3A_439 = tpu.memref_slice %arg4[%dma_wait3A_438] : memref<80128xf32, #tpu.memory_space<hbm>> -> memref<80128xf32, #tpu.memory_space<hbm>>
        tpu.wait_indirect_dma semaphore(%arg23 : memref<!tpu.dma_semaphore, #tpu.memory_space<semaphore_mem>>) src(%dma_wait3A_439 : memref<80128xf32, #tpu.memory_space<hbm>>) dst(%dma_wait3A_437 : memref<128xf32, #tpu.memory_space<vmem>>)
        %scan3A_440 = arith.constant 0 : i32
        %scan3A_441 = arith.constant 128 : i32
        %scan3A_442 = arith.addi %scan3A_440, %scan3A_441 : i32
        %scan3A_443 = arith.constant 1 : i32
        scf.for %scan3A_453 = %scan3A_440 to %scan3A_442 step %scan3A_443  : i32 {
          %get3A_454 = arith.index_cast %scan3A_453 : i32 to index
          %get3A_455 = tpu.vector_load %arg15[%get3A_454] {strides = array<i32>} : memref<144xf32, #tpu.memory_space<vmem>>, vector<16xf32>,
          %get3A_456 = vector.shape_cast %get3A_455 : vector<16xf32> to vector<16xf32>
          %slice3A = vector.extract_strided_slice %get3A_456 {offsets = [0], sizes = [1], strides = [1]} : vector<16xf32> to vector<1xf32>
          %squeeze3A = vector.extract %slice3A[0] : f32 from vector<1xf32>
          %get3A_457 = arith.constant 1 : i32
          %get3A_458 = arith.index_cast %get3A_457 : i32 to index
          %get3A_459 = arith.index_cast %scan3A_453 : i32 to index
          %get3A_460 = arith.constant 0 : index
          %get3A_461 = tpu.vector_load %arg16[%get3A_458, %get3A_459, %get3A_460] {strides = array<i32>} : memref<2x128x128xf32, #tpu.memory_space<vmem>>, vector<1x1x16xf32>,
          %get3A_462 = vector.shape_cast %get3A_461 : vector<1x1x16xf32> to vector<16xf32>
          %mul3A_463 = vector.broadcast %squeeze3A : f32 to vector<16xf32>
          %mul3A_464 = arith.mulf %get3A_462, %mul3A_463 : vector<16xf32>
          %swap3A_465 = arith.constant 1 : i32
          %swap3A_466 = arith.index_cast %swap3A_465 : i32 to index
          %swap3A_467 = arith.index_cast %scan3A_453 : i32 to index
          %swap3A_468 = arith.constant 0 : index
          %swap3A_469 = tpu.vector_load %arg16[%swap3A_466, %swap3A_467, %swap3A_468] {strides = array<i32>} : memref<2x128x128xf32, #tpu.memory_space<vmem>>, vector<1x1x16xf32>,
          %swap3A_470 = vector.shape_cast %swap3A_469 : vector<1x1x16xf32> to vector<16xf32>
          %swap3A_471 = vector.shape_cast %mul3A_464 : vector<16xf32> to vector<1x1x16xf32>
          tpu.vector_store %arg16[%swap3A_466, %swap3A_467, %swap3A_468], %swap3A_471 {strides = array<i32>} : memref<2x128x128xf32, #tpu.memory_space<vmem>>, vector<1x1x16xf32>,
          %get3A_472 = arith.constant 1 : i32
          %get3A_473 = arith.index_cast %get3A_472 : i32 to index
          %get3A_474 = arith.index_cast %scan3A_453 : i32 to index
          %get3A_475 = arith.constant 16 : index
          %get3A_476 = tpu.vector_load %arg16[%get3A_473, %get3A_474, %get3A_475] {strides = array<i32>} : memref<2x128x128xf32, #tpu.memory_space<vmem>>, vector<1x1x16xf32>,
          %get3A_477 = vector.shape_cast %get3A_476 : vector<1x1x16xf32> to vector<16xf32>
          %mul3A_478 = vector.broadcast %squeeze3A : f32 to vector<16xf32>
          %mul3A_479 = arith.mulf %get3A_477, %mul3A_478 : vector<16xf32>
          %swap3A_480 = arith.constant 1 : i32
          %swap3A_481 = arith.index_cast %swap3A_480 : i32 to index
          %swap3A_482 = arith.index_cast %scan3A_453 : i32 to index
          %swap3A_483 = arith.constant 16 : index
          %swap3A_484 = tpu.vector_load %arg16[%swap3A_481, %swap3A_482, %swap3A_483] {strides = array<i32>} : memref<2x128x128xf32, #tpu.memory_space<vmem>>, vector<1x1x16xf32>,
          %swap3A_485 = vector.shape_cast %swap3A_484 : vector<1x1x16xf32> to vector<16xf32>
          %swap3A_486 = vector.shape_cast %mul3A_479 : vector<16xf32> to vector<1x1x16xf32>
          tpu.vector_store %arg16[%swap3A_481, %swap3A_482, %swap3A_483], %swap3A_486 {strides = array<i32>} : memref<2x128x128xf32, #tpu.memory_space<vmem>>, vector<1x1x16xf32>,
          %get3A_487 = arith.constant 1 : i32
          %get3A_488 = arith.index_cast %get3A_487 : i32 to index
          %get3A_489 = arith.index_cast %scan3A_453 : i32 to index
          %get3A_490 = arith.constant 32 : index
          %get3A_491 = tpu.vector_load %arg16[%get3A_488, %get3A_489, %get3A_490] {strides = array<i32>} : memref<2x128x128xf32, #tpu.memory_space<vmem>>, vector<1x1x16xf32>,
          %get3A_492 = vector.shape_cast %get3A_491 : vector<1x1x16xf32> to vector<16xf32>
          %mul3A_493 = vector.broadcast %squeeze3A : f32 to vector<16xf32>
          %mul3A_494 = arith.mulf %get3A_492, %mul3A_493 : vector<16xf32>
          %swap3A_495 = arith.constant 1 : i32
          %swap3A_496 = arith.index_cast %swap3A_495 : i32 to index
          %swap3A_497 = arith.index_cast %scan3A_453 : i32 to index
          %swap3A_498 = arith.constant 32 : index
          %swap3A_499 = tpu.vector_load %arg16[%swap3A_496, %swap3A_497, %swap3A_498] {strides = array<i32>} : memref<2x128x128xf32, #tpu.memory_space<vmem>>, vector<1x1x16xf32>,
          %swap3A_500 = vector.shape_cast %swap3A_499 : vector<1x1x16xf32> to vector<16xf32>
          %swap3A_501 = vector.shape_cast %mul3A_494 : vector<16xf32> to vector<1x1x16xf32>
          tpu.vector_store %arg16[%swap3A_496, %swap3A_497, %swap3A_498], %swap3A_501 {strides = array<i32>} : memref<2x128x128xf32, #tpu.memory_space<vmem>>, vector<1x1x16xf32>,
          %get3A_502 = arith.constant 1 : i32
          %get3A_503 = arith.index_cast %get3A_502 : i32 to index
          %get3A_504 = arith.index_cast %scan3A_453 : i32 to index
          %get3A_505 = arith.constant 48 : index
          %get3A_506 = tpu.vector_load %arg16[%get3A_503, %get3A_504, %get3A_505] {strides = array<i32>} : memref<2x128x128xf32, #tpu.memory_space<vmem>>, vector<1x1x16xf32>,
          %get3A_507 = vector.shape_cast %get3A_506 : vector<1x1x16xf32> to vector<16xf32>
          %mul3A_508 = vector.broadcast %squeeze3A : f32 to vector<16xf32>
          %mul3A_509 = arith.mulf %get3A_507, %mul3A_508 : vector<16xf32>
          %swap3A_510 = arith.constant 1 : i32
          %swap3A_511 = arith.index_cast %swap3A_510 : i32 to index
          %swap3A_512 = arith.index_cast %scan3A_453 : i32 to index
          %swap3A_513 = arith.constant 48 : index
          %swap3A_514 = tpu.vector_load %arg16[%swap3A_511, %swap3A_512, %swap3A_513] {strides = array<i32>} : memref<2x128x128xf32, #tpu.memory_space<vmem>>, vector<1x1x16xf32>,
          %swap3A_515 = vector.shape_cast %swap3A_514 : vector<1x1x16xf32> to vector<16xf32>
          %swap3A_516 = vector.shape_cast %mul3A_509 : vector<16xf32> to vector<1x1x16xf32>
          tpu.vector_store %arg16[%swap3A_511, %swap3A_512, %swap3A_513], %swap3A_516 {strides = array<i32>} : memref<2x128x128xf32, #tpu.memory_space<vmem>>, vector<1x1x16xf32>,
          %get3A_517 = arith.constant 1 : i32
          %get3A_518 = arith.index_cast %get3A_517 : i32 to index
          %get3A_519 = arith.index_cast %scan3A_453 : i32 to index
          %get3A_520 = arith.constant 64 : index
          %get3A_521 = tpu.vector_load %arg16[%get3A_518, %get3A_519, %get3A_520] {strides = array<i32>} : memref<2x128x128xf32, #tpu.memory_space<vmem>>, vector<1x1x16xf32>,
          %get3A_522 = vector.shape_cast %get3A_521 : vector<1x1x16xf32> to vector<16xf32>
          %mul3A_523 = vector.broadcast %squeeze3A : f32 to vector<16xf32>
          %mul3A_524 = arith.mulf %get3A_522, %mul3A_523 : vector<16xf32>
          %swap3A_525 = arith.constant 1 : i32
          %swap3A_526 = arith.index_cast %swap3A_525 : i32 to index
          %swap3A_527 = arith.index_cast %scan3A_453 : i32 to index
          %swap3A_528 = arith.constant 64 : index
          %swap3A_529 = tpu.vector_load %arg16[%swap3A_526, %swap3A_527, %swap3A_528] {strides = array<i32>} : memref<2x128x128xf32, #tpu.memory_space<vmem>>, vector<1x1x16xf32>,
          %swap3A_530 = vector.shape_cast %swap3A_529 : vector<1x1x16xf32> to vector<16xf32>
          %swap3A_531 = vector.shape_cast %mul3A_524 : vector<16xf32> to vector<1x1x16xf32>
          tpu.vector_store %arg16[%swap3A_526, %swap3A_527, %swap3A_528], %swap3A_531 {strides = array<i32>} : memref<2x128x128xf32, #tpu.memory_space<vmem>>, vector<1x1x16xf32>,
          %get3A_532 = arith.constant 1 : i32
          %get3A_533 = arith.index_cast %get3A_532 : i32 to index
          %get3A_534 = arith.index_cast %scan3A_453 : i32 to index
          %get3A_535 = arith.constant 80 : index
          %get3A_536 = tpu.vector_load %arg16[%get3A_533, %get3A_534, %get3A_535] {strides = array<i32>} : memref<2x128x128xf32, #tpu.memory_space<vmem>>, vector<1x1x16xf32>,
          %get3A_537 = vector.shape_cast %get3A_536 : vector<1x1x16xf32> to vector<16xf32>
          %mul3A_538 = vector.broadcast %squeeze3A : f32 to vector<16xf32>
          %mul3A_539 = arith.mulf %get3A_537, %mul3A_538 : vector<16xf32>
          %swap3A_540 = arith.constant 1 : i32
          %swap3A_541 = arith.index_cast %swap3A_540 : i32 to index
          %swap3A_542 = arith.index_cast %scan3A_453 : i32 to index
          %swap3A_543 = arith.constant 80 : index
          %swap3A_544 = tpu.vector_load %arg16[%swap3A_541, %swap3A_542, %swap3A_543] {strides = array<i32>} : memref<2x128x128xf32, #tpu.memory_space<vmem>>, vector<1x1x16xf32>,
          %swap3A_545 = vector.shape_cast %swap3A_544 : vector<1x1x16xf32> to vector<16xf32>
          %swap3A_546 = vector.shape_cast %mul3A_539 : vector<16xf32> to vector<1x1x16xf32>
          tpu.vector_store %arg16[%swap3A_541, %swap3A_542, %swap3A_543], %swap3A_546 {strides = array<i32>} : memref<2x128x128xf32, #tpu.memory_space<vmem>>, vector<1x1x16xf32>,
          %get3A_547 = arith.constant 1 : i32
          %get3A_548 = arith.index_cast %get3A_547 : i32 to index
          %get3A_549 = arith.index_cast %scan3A_453 : i32 to index
          %get3A_550 = arith.constant 96 : index
          %get3A_551 = tpu.vector_load %arg16[%get3A_548, %get3A_549, %get3A_550] {strides = array<i32>} : memref<2x128x128xf32, #tpu.memory_space<vmem>>, vector<1x1x16xf32>,
          %get3A_552 = vector.shape_cast %get3A_551 : vector<1x1x16xf32> to vector<16xf32>
          %mul3A_553 = vector.broadcast %squeeze3A : f32 to vector<16xf32>
          %mul3A_554 = arith.mulf %get3A_552, %mul3A_553 : vector<16xf32>
          %swap3A_555 = arith.constant 1 : i32
          %swap3A_556 = arith.index_cast %swap3A_555 : i32 to index
          %swap3A_557 = arith.index_cast %scan3A_453 : i32 to index
          %swap3A_558 = arith.constant 96 : index
          %swap3A_559 = tpu.vector_load %arg16[%swap3A_556, %swap3A_557, %swap3A_558] {strides = array<i32>} : memref<2x128x128xf32, #tpu.memory_space<vmem>>, vector<1x1x16xf32>,
          %swap3A_560 = vector.shape_cast %swap3A_559 : vector<1x1x16xf32> to vector<16xf32>
          %swap3A_561 = vector.shape_cast %mul3A_554 : vector<16xf32> to vector<1x1x16xf32>
          tpu.vector_store %arg16[%swap3A_556, %swap3A_557, %swap3A_558], %swap3A_561 {strides = array<i32>} : memref<2x128x128xf32, #tpu.memory_space<vmem>>, vector<1x1x16xf32>,
          %get3A_562 = arith.constant 1 : i32
          %get3A_563 = arith.index_cast %get3A_562 : i32 to index
          %get3A_564 = arith.index_cast %scan3A_453 : i32 to index
          %get3A_565 = arith.constant 112 : index
          %get3A_566 = tpu.vector_load %arg16[%get3A_563, %get3A_564, %get3A_565] {strides = array<i32>} : memref<2x128x128xf32, #tpu.memory_space<vmem>>, vector<1x1x16xf32>,
          %get3A_567 = vector.shape_cast %get3A_566 : vector<1x1x16xf32> to vector<16xf32>
          %mul3A_568 = vector.broadcast %squeeze3A : f32 to vector<16xf32>
          %mul3A_569 = arith.mulf %get3A_567, %mul3A_568 : vector<16xf32>
          %swap3A_570 = arith.constant 1 : i32
          %swap3A_571 = arith.index_cast %swap3A_570 : i32 to index
          %swap3A_572 = arith.index_cast %scan3A_453 : i32 to index
          %swap3A_573 = arith.constant 112 : index
          %swap3A_574 = tpu.vector_load %arg16[%swap3A_571, %swap3A_572, %swap3A_573] {strides = array<i32>} : memref<2x128x128xf32, #tpu.memory_space<vmem>>, vector<1x1x16xf32>,
          %swap3A_575 = vector.shape_cast %swap3A_574 : vector<1x1x16xf32> to vector<16xf32>
          %swap3A_576 = vector.shape_cast %mul3A_569 : vector<16xf32> to vector<1x1x16xf32>
          tpu.vector_store %arg16[%swap3A_571, %swap3A_572, %swap3A_573], %swap3A_576 {strides = array<i32>} : memref<2x128x128xf32, #tpu.memory_space<vmem>>, vector<1x1x16xf32>,
        }
        %scan3A_444 = arith.constant 128 : i32
        %dma_start3A_445 = arith.constant 1 : i32
        %dma_start3A_446 = arith.constant 0 : i32
        %dma_start3A_447 = arith.constant 0 : i32
        %dma_start3A_448 = tpu.memref_slice %arg16[%dma_start3A_445, %dma_start3A_446, %dma_start3A_447] : memref<2x128x128xf32, #tpu.memory_space<vmem>> -> memref<1x128x128xf32, #tpu.memory_space<vmem>>
        %dma_start3A_449 = tpu.memref_squeeze %dma_start3A_448 : memref<1x128x128xf32, #tpu.memory_space<vmem>> -> memref<128x128xf32, #tpu.memory_space<vmem>>
        %dma_start3A_450 = arith.constant 0 : i32
        %dma_start3A_451 = arith.constant 0 : i32
        %dma_start3A_452 = tpu.memref_slice %arg17[%dma_start3A_450, %dma_start3A_451] : memref<10112x128xf32, #tpu.memory_space<vmem_shared>> -> memref<10112x128xf32, #tpu.memory_space<vmem_shared>>
        tpu.enqueue_indirect_dma source(%dma_start3A_449 : memref<128x128xf32, #tpu.memory_space<vmem>>) target(%dma_start3A_452 : memref<10112x128xf32, #tpu.memory_space<vmem_shared>>) offsets(%arg9 : memref<128xi32, #tpu.memory_space<vmem>>) semaphore(%arg25 : memref<!tpu.dma_semaphore, #tpu.memory_space<semaphore_mem>>) {add = true}
      } else {
      }
    }
    %scan3A_356 = arith.constant 80 : i32
    %dma_wait3A_357 = arith.constant 1 : i32
    %dma_wait3A_358 = arith.constant 0 : i32
    %dma_wait3A_359 = arith.constant 0 : i32
    %dma_wait3A_360 = tpu.memref_slice %arg16[%dma_wait3A_357, %dma_wait3A_358, %dma_wait3A_359] : memref<2x128x128xf32, #tpu.memory_space<vmem>> -> memref<1x128x128xf32, #tpu.memory_space<vmem>>
    %dma_wait3A_361 = tpu.memref_squeeze %dma_wait3A_360 : memref<1x128x128xf32, #tpu.memory_space<vmem>> -> memref<128x128xf32, #tpu.memory_space<vmem>>
    %dma_wait3A_362 = arith.constant 0 : i32
    %dma_wait3A_363 = arith.constant 0 : i32
    %dma_wait3A_364 = tpu.memref_slice %arg17[%dma_wait3A_362, %dma_wait3A_363] : memref<10112x128xf32, #tpu.memory_space<vmem_shared>> -> memref<10112x128xf32, #tpu.memory_space<vmem_shared>>
    tpu.wait_indirect_dma semaphore(%arg25 : memref<!tpu.dma_semaphore, #tpu.memory_space<semaphore_mem>>) src(%dma_wait3A_361 : memref<128x128xf32, #tpu.memory_space<vmem>>) dst(%dma_wait3A_364 : memref<10112x128xf32, #tpu.memory_space<vmem_shared>>)
    %dma_wait3A_365 = arith.constant 0 : i32
    %dma_wait3A_366 = arith.constant 0 : i32
    %dma_wait3A_367 = arith.constant 0 : i32
    %dma_wait3A_368 = tpu.memref_slice %arg16[%dma_wait3A_365, %dma_wait3A_366, %dma_wait3A_367] : memref<2x128x128xf32, #tpu.memory_space<vmem>> -> memref<1x128x128xf32, #tpu.memory_space<vmem>>
    %dma_wait3A_369 = tpu.memref_squeeze %dma_wait3A_368 : memref<1x128x128xf32, #tpu.memory_space<vmem>> -> memref<128x128xf32, #tpu.memory_space<vmem>>
    %dma_wait3A_370 = arith.constant 0 : i32
    %dma_wait3A_371 = arith.constant 0 : i32
    %dma_wait3A_372 = tpu.memref_slice %arg17[%dma_wait3A_370, %dma_wait3A_371] : memref<10112x128xf32, #tpu.memory_space<vmem_shared>> -> memref<10112x128xf32, #tpu.memory_space<vmem_shared>>
    tpu.wait_indirect_dma semaphore(%arg24 : memref<!tpu.dma_semaphore, #tpu.memory_space<semaphore_mem>>) src(%dma_wait3A_369 : memref<128x128xf32, #tpu.memory_space<vmem>>) dst(%dma_wait3A_372 : memref<10112x128xf32, #tpu.memory_space<vmem_shared>>)
    %barrier3A_373 = arith.constant 0 : index
    tpu.barrier barrier_id(%barrier3A_373)
    %eq3A = arith.constant 0 : i32
    %eq3A_374 = arith.cmpi eq, %arg0, %eq3A : i32
    %convert_element_type3A = arith.extui %eq3A_374 : i1 to i32
    %cond3A = arith.constant 0 : i32
    %cond3A_375 = arith.cmpi ne, %convert_element_type3A, %cond3A : i32
    scf.if %cond3A_375 {
      %add3A_381 = arith.constant 0 : i32
      %add3A_382 = arith.addi %mul3A_9, %add3A_381 : i32
      %add3A_383 = arith.constant 0 : i32
      %add3A_384 = arith.addi %mul3A_9, %add3A_383 : i32
      "tpu.region"() ({
        %run_scoped3A_401 = tpu.sem_alloc : memref<!tpu.dma_semaphore, #tpu.memory_space<semaphore_mem>>
        %dma_start3A_402 = arith.constant 0 : i32
        %dma_start3A_403 = tpu.memref_slice %arg5[%add3A_384, %dma_start3A_402] : memref<10112x128xf32, #tpu.memory_space<hbm>> -> memref<128x128xf32, #tpu.memory_space<hbm>>
        %dma_start3A_404 = arith.constant 0 : i32
        %dma_start3A_405 = tpu.memref_slice %arg17[%add3A_382, %dma_start3A_404] : memref<10112x128xf32, #tpu.memory_space<vmem_shared>> -> memref<128x128xf32, #tpu.memory_space<vmem_shared>>
        tpu.enqueue_dma source(%dma_start3A_405 : memref<128x128xf32, #tpu.memory_space<vmem_shared>>) target(%dma_start3A_403 : memref<128x128xf32, #tpu.memory_space<hbm>>) target_semaphore(%run_scoped3A_401 : memref<!tpu.dma_semaphore, #tpu.memory_space<semaphore_mem>>)
        %dma_wait3A_406 = arith.constant 0 : i32
        %dma_wait3A_407 = tpu.memref_slice %arg5[%add3A_384, %dma_wait3A_406] : memref<10112x128xf32, #tpu.memory_space<hbm>> -> memref<128x128xf32, #tpu.memory_space<hbm>>
        %dma_wait3A_408 = arith.constant 0 : i32
        %dma_wait3A_409 = tpu.memref_slice %arg17[%add3A_382, %dma_wait3A_408] : memref<10112x128xf32, #tpu.memory_space<vmem_shared>> -> memref<128x128xf32, #tpu.memory_space<vmem_shared>>
        tpu.wait_dma2 semaphore(%run_scoped3A_401 : memref<!tpu.dma_semaphore, #tpu.memory_space<semaphore_mem>>) src(%dma_wait3A_409 : memref<128x128xf32, #tpu.memory_space<vmem_shared>>) dst(%dma_wait3A_407 : memref<128x128xf32, #tpu.memory_space<hbm>>)
        tpu.yield
      }) : () -> ()
      %add3A_385 = arith.constant 128 : i32
      %add3A_386 = arith.addi %mul3A_9, %add3A_385 : i32
      %add3A_387 = arith.constant 128 : i32
      %add3A_388 = arith.addi %mul3A_9, %add3A_387 : i32
      "tpu.region"() ({
        %run_scoped3A_401 = tpu.sem_alloc : memref<!tpu.dma_semaphore, #tpu.memory_space<semaphore_mem>>
        %dma_start3A_402 = arith.constant 0 : i32
        %dma_start3A_403 = tpu.memref_slice %arg5[%add3A_388, %dma_start3A_402] : memref<10112x128xf32, #tpu.memory_space<hbm>> -> memref<128x128xf32, #tpu.memory_space<hbm>>
        %dma_start3A_404 = arith.constant 0 : i32
        %dma_start3A_405 = tpu.memref_slice %arg17[%add3A_386, %dma_start3A_404] : memref<10112x128xf32, #tpu.memory_space<vmem_shared>> -> memref<128x128xf32, #tpu.memory_space<vmem_shared>>
        tpu.enqueue_dma source(%dma_start3A_405 : memref<128x128xf32, #tpu.memory_space<vmem_shared>>) target(%dma_start3A_403 : memref<128x128xf32, #tpu.memory_space<hbm>>) target_semaphore(%run_scoped3A_401 : memref<!tpu.dma_semaphore, #tpu.memory_space<semaphore_mem>>)
        %dma_wait3A_406 = arith.constant 0 : i32
        %dma_wait3A_407 = tpu.memref_slice %arg5[%add3A_388, %dma_wait3A_406] : memref<10112x128xf32, #tpu.memory_space<hbm>> -> memref<128x128xf32, #tpu.memory_space<hbm>>
        %dma_wait3A_408 = arith.constant 0 : i32
        %dma_wait3A_409 = tpu.memref_slice %arg17[%add3A_386, %dma_wait3A_408] : memref<10112x128xf32, #tpu.memory_space<vmem_shared>> -> memref<128x128xf32, #tpu.memory_space<vmem_shared>>
        tpu.wait_dma2 semaphore(%run_scoped3A_401 : memref<!tpu.dma_semaphore, #tpu.memory_space<semaphore_mem>>) src(%dma_wait3A_409 : memref<128x128xf32, #tpu.memory_space<vmem_shared>>) dst(%dma_wait3A_407 : memref<128x128xf32, #tpu.memory_space<hbm>>)
        tpu.yield
      }) : () -> ()
      %add3A_389 = arith.constant 256 : i32
      %add3A_390 = arith.addi %mul3A_9, %add3A_389 : i32
      %add3A_391 = arith.constant 256 : i32
      %add3A_392 = arith.addi %mul3A_9, %add3A_391 : i32
      "tpu.region"() ({
        %run_scoped3A_401 = tpu.sem_alloc : memref<!tpu.dma_semaphore, #tpu.memory_space<semaphore_mem>>
        %dma_start3A_402 = arith.constant 0 : i32
        %dma_start3A_403 = tpu.memref_slice %arg5[%add3A_392, %dma_start3A_402] : memref<10112x128xf32, #tpu.memory_space<hbm>> -> memref<128x128xf32, #tpu.memory_space<hbm>>
        %dma_start3A_404 = arith.constant 0 : i32
        %dma_start3A_405 = tpu.memref_slice %arg17[%add3A_390, %dma_start3A_404] : memref<10112x128xf32, #tpu.memory_space<vmem_shared>> -> memref<128x128xf32, #tpu.memory_space<vmem_shared>>
        tpu.enqueue_dma source(%dma_start3A_405 : memref<128x128xf32, #tpu.memory_space<vmem_shared>>) target(%dma_start3A_403 : memref<128x128xf32, #tpu.memory_space<hbm>>) target_semaphore(%run_scoped3A_401 : memref<!tpu.dma_semaphore, #tpu.memory_space<semaphore_mem>>)
        %dma_wait3A_406 = arith.constant 0 : i32
        %dma_wait3A_407 = tpu.memref_slice %arg5[%add3A_392, %dma_wait3A_406] : memref<10112x128xf32, #tpu.memory_space<hbm>> -> memref<128x128xf32, #tpu.memory_space<hbm>>
        %dma_wait3A_408 = arith.constant 0 : i32
        %dma_wait3A_409 = tpu.memref_slice %arg17[%add3A_390, %dma_wait3A_408] : memref<10112x128xf32, #tpu.memory_space<vmem_shared>> -> memref<128x128xf32, #tpu.memory_space<vmem_shared>>
        tpu.wait_dma2 semaphore(%run_scoped3A_401 : memref<!tpu.dma_semaphore, #tpu.memory_space<semaphore_mem>>) src(%dma_wait3A_409 : memref<128x128xf32, #tpu.memory_space<vmem_shared>>) dst(%dma_wait3A_407 : memref<128x128xf32, #tpu.memory_space<hbm>>)
        tpu.yield
      }) : () -> ()
      %add3A_393 = arith.constant 384 : i32
      %add3A_394 = arith.addi %mul3A_9, %add3A_393 : i32
      %add3A_395 = arith.constant 384 : i32
      %add3A_396 = arith.addi %mul3A_9, %add3A_395 : i32
      "tpu.region"() ({
        %run_scoped3A_401 = tpu.sem_alloc : memref<!tpu.dma_semaphore, #tpu.memory_space<semaphore_mem>>
        %dma_start3A_402 = arith.constant 0 : i32
        %dma_start3A_403 = tpu.memref_slice %arg5[%add3A_396, %dma_start3A_402] : memref<10112x128xf32, #tpu.memory_space<hbm>> -> memref<128x128xf32, #tpu.memory_space<hbm>>
        %dma_start3A_404 = arith.constant 0 : i32
        %dma_start3A_405 = tpu.memref_slice %arg17[%add3A_394, %dma_start3A_404] : memref<10112x128xf32, #tpu.memory_space<vmem_shared>> -> memref<128x128xf32, #tpu.memory_space<vmem_shared>>
        tpu.enqueue_dma source(%dma_start3A_405 : memref<128x128xf32, #tpu.memory_space<vmem_shared>>) target(%dma_start3A_403 : memref<128x128xf32, #tpu.memory_space<hbm>>) target_semaphore(%run_scoped3A_401 : memref<!tpu.dma_semaphore, #tpu.memory_space<semaphore_mem>>)
        %dma_wait3A_406 = arith.constant 0 : i32
        %dma_wait3A_407 = tpu.memref_slice %arg5[%add3A_396, %dma_wait3A_406] : memref<10112x128xf32, #tpu.memory_space<hbm>> -> memref<128x128xf32, #tpu.memory_space<hbm>>
        %dma_wait3A_408 = arith.constant 0 : i32
        %dma_wait3A_409 = tpu.memref_slice %arg17[%add3A_394, %dma_wait3A_408] : memref<10112x128xf32, #tpu.memory_space<vmem_shared>> -> memref<128x128xf32, #tpu.memory_space<vmem_shared>>
        tpu.wait_dma2 semaphore(%run_scoped3A_401 : memref<!tpu.dma_semaphore, #tpu.memory_space<semaphore_mem>>) src(%dma_wait3A_409 : memref<128x128xf32, #tpu.memory_space<vmem_shared>>) dst(%dma_wait3A_407 : memref<128x128xf32, #tpu.memory_space<hbm>>)
        tpu.yield
      }) : () -> ()
      %add3A_397 = arith.constant 512 : i32
      %add3A_398 = arith.addi %mul3A_9, %add3A_397 : i32
      %add3A_399 = arith.constant 512 : i32
      %add3A_400 = arith.addi %mul3A_9, %add3A_399 : i32
      "tpu.region"() ({
        %run_scoped3A_401 = tpu.sem_alloc : memref<!tpu.dma_semaphore, #tpu.memory_space<semaphore_mem>>
        %dma_start3A_402 = arith.constant 0 : i32
        %dma_start3A_403 = tpu.memref_slice %arg5[%add3A_400, %dma_start3A_402] : memref<10112x128xf32, #tpu.memory_space<hbm>> -> memref<120x128xf32, #tpu.memory_space<hbm>>
        %dma_start3A_404 = arith.constant 0 : i32
        %dma_start3A_405 = tpu.memref_slice %arg17[%add3A_398, %dma_start3A_404] : memref<10112x128xf32, #tpu.memory_space<vmem_shared>> -> memref<120x128xf32, #tpu.memory_space<vmem_shared>>
        tpu.enqueue_dma source(%dma_start3A_405 : memref<120x128xf32, #tpu.memory_space<vmem_shared>>) target(%dma_start3A_403 : memref<120x128xf32, #tpu.memory_space<hbm>>) target_semaphore(%run_scoped3A_401 : memref<!tpu.dma_semaphore, #tpu.memory_space<semaphore_mem>>)
        %dma_wait3A_406 = arith.constant 0 : i32
        %dma_wait3A_407 = tpu.memref_slice %arg5[%add3A_400, %dma_wait3A_406] : memref<10112x128xf32, #tpu.memory_space<hbm>> -> memref<120x128xf32, #tpu.memory_space<hbm>>
        %dma_wait3A_408 = arith.constant 0 : i32
        %dma_wait3A_409 = tpu.memref_slice %arg17[%add3A_398, %dma_wait3A_408] : memref<10112x128xf32, #tpu.memory_space<vmem_shared>> -> memref<120x128xf32, #tpu.memory_space<vmem_shared>>
        tpu.wait_dma2 semaphore(%run_scoped3A_401 : memref<!tpu.dma_semaphore, #tpu.memory_space<semaphore_mem>>) src(%dma_wait3A_409 : memref<120x128xf32, #tpu.memory_space<vmem_shared>>) dst(%dma_wait3A_407 : memref<120x128xf32, #tpu.memory_space<hbm>>)
        tpu.yield
      }) : () -> ()
    } else {
    }
    %eq3A_376 = arith.constant 1 : i32
    %eq3A_377 = arith.cmpi eq, %arg0, %eq3A_376 : i32
    %convert_element_type3A_378 = arith.extui %eq3A_377 : i1 to i32
    %cond3A_379 = arith.constant 0 : i32
    %cond3A_380 = arith.cmpi ne, %convert_element_type3A_378, %cond3A_379 : i32
    scf.if %cond3A_380 {
      %add3A_381 = arith.constant 0 : i32
      %add3A_382 = arith.addi %mul3A_9, %add3A_381 : i32
      %add3A_383 = arith.constant 0 : i32
      %add3A_384 = arith.addi %mul3A_9, %add3A_383 : i32
      "tpu.region"() ({
        %run_scoped3A_401 = tpu.sem_alloc : memref<!tpu.dma_semaphore, #tpu.memory_space<semaphore_mem>>
        %dma_start3A_402 = arith.constant 0 : i32
        %dma_start3A_403 = tpu.memref_slice %arg6[%add3A_384, %dma_start3A_402] : memref<10112x128xf32, #tpu.memory_space<hbm>> -> memref<128x128xf32, #tpu.memory_space<hbm>>
        %dma_start3A_404 = arith.constant 0 : i32
        %dma_start3A_405 = tpu.memref_slice %arg17[%add3A_382, %dma_start3A_404] : memref<10112x128xf32, #tpu.memory_space<vmem_shared>> -> memref<128x128xf32, #tpu.memory_space<vmem_shared>>
        tpu.enqueue_dma source(%dma_start3A_405 : memref<128x128xf32, #tpu.memory_space<vmem_shared>>) target(%dma_start3A_403 : memref<128x128xf32, #tpu.memory_space<hbm>>) target_semaphore(%run_scoped3A_401 : memref<!tpu.dma_semaphore, #tpu.memory_space<semaphore_mem>>)
        %dma_wait3A_406 = arith.constant 0 : i32
        %dma_wait3A_407 = tpu.memref_slice %arg6[%add3A_384, %dma_wait3A_406] : memref<10112x128xf32, #tpu.memory_space<hbm>> -> memref<128x128xf32, #tpu.memory_space<hbm>>
        %dma_wait3A_408 = arith.constant 0 : i32
        %dma_wait3A_409 = tpu.memref_slice %arg17[%add3A_382, %dma_wait3A_408] : memref<10112x128xf32, #tpu.memory_space<vmem_shared>> -> memref<128x128xf32, #tpu.memory_space<vmem_shared>>
        tpu.wait_dma2 semaphore(%run_scoped3A_401 : memref<!tpu.dma_semaphore, #tpu.memory_space<semaphore_mem>>) src(%dma_wait3A_409 : memref<128x128xf32, #tpu.memory_space<vmem_shared>>) dst(%dma_wait3A_407 : memref<128x128xf32, #tpu.memory_space<hbm>>)
        tpu.yield
      }) : () -> ()
      %add3A_385 = arith.constant 128 : i32
      %add3A_386 = arith.addi %mul3A_9, %add3A_385 : i32
      %add3A_387 = arith.constant 128 : i32
      %add3A_388 = arith.addi %mul3A_9, %add3A_387 : i32
      "tpu.region"() ({
        %run_scoped3A_401 = tpu.sem_alloc : memref<!tpu.dma_semaphore, #tpu.memory_space<semaphore_mem>>
        %dma_start3A_402 = arith.constant 0 : i32
        %dma_start3A_403 = tpu.memref_slice %arg6[%add3A_388, %dma_start3A_402] : memref<10112x128xf32, #tpu.memory_space<hbm>> -> memref<128x128xf32, #tpu.memory_space<hbm>>
        %dma_start3A_404 = arith.constant 0 : i32
        %dma_start3A_405 = tpu.memref_slice %arg17[%add3A_386, %dma_start3A_404] : memref<10112x128xf32, #tpu.memory_space<vmem_shared>> -> memref<128x128xf32, #tpu.memory_space<vmem_shared>>
        tpu.enqueue_dma source(%dma_start3A_405 : memref<128x128xf32, #tpu.memory_space<vmem_shared>>) target(%dma_start3A_403 : memref<128x128xf32, #tpu.memory_space<hbm>>) target_semaphore(%run_scoped3A_401 : memref<!tpu.dma_semaphore, #tpu.memory_space<semaphore_mem>>)
        %dma_wait3A_406 = arith.constant 0 : i32
        %dma_wait3A_407 = tpu.memref_slice %arg6[%add3A_388, %dma_wait3A_406] : memref<10112x128xf32, #tpu.memory_space<hbm>> -> memref<128x128xf32, #tpu.memory_space<hbm>>
        %dma_wait3A_408 = arith.constant 0 : i32
        %dma_wait3A_409 = tpu.memref_slice %arg17[%add3A_386, %dma_wait3A_408] : memref<10112x128xf32, #tpu.memory_space<vmem_shared>> -> memref<128x128xf32, #tpu.memory_space<vmem_shared>>
        tpu.wait_dma2 semaphore(%run_scoped3A_401 : memref<!tpu.dma_semaphore, #tpu.memory_space<semaphore_mem>>) src(%dma_wait3A_409 : memref<128x128xf32, #tpu.memory_space<vmem_shared>>) dst(%dma_wait3A_407 : memref<128x128xf32, #tpu.memory_space<hbm>>)
        tpu.yield
      }) : () -> ()
      %add3A_389 = arith.constant 256 : i32
      %add3A_390 = arith.addi %mul3A_9, %add3A_389 : i32
      %add3A_391 = arith.constant 256 : i32
      %add3A_392 = arith.addi %mul3A_9, %add3A_391 : i32
      "tpu.region"() ({
        %run_scoped3A_401 = tpu.sem_alloc : memref<!tpu.dma_semaphore, #tpu.memory_space<semaphore_mem>>
        %dma_start3A_402 = arith.constant 0 : i32
        %dma_start3A_403 = tpu.memref_slice %arg6[%add3A_392, %dma_start3A_402] : memref<10112x128xf32, #tpu.memory_space<hbm>> -> memref<128x128xf32, #tpu.memory_space<hbm>>
        %dma_start3A_404 = arith.constant 0 : i32
        %dma_start3A_405 = tpu.memref_slice %arg17[%add3A_390, %dma_start3A_404] : memref<10112x128xf32, #tpu.memory_space<vmem_shared>> -> memref<128x128xf32, #tpu.memory_space<vmem_shared>>
        tpu.enqueue_dma source(%dma_start3A_405 : memref<128x128xf32, #tpu.memory_space<vmem_shared>>) target(%dma_start3A_403 : memref<128x128xf32, #tpu.memory_space<hbm>>) target_semaphore(%run_scoped3A_401 : memref<!tpu.dma_semaphore, #tpu.memory_space<semaphore_mem>>)
        %dma_wait3A_406 = arith.constant 0 : i32
        %dma_wait3A_407 = tpu.memref_slice %arg6[%add3A_392, %dma_wait3A_406] : memref<10112x128xf32, #tpu.memory_space<hbm>> -> memref<128x128xf32, #tpu.memory_space<hbm>>
        %dma_wait3A_408 = arith.constant 0 : i32
        %dma_wait3A_409 = tpu.memref_slice %arg17[%add3A_390, %dma_wait3A_408] : memref<10112x128xf32, #tpu.memory_space<vmem_shared>> -> memref<128x128xf32, #tpu.memory_space<vmem_shared>>
        tpu.wait_dma2 semaphore(%run_scoped3A_401 : memref<!tpu.dma_semaphore, #tpu.memory_space<semaphore_mem>>) src(%dma_wait3A_409 : memref<128x128xf32, #tpu.memory_space<vmem_shared>>) dst(%dma_wait3A_407 : memref<128x128xf32, #tpu.memory_space<hbm>>)
        tpu.yield
      }) : () -> ()
      %add3A_393 = arith.constant 384 : i32
      %add3A_394 = arith.addi %mul3A_9, %add3A_393 : i32
      %add3A_395 = arith.constant 384 : i32
      %add3A_396 = arith.addi %mul3A_9, %add3A_395 : i32
      "tpu.region"() ({
        %run_scoped3A_401 = tpu.sem_alloc : memref<!tpu.dma_semaphore, #tpu.memory_space<semaphore_mem>>
        %dma_start3A_402 = arith.constant 0 : i32
        %dma_start3A_403 = tpu.memref_slice %arg6[%add3A_396, %dma_start3A_402] : memref<10112x128xf32, #tpu.memory_space<hbm>> -> memref<128x128xf32, #tpu.memory_space<hbm>>
        %dma_start3A_404 = arith.constant 0 : i32
        %dma_start3A_405 = tpu.memref_slice %arg17[%add3A_394, %dma_start3A_404] : memref<10112x128xf32, #tpu.memory_space<vmem_shared>> -> memref<128x128xf32, #tpu.memory_space<vmem_shared>>
        tpu.enqueue_dma source(%dma_start3A_405 : memref<128x128xf32, #tpu.memory_space<vmem_shared>>) target(%dma_start3A_403 : memref<128x128xf32, #tpu.memory_space<hbm>>) target_semaphore(%run_scoped3A_401 : memref<!tpu.dma_semaphore, #tpu.memory_space<semaphore_mem>>)
        %dma_wait3A_406 = arith.constant 0 : i32
        %dma_wait3A_407 = tpu.memref_slice %arg6[%add3A_396, %dma_wait3A_406] : memref<10112x128xf32, #tpu.memory_space<hbm>> -> memref<128x128xf32, #tpu.memory_space<hbm>>
        %dma_wait3A_408 = arith.constant 0 : i32
        %dma_wait3A_409 = tpu.memref_slice %arg17[%add3A_394, %dma_wait3A_408] : memref<10112x128xf32, #tpu.memory_space<vmem_shared>> -> memref<128x128xf32, #tpu.memory_space<vmem_shared>>
        tpu.wait_dma2 semaphore(%run_scoped3A_401 : memref<!tpu.dma_semaphore, #tpu.memory_space<semaphore_mem>>) src(%dma_wait3A_409 : memref<128x128xf32, #tpu.memory_space<vmem_shared>>) dst(%dma_wait3A_407 : memref<128x128xf32, #tpu.memory_space<hbm>>)
        tpu.yield
      }) : () -> ()
      %add3A_397 = arith.constant 512 : i32
      %add3A_398 = arith.addi %mul3A_9, %add3A_397 : i32
      %add3A_399 = arith.constant 512 : i32
      %add3A_400 = arith.addi %mul3A_9, %add3A_399 : i32
      "tpu.region"() ({
        %run_scoped3A_401 = tpu.sem_alloc : memref<!tpu.dma_semaphore, #tpu.memory_space<semaphore_mem>>
        %dma_start3A_402 = arith.constant 0 : i32
        %dma_start3A_403 = tpu.memref_slice %arg6[%add3A_400, %dma_start3A_402] : memref<10112x128xf32, #tpu.memory_space<hbm>> -> memref<120x128xf32, #tpu.memory_space<hbm>>
        %dma_start3A_404 = arith.constant 0 : i32
        %dma_start3A_405 = tpu.memref_slice %arg17[%add3A_398, %dma_start3A_404] : memref<10112x128xf32, #tpu.memory_space<vmem_shared>> -> memref<120x128xf32, #tpu.memory_space<vmem_shared>>
        tpu.enqueue_dma source(%dma_start3A_405 : memref<120x128xf32, #tpu.memory_space<vmem_shared>>) target(%dma_start3A_403 : memref<120x128xf32, #tpu.memory_space<hbm>>) target_semaphore(%run_scoped3A_401 : memref<!tpu.dma_semaphore, #tpu.memory_space<semaphore_mem>>)
        %dma_wait3A_406 = arith.constant 0 : i32
        %dma_wait3A_407 = tpu.memref_slice %arg6[%add3A_400, %dma_wait3A_406] : memref<10112x128xf32, #tpu.memory_space<hbm>> -> memref<120x128xf32, #tpu.memory_space<hbm>>
        %dma_wait3A_408 = arith.constant 0 : i32
        %dma_wait3A_409 = tpu.memref_slice %arg17[%add3A_398, %dma_wait3A_408] : memref<10112x128xf32, #tpu.memory_space<vmem_shared>> -> memref<120x128xf32, #tpu.memory_space<vmem_shared>>
        tpu.wait_dma2 semaphore(%run_scoped3A_401 : memref<!tpu.dma_semaphore, #tpu.memory_space<semaphore_mem>>) src(%dma_wait3A_409 : memref<120x128xf32, #tpu.memory_space<vmem_shared>>) dst(%dma_wait3A_407 : memref<120x128xf32, #tpu.memory_space<hbm>>)
        tpu.yield
      }) : () -> ()
    } else {
    }
    return
  }
}

module attributes {stable_mosaic.version = 14 : i64} {
  func.func @_z_body(%arg0: i32, %arg1: i32, %arg2: memref<8x4xf32, #tpu.memory_space<smem>>, %arg3: memref<1000x128xf32, #tpu.memory_space<vmem>>, %arg4: memref<4x128x128xf32, #tpu.memory_space<vmem>>, %arg5: memref<1x1000x128xf32, #tpu.memory_space<vmem>>) attributes {dimension_semantics = [#tpu.dimension_semantics<arbitrary>, #tpu.dimension_semantics<arbitrary>], iteration_bounds = array<i64: 8, 10>, scalar_prefetch = 0 : i64, scratch_operands = 0 : i64, tpu.core_type = #tpu.core_type<tc>, window_params = [{transform_indices = @transform_0, window_bounds = array<i64: 8, 4>}, {transform_indices = @transform_1, window_bounds = array<i64: 1000, 128>}, {pipeline_mode = #tpu.pipeline_mode<synchronous>, transform_indices = @transform_2, window_bounds = array<i64: 4, 128, 128>}, {transform_indices = @transform_3, window_bounds = array<i64: 1, 1000, 128>}]} {
    %get3A = arith.index_cast %arg0 : i32 to index
    %get3A_0 = arith.constant 0 : index
    %get3A_1 = memref.load %arg2[%get3A, %get3A_0] : memref<8x4xf32, #tpu.memory_space<smem>>
    %get3A_2 = arith.constant 0 : index
    %get3A_3 = arith.constant 0 : index
    %get3A_4 = arith.constant 0 : index
    %get3A_5 = vector.load %arg4[%get3A_2, %get3A_3, %get3A_4] : memref<4x128x128xf32, #tpu.memory_space<vmem>>, vector<1x128x128xf32>
    %get3A_6 = vector.shape_cast %get3A_5 : vector<1x128x128xf32> to vector<128x128xf32>
    %mul3A = vector.broadcast %get3A_1 : f32 to vector<128x128xf32>
    %mul3A_7 = arith.mulf %mul3A, %get3A_6 : vector<128x128xf32>
    %get3A_8 = arith.index_cast %arg0 : i32 to index
    %get3A_9 = arith.constant 1 : index
    %get3A_10 = memref.load %arg2[%get3A_8, %get3A_9] : memref<8x4xf32, #tpu.memory_space<smem>>
    %get3A_11 = arith.constant 1 : index
    %get3A_12 = arith.constant 0 : index
    %get3A_13 = arith.constant 0 : index
    %get3A_14 = vector.load %arg4[%get3A_11, %get3A_12, %get3A_13] : memref<4x128x128xf32, #tpu.memory_space<vmem>>, vector<1x128x128xf32>
    %get3A_15 = vector.shape_cast %get3A_14 : vector<1x128x128xf32> to vector<128x128xf32>
    %mul3A_16 = vector.broadcast %get3A_10 : f32 to vector<128x128xf32>
    %mul3A_17 = arith.mulf %mul3A_16, %get3A_15 : vector<128x128xf32>
    %add3A = arith.addf %mul3A_7, %mul3A_17 : vector<128x128xf32>
    %get3A_18 = arith.index_cast %arg0 : i32 to index
    %get3A_19 = arith.constant 2 : index
    %get3A_20 = memref.load %arg2[%get3A_18, %get3A_19] : memref<8x4xf32, #tpu.memory_space<smem>>
    %get3A_21 = arith.constant 2 : index
    %get3A_22 = arith.constant 0 : index
    %get3A_23 = arith.constant 0 : index
    %get3A_24 = vector.load %arg4[%get3A_21, %get3A_22, %get3A_23] : memref<4x128x128xf32, #tpu.memory_space<vmem>>, vector<1x128x128xf32>
    %get3A_25 = vector.shape_cast %get3A_24 : vector<1x128x128xf32> to vector<128x128xf32>
    %mul3A_26 = vector.broadcast %get3A_20 : f32 to vector<128x128xf32>
    %mul3A_27 = arith.mulf %mul3A_26, %get3A_25 : vector<128x128xf32>
    %add3A_28 = arith.addf %add3A, %mul3A_27 : vector<128x128xf32>
    %get3A_29 = arith.index_cast %arg0 : i32 to index
    %get3A_30 = arith.constant 3 : index
    %get3A_31 = memref.load %arg2[%get3A_29, %get3A_30] : memref<8x4xf32, #tpu.memory_space<smem>>
    %get3A_32 = arith.constant 3 : index
    %get3A_33 = arith.constant 0 : index
    %get3A_34 = arith.constant 0 : index
    %get3A_35 = vector.load %arg4[%get3A_32, %get3A_33, %get3A_34] : memref<4x128x128xf32, #tpu.memory_space<vmem>>, vector<1x128x128xf32>
    %get3A_36 = vector.shape_cast %get3A_35 : vector<1x128x128xf32> to vector<128x128xf32>
    %mul3A_37 = vector.broadcast %get3A_31 : f32 to vector<128x128xf32>
    %mul3A_38 = arith.mulf %mul3A_37, %get3A_36 : vector<128x128xf32>
    %add3A_39 = arith.addf %add3A_28, %mul3A_38 : vector<128x128xf32>
    %get3A_40 = arith.constant 0 : index
    %get3A_41 = arith.constant 0 : index
    %get3A_42 = vector.load %arg3[%get3A_40, %get3A_41] : memref<1000x128xf32, #tpu.memory_space<vmem>>, vector<1000x128xf32>
    %dot_general3A = arith.constant dense<0.000000e+00> : vector<1000x128xf32>
    %dot_general3A_43 = tpu.matmul %get3A_42, %add3A_39, %dot_general3A {dimension_numbers = #tpu.dot_dimension_numbers<[1], [0], [0], [1], [0, 0, 1, 1], [], []>, precision = #tpu.contract_precision<fp32>, transpose_lhs_hint = false} : vector<1000x128xf32>, vector<128x128xf32>, vector<1000x128xf32> -> vector<1000x128xf32>
    %swap3A = arith.constant 0 : index
    %swap3A_44 = arith.constant 0 : index
    %swap3A_45 = arith.constant 0 : index
    %swap3A_46 = vector.load %arg5[%swap3A, %swap3A_44, %swap3A_45] : memref<1x1000x128xf32, #tpu.memory_space<vmem>>, vector<1x1000x128xf32>
    %swap3A_47 = vector.shape_cast %swap3A_46 : vector<1x1000x128xf32> to vector<1000x128xf32>
    %swap3A_48 = vector.shape_cast %dot_general3A_43 : vector<1000x128xf32> to vector<1x1000x128xf32>
    tpu.vector_store %arg5[%swap3A, %swap3A_44, %swap3A_45], %swap3A_48 {strides = array<i32>} : memref<1x1000x128xf32, #tpu.memory_space<vmem>>, vector<1x1000x128xf32>,
    return
  }
  func.func @transform_0(%arg0: i32, %arg1: i32) -> (i32, i32) {
    %c0_i32 = arith.constant 0 : i32
    %c0_i32_0 = arith.constant 0 : i32
    %c0_i32_1 = arith.constant 0 : i32
    return %c0_i32, %c0_i32_0 : i32, i32
  }
  func.func @transform_1(%arg0: i32, %arg1: i32) -> (i32, i32) {
    %c0_i32 = arith.constant 0 : i32
    %c0_i32_0 = arith.constant 0 : i32
    return %arg1, %c0_i32 : i32, i32
  }
  func.func @transform_2(%arg0: i32, %arg1: i32) -> (i32, i32, i32) {
    %c0_i32 = arith.constant 0 : i32
    %c0_i32_0 = arith.constant 0 : i32
    %c0_i32_1 = arith.constant 0 : i32
    %c0_i32_2 = arith.constant 0 : i32
    return %c0_i32, %c0_i32_0, %c0_i32_1 : i32, i32, i32
  }
  func.func @transform_3(%arg0: i32, %arg1: i32) -> (i32, i32, i32) {
    %c0_i32 = arith.constant 0 : i32
    %c0_i32_0 = arith.constant 0 : i32
    return %arg0, %arg1, %c0_i32 : i32, i32, i32
  }
}

module attributes {stable_mosaic.version = 14 : i64} {
  func.func @_add_body(%arg0: i32, %arg1: memref<1000x128xf32, #tpu.memory_space<vmem>>, %arg2: memref<1000x128xf32, #tpu.memory_space<vmem>>, %arg3: memref<1000x128xf32, #tpu.memory_space<vmem>>) attributes {dimension_semantics = [#tpu.dimension_semantics<arbitrary>], iteration_bounds = array<i64: 10>, scalar_prefetch = 0 : i64, scratch_operands = 0 : i64, tpu.core_type = #tpu.core_type<tc>, window_params = [{transform_indices = @transform_0, window_bounds = array<i64: 1000, 128>}, {transform_indices = @transform_1, window_bounds = array<i64: 1000, 128>}, {transform_indices = @transform_2, window_bounds = array<i64: 1000, 128>}]} {
    %get3A = arith.constant 0 : index
    %get3A_0 = arith.constant 0 : index
    %get3A_1 = vector.load %arg1[%get3A, %get3A_0] : memref<1000x128xf32, #tpu.memory_space<vmem>>, vector<1000x128xf32>
    %get3A_2 = arith.constant 0 : index
    %get3A_3 = arith.constant 0 : index
    %get3A_4 = vector.load %arg2[%get3A_2, %get3A_3] : memref<1000x128xf32, #tpu.memory_space<vmem>>, vector<1000x128xf32>
    %add3A = arith.addf %get3A_1, %get3A_4 : vector<1000x128xf32>
    %swap3A = arith.constant 0 : index
    %swap3A_5 = arith.constant 0 : index
    %swap3A_6 = vector.load %arg3[%swap3A, %swap3A_5] : memref<1000x128xf32, #tpu.memory_space<vmem>>, vector<1000x128xf32>
    tpu.vector_store %arg3[%swap3A, %swap3A_5], %add3A {strides = array<i32>} : memref<1000x128xf32, #tpu.memory_space<vmem>>, vector<1000x128xf32>,
    return
  }
  func.func @transform_0(%arg0: i32) -> (i32, i32) {
    %c0_i32 = arith.constant 0 : i32
    %c0_i32_0 = arith.constant 0 : i32
    return %arg0, %c0_i32 : i32, i32
  }
  func.func @transform_1(%arg0: i32) -> (i32, i32) {
    %c0_i32 = arith.constant 0 : i32
    %c0_i32_0 = arith.constant 0 : i32
    return %arg0, %c0_i32 : i32, i32
  }
  func.func @transform_2(%arg0: i32) -> (i32, i32) {
    %c0_i32 = arith.constant 0 : i32
    %c0_i32_0 = arith.constant 0 : i32
    return %arg0, %c0_i32 : i32, i32
  }
}

</mosaic_0001>

<sc_bundles>
// kernel: kernel.6.cloned.1.call-start
scs
__scs_entry_jumppad:
0x0: {  	(pc) =	sbr.rel $0x88, $3  }
0x1: {  	(tag) =	ssettag $0x0;
	lr =	simm.s32 $0x1  }
0x2: {  	[smem:$0x3F9C] =	sst lr;
	_ =	strace $0xD0000000  }
0x3: {  	_ = 	snop  }
0x4: {  	_ = 	snop  }
0x5: {  	_ = 	snop  }
0x6: {  	_ = 	snop  }
0x7: {  	_ = 	snop  }
__scs_overlays_trampoline_lowered:
0x8: {  	[smem:$0x3FAB] =	sst s0  }
0x9: {  	[smem:$0x3FAC] =	sst s1  }
0xa: {  	[smem:$0x3FAD] =	sst s2  }
0xb: {  	[smem:$0x3FAE] =	sst s3  }
0xc: {  	[smem:$0x3FAF] =	sst s4  }
0xd: {  	[smem:$0x3FB0] =	sst s5  }
0xe: {  	[smem:$0x3FB1] =	sst s6  }
0xf: {  	[smem:$0x3FB2] =	sst s7  }
0x10: {  	[smem:$0x3FB3] =	sst s8  }
0x11: {  	[smem:$0x3FB4] =	sst s9;
	s0 =	simm.s32 @!p0 $0x0  }
0x12: {  	s1 =	sld [smem:$0x3F9A];
	s0 =	simm.s32 @p0 $0x1  }
0x13: {  	[smem:$0x3FB5] =	sst s0;
	s0 =	simm.s32 @!p1 $0x0  }
0x14: {  	s2 =	sld [smem:$0x3F99];
	s0 =	simm.s32 @p1 $0x1  }
0x15: {  	[smem:$0x3FB6] =	sst s0;
	s0 =	simm.s32 @!p2 $0x0  }
0x16: {  	s3 =	sld [smem:$0x3FDB];
	s0 =	simm.s32 @p2 $0x1  }
0x17: {  	s4 =	simm.s32 $0x1BF5;
	[smem:$0x3FB8] =	sst s0  }
0x18: {  	s0 =	sld [smem:$0x3F9B];
	_ =	swait.ge [sflag:s4], $0x0  }
0x19: {  	s7 =	sld [smem:$0x3F9C]  }
0x1a: {  	s8 =	sadd.s32 $0xFFFFE003, lr  }
0x1b: {  	s9 =	sadd.s32 $0xFFFFFEF7, lr;
	s5 =	simm.s32 $0xFFFFFFFF;
	p2 =	slt.u32 s8, $0xFFFFF086  }
0x1c: {  	p1 =	slt.u32 s9, $0xF7A;
	s5 =	simm.s32 @!p2 $0x0  }
0x1d: {  	s5 =	simm.s32 @p1 $0x1;
	p0 =	seq.s32 s7, s2  }
0x1e: {  	s7 =	smul.u32 @!p0 $0xF7A, s2;
	p2 =	seq.s32 @!p0 s5, $0x0  }
0x1f: {  	s9 =	smul.u32 $0xF7A, s1;
	s8 =	simm.s32 @!p0 $0x1BF5;
	p2 =	por !p2, p0  }
0x20: {  	[sflag:s8] =	ssyncset.s32 @!p0 $0xFFFFF086;
	s6 =	sadd.s32 @!p0 s3, s7;
	s7 =	simm.s32 @!p0 $0x108  }
0x21: {  	s3 =	sadd.s32 s3, s9;
	s6 =	sadd.s32 @!p0 $0x88, s6;
	s7 =	simm.s32 @p2 $0x1082  }
0x22: {  	[simem:s7], [sflag:s8] =	dma.local @!p0 [hbm:s6], $0xF7A  }
0x23: {  	s9 =	sor.u32 $0xD0000000, s2;
	s6 =	simm.s32 $0x108;
	_ =	swait.ge @!p0 [sflag:s8], $0x0  }
0x24: {  	s3 =	sadd.s32 $0x88, s3;
	s6 =	simm.s32 @!p1 $0x1082;
	[sflag:s4] =	ssyncset.s32 $0xFFFFF086  }
0x25: {  	[simem:s6], [sflag:s4] =	dma.local [hbm:s3], $0xF7A  }
0x26: {  	[smem:$0x3F9C] =	sst s1;
	(tag) =	ssettag s2;
	_ =	strace s9  }
0x27: {  	s1 =	sld [smem:$0x3FAC]  }
0x28: {  	s2 =	sld [smem:$0x3FAD]  }
0x29: {  	s4 =	sld [smem:$0x3FAF]  }
0x2a: {  	p0 =	seq.s32 s5, $0x0;
	s5 =	sld [smem:$0x3FB0]  }
0x2b: {  	s6 =	sld [smem:$0x3FB1]  }
0x2c: {  	s7 =	sld [smem:$0x3FB2]  }
0x2d: {  	s3 =	simm.s32 $0x108;
	s8 =	sld [smem:$0x3FB3]  }
0x2e: {  	s3 =	simm.s32 @!p0 $0x1082;
	s9 =	sld [smem:$0x3FB4]  }
0x2f: {  	lr =	sadd.s32 s0, s3;
	s0 =	sld [smem:$0x3FAB]  }
0x30: {  	s3 =	sld [smem:$0x3FAE]  }
0x31: {  	[smem:$0x3FB7] =	sst s10  }
0x32: {  	s10 =	sld [smem:$0x3FB5];
	_ =	sdelay $0x3  }
0x33: {  	p0 =	seq.s32 s10, $0x1;
	s10 =	sld [smem:$0x3FB7];
	_ =	sdelay $0x3  }
0x34: {  	[smem:$0x3FB7] =	sst s10  }
0x35: {  	s10 =	sld [smem:$0x3FB6];
	_ =	sdelay $0x3  }
0x36: {  	p1 =	seq.s32 s10, $0x1;
	s10 =	sld [smem:$0x3FB7];
	_ =	sdelay $0x3  }
0x37: {  	[smem:$0x3FB7] =	sst s10  }
0x38: {  	s10 =	sld [smem:$0x3FB8]  }
0x39: {  	_ = 	snop;
	(pc) =	sbr.ind lr, $3  }
0x3a: {  	_ = 	snop  }
0x3b: {  	_ = 	snop  }
0x3c: {  	p2 =	seq.s32 s10, $0x1;
	s10 =	sld [smem:$0x3FB7]  }
0x3d: {  	_ =	shalt  }
0x3e: {  	_ =	shalt  }
0x3f: {  	_ =	shalt  }
0x40: {  	_ =	shalt  }
0x41: {  	_ =	shalt  }
0x42: {  	_ =	shalt  }
0x43: {  	_ =	shalt  }
0x44: {  	_ =	shalt  }
0x45: {  	_ =	shalt  }
0x46: {  	_ =	shalt  }
0x47: {  	_ =	shalt  }
0x48: {  	_ =	shalt  }
0x49: {  	_ =	shalt  }
0x4a: {  	_ =	shalt  }
0x4b: {  	_ =	shalt  }
0x4c: {  	_ =	shalt  }
0x4d: {  	_ =	shalt  }
0x4e: {  	_ =	shalt  }
0x4f: {  	_ =	shalt  }
0x50: {  	_ =	shalt  }
0x51: {  	_ =	shalt  }
0x52: {  	_ =	shalt  }
0x53: {  	_ =	shalt  }
0x54: {  	_ =	shalt  }
0x55: {  	_ =	shalt  }
0x56: {  	_ =	shalt  }
0x57: {  	_ =	shalt  }
0x58: {  	_ =	shalt  }
0x59: {  	_ =	shalt  }
0x5a: {  	_ =	shalt  }
0x5b: {  	_ =	shalt  }
0x5c: {  	_ =	shalt  }
0x5d: {  	_ =	shalt  }
0x5e: {  	_ =	shalt  }
0x5f: {  	_ =	shalt  }
0x60: {  	_ =	shalt  }
0x61: {  	_ =	shalt  }
0x62: {  	_ =	shalt  }
0x63: {  	_ =	shalt  }
0x64: {  	_ =	shalt  }
0x65: {  	_ =	shalt  }
0x66: {  	_ =	shalt  }
0x67: {  	_ =	shalt  }
0x68: {  	_ =	shalt  }
0x69: {  	_ =	shalt  }
0x6a: {  	_ =	shalt  }
0x6b: {  	_ =	shalt  }
0x6c: {  	_ =	shalt  }
0x6d: {  	_ =	shalt  }
0x6e: {  	_ =	shalt  }
0x6f: {  	_ =	shalt  }
0x70: {  	_ =	shalt  }
0x71: {  	_ =	shalt  }
0x72: {  	_ =	shalt  }
0x73: {  	_ =	shalt  }
0x74: {  	_ =	shalt  }
0x75: {  	_ =	shalt  }
0x76: {  	_ =	shalt  }
0x77: {  	_ =	shalt  }
0x78: {  	_ =	shalt  }
0x79: {  	_ =	shalt  }
0x7a: {  	_ =	shalt  }
0x7b: {  	_ =	shalt  }
0x7c: {  	_ =	shalt  }
0x7d: {  	_ =	shalt  }
0x7e: {  	_ =	shalt  }
0x7f: {  	_ =	shalt  }
0x80: {  	_ =	shalt  }
0x81: {  	_ =	shalt  }
0x82: {  	_ =	shalt  }
0x83: {  	_ =	shalt  }
0x84: {  	_ =	shalt  }
0x85: {  	_ =	shalt  }
0x86: {  	_ =	shalt  }
0x87: {  	_ =	shalt  }
.Lfunc_end0:
.L_simem_size_0:
called_computation_lowered:
.L_overlay_start_0:
0x88: {  	s2 =	sld [smem:$0x3FD9]  }
0x89: {  	s3 =	sld [smem:$0x3FFE];
	_ =	sdelay $0x1  }
0x8a: {  	s1 =	srdreg.scid  }
0x8b: {  	s0 =	sand.u32 $0x1, s1  }
0x8c: {  	s17 =	sshll.u32 s0, $0xA;
	s2 =	sadd.s32 s3, s2  }
0x8d: {  	s2 =	sadd.s32 s2, s17  }
0x8e: {  	[smem:$0x3FC3] =	sst s2  }
0x8f: {  	_ = 	snop  }
0x90: {  	s2 =	sld [smem:$0x3FD0];
	(tm) =	ssettm $0x1  }
0x91: {  	s18 =	sld [smem:$0x3FFB];
	_ =	sdelay $0x3  }
0x92: {  	_ =	strace s18  }
0x93: {  	s3 =	sld [smem:$0x3FFC];
	_ =	sdelay $0x3  }
0x94: {  	_ =	strace s3  }
0x95: {  	s3 =	sld [smem:$0x3FFD];
	_ =	sdelay $0x3  }
0x96: {  	_ =	strace s3  }
0x97: {  	_ =	strace $0x8FFFFFFF  }
0x98: {  	s19 =	sld [smem:$0x3FDB];
	_ =	sdelay $0x1  }
0x99: {  	s4 =	simm.s32 $_scs_section_size  }
0x9a: {  	s5 =	simm.s32 $_size__tile_overlayer_lowered;
	s6 =	simm.s32 $_tile_overlayer_lowered  }
0x9b: {  	s22 =	simm.s32 $0x1BFF;
	s21 =	sshll.u32 s6, $0x1;
	s3 =	sadd.s32 s4, s19  }
0x9c: {  	s7 =	simm.s32 $0x0;
	s20 =	sshll.u32 s5, $0x1;
	s5 =	sadd.s32 s21, s3  }
0x9d: {  	[timem:s7], [sflag:s22] =	dma.local [hbm:s5], s20  }
0x9e: {  	_ =	swait.ge [sflag:s22], s20  }
0x9f: {  	s4 =	ssub.s32 $0x0, s20;
	[sflag:s22] =	ssyncset.done $0x0  }
0xa0: {  	[sflag:s22] =	ssyncadd.s32 s4;
	_ =	sdelay $0x1  }
0xa1: {  	s23 =	simm.s32 $0x1B8B  }
0xa2: {  	_ =	swait.ge [sflag:s23], $0x1  }
0xa3: {  	[sflag:s23] =	ssyncset.done $0x0  }
0xa4: {  	s25 =	simm.s32 $0x1B8E;
	s24 =	sld [smem:$0x3FFE];
	[sflag:s23] =	ssyncadd.s32 $0xFFFFFFFF  }
0xa5: {  	s26 =	simm.s32 $execute0_lowered;
	[smem:$0x3FD2] =	sst s25  }
0xa6: {  	s5 =	sshll.u32 s26, $0x1;
	_ =	strace $0x80000046;
	[dreg:$0x1] =	wrdreg $0xFFFFFFFF  }
0xa7: {  	s28 =	simm.s32 $_size_execute0_lowered;
	s3 =	sadd.s32 s3, s5;
	[dreg:$0x0] =	wrdreg $0x0  }
0xa8: {  	s5 =	sshll.u32 s28, $0x1;
	[dreg:$0x2] =	wrdreg s3  }
0xa9: {  	[dreg:$0x3] =	wrdreg s5  }
0xaa: {  	[dreg:$0x4] =	wrdreg $0xC0  }
0xab: {  	_ =	task [dreg:s7], $0x5FFFF  }
0xac: {  	[dreg:$0x1] =	wrdreg $0xFFFFFFFF  }
0xad: {  	[dreg:$0x0] =	wrdreg $0x60  }
0xae: {  	[dreg:$0x2] =	wrdreg s2  }
0xaf: {  	[dreg:$0x3] =	wrdreg s24  }
0xb0: {  	[dreg:$0x4] =	wrdreg $0x65000  }
0xb1: {  	[dreg:$0x5] =	wrdreg $0x9  }
0xb2: {  	_ =	task.clear_ibuf [dreg:s7], $0x6FFFF;
	_ =	strace $0x90000046  }
0xb3: {  	s29 =	simm.s32 $0x9;
	_ =	strace $0x80000048  }
0xb4: {  	_ =	swait.ge [sflag:s29], $0x1  }
0xb5: {  	[sflag:s29] =	ssyncadd.s32 $0xFFFFFFFF  }
0xb6: {  	_ =	strace $0x90000048  }
0xb7: {  	_ =	sfence  }
0xb8: {  	s30 =	sld [smem:$0x0];
	_ =	sdelay $0x2  }
0xb9: {  	s31 =	sshll.u32 s1, $0xD;
	s1 =	sshrl.u32 s1, $0x2  }
0xba: {  	s3 =	sand.u32 $0x4000, s31;
	s1 =	sadd.s32 s1, s30  }
0xbb: {  	s0 =	sor.u32 s3, s0;
	s1 =	sshll.u32 s1, $0x11  }
0xbc: {  	s0 =	sor.u32 s1, s0  }
0xbd: {  	s0 =	sadd.s32 $0x8F2B, s0  }
0xbe: {  	[sflag:s0] =	ssyncadd.remote.s32 $0x1  }
0xbf: {  	_ =	sfence.sel $0xFFFF  }
0xc0: {  	[dreg:$0x0] =	wrdreg $0xFFFFFFFF;
	(pc) =	sbr.abs _section_cstart, $3  }
0xc1: {  	[dreg:$0x1] =	wrdreg $0xFFFFFFFF  }
0xc2: {  	_ =	task.clear_ibuf [dreg:s7], $0x2FFFF;
	_ =	strace $0x9FFFFFFF  }
0xc3: {  	(tm) =	ssettm $0x7FFFFFFF  }
tec
execute0_lowered:
.L_overlay_start_1:
0x0: {  	(tag) =	ssettag $0x1  }
0x1: {  	s1 =	srdreg.scid  }
0x2: {  	s1 =	sand.u32 $0x1, s1  }
0x3: {  	p0 =	seq.s32 s1, $0x1  }
.Ltmp0:
0x4: {  	s2 =	rddreg [dreg:$0x0];
	(pc) =	sbr.rel @p0 .LBB2_8-.Ltmp0, $4  }
0x5: {  	s4 =	rddreg [dreg:$0x1]  }
0x6: {  	s3 =	rddreg [dreg:$0x2];
	s5 =	simm.s32 $0x0  }
0x7: {  	[smem:$0x7FF] =	sst s5  }
0x8: {  	s0 =	rddreg [dreg:$0x3];
	_ =	strace $0x80000047;
	s1 =	stileid.u32  }
0x9: {  	s5 =	smul.u32 $0x1390, s1  }
0xa: {  	s6 =	smul.u32 $0xA00, s1  }
0xb: {  	s7 =	sshrl.u32 s5, $0x3  }
0xc: {  	s6 =	sadd.s32 s2, s6;
	s7 =	sadd.s32 s7, s4;
	s4 =	sadd.s32 s5, s3  }
0xd: {  	v0 =	vimm.f32 $0.0e+00;
	s5 =	simm.s32 $0x40;
	s2 =	sadd.s32 $0x1200, s7;
	s7 =	simm.s32 $0x0  }
.LBB2_2:
0xe: {  	p0 =	sne.s32 s5, $0x4E00;
	[tilespmem:s7+$0x5100] =	vst v0;
	s7 =	smov.u32 s5;
	s5 =	sadd.s32 $0x40, s5  }
.Ltmp1:
0xf: {  	(pc) =	sbr.rel @p0 .LBB2_2-.Ltmp1, $2  }
0x10: {  	_ =	sdelay $0x2  }
0x11: {  	s7 =	sshra.s32 s7, $0x2  }
0x12: {  	[tilespmem:s7+$0x5100] =	vst v0;
	s5 =	simm.s32 $0x5100  }
0x13: {  	[spmem:s4] =	stream.linear.scatter [tilespmem:s5], [sflag:$0x1], $0x1390, $0x38;
	[tilespmem:$0x7890] =	vst v63  }
0x14: {  	s5 =	simm.s32 $0x1  }
0x15: {  	_ =	swait.ge [sflag:s5], $0x1390  }
0x16: {  	[sflag:s5] =	ssyncset.done $0x0  }
0x17: {  	v62 =	vimm.f32 $1.000000000e+00;
	[sflag:s5] =	ssyncadd.s32 $0xFFFFEC70  }
0x18: {  	[tilespmem:$0x5080] =	vst v62  }
0x19: {  	[tilespmem:$0x5090] =	vst v62  }
0x1a: {  	[tilespmem:$0x50A0] =	vst v62  }
0x1b: {  	[tilespmem:$0x50B0] =	vst v62  }
0x1c: {  	[tilespmem:$0x50C0] =	vst v62  }
0x1d: {  	[tilespmem:$0x50D0] =	vst v62  }
0x1e: {  	[tilespmem:$0x50E0] =	vst v62  }
0x1f: {  	s30 =	simm.s32 $0x0;
	[tilespmem:$0x50F0] =	vst v62  }
0x20: {  	[tilespmem:s30], [sflag:$0x1] =	stream.linear.gather [hbm4b:s6+s30], $0x5000, $0x38;
	[tilespmem:$0x7890] =	vst v63  }
0x21: {  	_ =	swait.ge [sflag:s5], $0x5000  }
0x22: {  	[sflag:s5] =	ssyncset.done $0x0  }
0x23: {  	[sflag:s5] =	ssyncadd.s32 $0xFFFFB000  }
0x24: {  	s31 =	simm.s32 $0x0;
	[bflag:$0x0] =	sbarrier.arrive $0xFFFF  }
0x25: {  	v63 =	vld [tilespmem:s31+$0x0];
	_ =	sdelay $0x4  }
0x26: {  	v0 =	vshrl.u32 v63, $0xE  }
0x27: {  	[tilespmem:$0x5000] =	vst v0  }
0x28: {  	v0 =	vld [tilespmem:s31+$0x10];
	_ =	sdelay $0x4  }
0x29: {  	v0 =	vshrl.u32 v0, $0xE  }
0x2a: {  	[tilespmem:$0x5010] =	vst v0  }
0x2b: {  	v0 =	vld [tilespmem:s31+$0x20];
	_ =	sdelay $0x4  }
0x2c: {  	v0 =	vshrl.u32 v0, $0xE  }
0x2d: {  	[tilespmem:$0x5020] =	vst v0  }
0x2e: {  	v0 =	vld [tilespmem:s31+$0x30];
	_ =	sdelay $0x4  }
0x2f: {  	v0 =	vshrl.u32 v0, $0xE  }
0x30: {  	[tilespmem:$0x5030] =	vst v0  }
0x31: {  	v0 =	vld [tilespmem:s31+$0x40];
	_ =	sdelay $0x4  }
0x32: {  	v0 =	vshrl.u32 v0, $0xE  }
0x33: {  	[tilespmem:$0x5040] =	vst v0  }
0x34: {  	v0 =	vld [tilespmem:s31+$0x50];
	_ =	sdelay $0x4  }
0x35: {  	v0 =	vshrl.u32 v0, $0xE  }
0x36: {  	[tilespmem:$0x5050] =	vst v0  }
0x37: {  	v0 =	vld [tilespmem:s31+$0x60];
	_ =	sdelay $0x4  }
0x38: {  	v0 =	vshrl.u32 v0, $0xE  }
0x39: {  	[tilespmem:$0x5060] =	vst v0  }
0x3a: {  	v0 =	vld [tilespmem:s31+$0x70];
	_ =	sdelay $0x4  }
0x3b: {  	v0 =	vshrl.u32 v0, $0xE  }
0x3c: {  	s7 =	simm.s32 $0x5000;
	s8 =	simm.s32 $0x5080;
	s6 =	simm.s32 $0x80;
	[tilespmem:$0x5070] =	vst v0  }
0x3d: {  	[spmem:s3] =	stream.indirect.scatter.add.f32 [tilespmem:s8], [sflag:$0x1], $0x1, s7, s6, $0xb8;
	[tilespmem:$0x7890] =	vst v63  }
0x3e: {  	_ =	swait.ge [sflag:s5], $0x80  }
0x3f: {  	s9 =	simm.s32 $0x200;
	s12 =	simm.s32 $0x400;
	[sflag:s5] =	ssyncset.done $0x0  }
.LBB2_4:
0x40: {  	s11 =	sshra.s32 s9, $0x2  }
0x41: {  	[sflag:s5] =	ssyncadd.s32 $0xFFFFFF80;
	s9 =	smov.u32 s12;
	s10 =	sadd.s32 $0x200, s12  }
0x42: {  	p0 =	sne.s32 s12, $0x13E00;
	v0 =	vld [tilespmem:s11+$0x0];
	_ =	sdelay $0x4  }
0x43: {  	v0 =	vshrl.u32 v0, $0xE  }
0x44: {  	[tilespmem:$0x5000] =	vst v0  }
0x45: {  	v0 =	vld [tilespmem:s11+$0x10];
	_ =	sdelay $0x4  }
0x46: {  	v0 =	vshrl.u32 v0, $0xE  }
0x47: {  	[tilespmem:$0x5010] =	vst v0  }
0x48: {  	v0 =	vld [tilespmem:s11+$0x20];
	_ =	sdelay $0x4  }
0x49: {  	v0 =	vshrl.u32 v0, $0xE  }
0x4a: {  	[tilespmem:$0x5020] =	vst v0  }
0x4b: {  	v0 =	vld [tilespmem:s11+$0x30];
	_ =	sdelay $0x4  }
0x4c: {  	v0 =	vshrl.u32 v0, $0xE  }
0x4d: {  	[tilespmem:$0x5030] =	vst v0  }
0x4e: {  	v0 =	vld [tilespmem:s11+$0x40];
	_ =	sdelay $0x4  }
0x4f: {  	v0 =	vshrl.u32 v0, $0xE  }
0x50: {  	[tilespmem:$0x5040] =	vst v0  }
0x51: {  	v0 =	vld [tilespmem:s11+$0x50];
	_ =	sdelay $0x4  }
0x52: {  	v0 =	vshrl.u32 v0, $0xE  }
0x53: {  	[tilespmem:$0x5050] =	vst v0  }
0x54: {  	v0 =	vld [tilespmem:s11+$0x60];
	_ =	sdelay $0x4  }
0x55: {  	v0 =	vshrl.u32 v0, $0xE  }
0x56: {  	[tilespmem:$0x5060] =	vst v0  }
0x57: {  	v0 =	vld [tilespmem:s11+$0x70];
	_ =	sdelay $0x4  }
.Ltmp2:
0x58: {  	v0 =	vshrl.u32 v0, $0xE;
	(pc) =	sbr.rel @p0 .LBB2_4-.Ltmp2, $4  }
0x59: {  	[tilespmem:$0x5070] =	vst v0  }
0x5a: {  	[spmem:s3] =	stream.indirect.scatter.add.f32 [tilespmem:s8], [sflag:$0x1], $0x1, s7, s6, $0xb8;
	[tilespmem:$0x7890] =	vst v63  }
0x5b: {  	_ =	swait.ge [sflag:s5], $0x80  }
0x5c: {  	s12 =	smov.u32 s10;
	[sflag:s5] =	ssyncset.done $0x0  }
0x5d: {  	s9 =	sshra.s32 s9, $0x2;
	[sflag:s5] =	ssyncadd.s32 $0xFFFFFF80  }
0x5e: {  	v0 =	vld [tilespmem:s9+$0x0];
	_ =	sdelay $0x4  }
0x5f: {  	v0 =	vshrl.u32 v0, $0xE  }
0x60: {  	[tilespmem:$0x5000] =	vst v0  }
0x61: {  	v0 =	vld [tilespmem:s9+$0x10];
	_ =	sdelay $0x4  }
0x62: {  	v0 =	vshrl.u32 v0, $0xE  }
0x63: {  	[tilespmem:$0x5010] =	vst v0  }
0x64: {  	v0 =	vld [tilespmem:s9+$0x20];
	_ =	sdelay $0x4  }
0x65: {  	v0 =	vshrl.u32 v0, $0xE  }
0x66: {  	[tilespmem:$0x5020] =	vst v0  }
0x67: {  	v0 =	vld [tilespmem:s9+$0x30];
	_ =	sdelay $0x4  }
0x68: {  	v0 =	vshrl.u32 v0, $0xE  }
0x69: {  	[tilespmem:$0x5030] =	vst v0  }
0x6a: {  	v0 =	vld [tilespmem:s9+$0x40];
	_ =	sdelay $0x4  }
0x6b: {  	v0 =	vshrl.u32 v0, $0xE  }
0x6c: {  	[tilespmem:$0x5040] =	vst v0  }
0x6d: {  	v0 =	vld [tilespmem:s9+$0x50];
	_ =	sdelay $0x4  }
0x6e: {  	v0 =	vshrl.u32 v0, $0xE  }
0x6f: {  	[tilespmem:$0x5050] =	vst v0  }
0x70: {  	v0 =	vld [tilespmem:s9+$0x60];
	_ =	sdelay $0x4  }
0x71: {  	v0 =	vshrl.u32 v0, $0xE  }
0x72: {  	[tilespmem:$0x5060] =	vst v0  }
0x73: {  	v0 =	vld [tilespmem:s9+$0x70];
	_ =	sdelay $0x4  }
0x74: {  	v0 =	vshrl.u32 v0, $0xE  }
0x75: {  	[tilespmem:$0x5070] =	vst v0  }
0x76: {  	[spmem:s3] =	stream.indirect.scatter.add.f32 [tilespmem:s8], [sflag:$0x1], $0x1, s7, s6, $0xb8;
	[tilespmem:$0x7890] =	vst v63  }
0x77: {  	_ =	swait.ge [sflag:s5], $0x80  }
0x78: {  	[sflag:s5] =	ssyncset.done $0x0  }
0x79: {  	[sflag:s5] =	ssyncadd.s32 $0xFFFFFF80  }
0x7a: {  	s30 =	simm.s32 $0x5100;
	s31 =	simm.s32 $0x1;
	[bflag:$0x0] =	sbarrier.arrive $0xFFFF  }
0x7b: {  	[tilespmem:s30], [sflag:$0x1] =	stream.linear.gather [spmem:s4], $0x1390, $0x38;
	[tilespmem:$0x7890] =	vst v63  }
0x7c: {  	_ =	swait.ge [sflag:s31], $0x1390  }
0x7d: {  	[sflag:s31] =	ssyncset.done $0x0  }
0x7e: {  	s3 =	simm.s32 $0x0;
	s4 =	simm.s32 $0x40;
	[sflag:s31] =	ssyncadd.s32 $0xFFFFEC70  }
.LBB2_6:
0x7f: {  	p0 =	sne.s32 s4, $0x4E00;
	v0 =	vld [tilespmem:s3+$0x5100];
	_ =	sdelay $0x4  }
0x80: {  	v0 =	vadd.f32 $9.999999740e-06, v0;
	_ =	sdelay $0x1  }
0x81: {  	(erf) = vrcp.f32 v0;
	_ =	sdelay $0x5  }
.Ltmp3:
0x82: {  	(pc) =	sbr.rel @p0 .LBB2_6-.Ltmp3, $3  }
0x83: {  	_ =	sdelay $0x1  }
0x84: {  	v0 =	vpop (erf)  }
0x85: {  	[tilespmem:s3+$0x5100] =	vst v0;
	s3 =	sshra.s32 s4, $0x2;
	s4 =	sadd.s32 $0x40, s4  }
0x86: {  	v0 =	vld [tilespmem:s3+$0x5100];
	_ =	sdelay $0x4  }
0x87: {  	v0 =	vadd.f32 $9.999999740e-06, v0;
	_ =	sdelay $0x1  }
0x88: {  	(erf) = vrcp.f32 v0;
	_ =	sdelay $0x8  }
0x89: {  	v0 =	vpop (erf)  }
0x8a: {  	s30 =	simm.s32 $0x0;
	s4 =	simm.s32 $0x5100;
	s31 =	simm.s32 $0x1;
	[tilespmem:s3+$0x5100] =	vst v0  }
0x8b: {  	[hbm4b:s2+s30] =	stream.linear.scatter [tilespmem:s4], [sflag:$0x1], $0x1390, $0x38;
	[tilespmem:$0x7890] =	vst v63  }
0x8c: {  	_ =	swait.ge [sflag:s31], $0x1390  }
0x8d: {  	[sflag:s31] =	ssyncset.done $0x0  }
0x8e: {  	[sflag:s31] =	ssyncadd.s32 $0xFFFFEC70  }
.LBB2_8:
0x8f: {  	_ =	sfence.sel $0x180000  }
0x90: {  	[bflag:$0x0] =	sbarrier.arrive $0xFFFF  }
0x91: {  	p0 =	sne.s32 s1, $0x0;
	_ =	strace $0x90000047  }
0x92: {  	s0 =	sadd.s32 @!p0 $0x100000, s0;
	[bflag:$0x2] =	sbarrier.arrive $0xFFFF  }
0x93: {  	[sflag:s0] =	ssyncadd.tile.s32 @!p0 $0x1;
	_ =	shalt  }
.Lfunc_end2:
_tile_overlayer_lowered:
.L_overlay_start_2:
0x94: {  	(tag) =	ssettag $0x2  }
0x95: {  	s0 =	rddreg [dreg:$0x0];
	s2 =	stileid.u32  }
0x96: {  	s1 =	rddreg [dreg:$0x1];
	p0 =	sne.s32 s2, $0x0  }
0x97: {  	s3 =	rddreg [dreg:$0x2];
	[bflag:$0x3] =	sbarrier.arrive $0xFFFF;
	s2 =	simm.s32 @!p0 $0x1C01  }
0x98: {  	[timem:s3], [sflag:s2] =	dma.local @!p0 [hbm:s0], s1  }
0x99: {  	s0 =	simm.s32 @!p0 $0x1  }
0x9a: {  	_ =	swait.ge @!p0 [sflag:s0], s1  }
0x9b: {  	s1 =	ssub.s32 @!p0 $0x0, s1;
	[sflag:s0] =	ssyncset.done @!p0 $0x0  }
0x9c: {  	[sflag:s0] =	ssyncadd.s32 @!p0 s1  }
0x9d: {  	[bflag:$0x3] =	sbarrier.arrive $0xFFFF  }
0x9e: {  	_ =	shalt  }

// kernel: kernel.9.cloned.1.call-start
scs
__scs_entry_jumppad:
0x0: {  	(pc) =	sbr.rel $0x88, $3  }
0x1: {  	(tag) =	ssettag $0x0;
	lr =	simm.s32 $0x1  }
0x2: {  	[smem:$0x3F9C] =	sst lr;
	_ =	strace $0xD0000000  }
0x3: {  	_ = 	snop  }
0x4: {  	_ = 	snop  }
0x5: {  	_ = 	snop  }
0x6: {  	_ = 	snop  }
0x7: {  	_ = 	snop  }
__scs_overlays_trampoline_lowered:
0x8: {  	[smem:$0x3FAB] =	sst s0  }
0x9: {  	[smem:$0x3FAC] =	sst s1  }
0xa: {  	[smem:$0x3FAD] =	sst s2  }
0xb: {  	[smem:$0x3FAE] =	sst s3  }
0xc: {  	[smem:$0x3FAF] =	sst s4  }
0xd: {  	[smem:$0x3FB0] =	sst s5  }
0xe: {  	[smem:$0x3FB1] =	sst s6  }
0xf: {  	[smem:$0x3FB2] =	sst s7  }
0x10: {  	[smem:$0x3FB3] =	sst s8  }
0x11: {  	[smem:$0x3FB4] =	sst s9;
	s0 =	simm.s32 @!p0 $0x0  }
0x12: {  	s1 =	sld [smem:$0x3F9A];
	s0 =	simm.s32 @p0 $0x1  }
0x13: {  	[smem:$0x3FB5] =	sst s0;
	s0 =	simm.s32 @!p1 $0x0  }
0x14: {  	s2 =	sld [smem:$0x3F99];
	s0 =	simm.s32 @p1 $0x1  }
0x15: {  	[smem:$0x3FB6] =	sst s0;
	s0 =	simm.s32 @!p2 $0x0  }
0x16: {  	s3 =	sld [smem:$0x3FDB];
	s0 =	simm.s32 @p2 $0x1  }
0x17: {  	s4 =	simm.s32 $0x1BF5;
	[smem:$0x3FB8] =	sst s0  }
0x18: {  	s0 =	sld [smem:$0x3F9B];
	_ =	swait.ge [sflag:s4], $0x0  }
0x19: {  	s7 =	sld [smem:$0x3F9C]  }
0x1a: {  	s8 =	sadd.s32 $0xFFFFE003, lr  }
0x1b: {  	s9 =	sadd.s32 $0xFFFFFEF7, lr;
	s5 =	simm.s32 $0xFFFFFFFF;
	p2 =	slt.u32 s8, $0xFFFFF086  }
0x1c: {  	p1 =	slt.u32 s9, $0xF7A;
	s5 =	simm.s32 @!p2 $0x0  }
0x1d: {  	s5 =	simm.s32 @p1 $0x1;
	p0 =	seq.s32 s7, s2  }
0x1e: {  	s7 =	smul.u32 @!p0 $0xF7A, s2;
	p2 =	seq.s32 @!p0 s5, $0x0  }
0x1f: {  	s9 =	smul.u32 $0xF7A, s1;
	s8 =	simm.s32 @!p0 $0x1BF5;
	p2 =	por !p2, p0  }
0x20: {  	[sflag:s8] =	ssyncset.s32 @!p0 $0xFFFFF086;
	s6 =	sadd.s32 @!p0 s3, s7;
	s7 =	simm.s32 @!p0 $0x108  }
0x21: {  	s3 =	sadd.s32 s3, s9;
	s6 =	sadd.s32 @!p0 $0x88, s6;
	s7 =	simm.s32 @p2 $0x1082  }
0x22: {  	[simem:s7], [sflag:s8] =	dma.local @!p0 [hbm:s6], $0xF7A  }
0x23: {  	s9 =	sor.u32 $0xD0000000, s2;
	s6 =	simm.s32 $0x108;
	_ =	swait.ge @!p0 [sflag:s8], $0x0  }
0x24: {  	s3 =	sadd.s32 $0x88, s3;
	s6 =	simm.s32 @!p1 $0x1082;
	[sflag:s4] =	ssyncset.s32 $0xFFFFF086  }
0x25: {  	[simem:s6], [sflag:s4] =	dma.local [hbm:s3], $0xF7A  }
0x26: {  	[smem:$0x3F9C] =	sst s1;
	(tag) =	ssettag s2;
	_ =	strace s9  }
0x27: {  	s1 =	sld [smem:$0x3FAC]  }
0x28: {  	s2 =	sld [smem:$0x3FAD]  }
0x29: {  	s4 =	sld [smem:$0x3FAF]  }
0x2a: {  	p0 =	seq.s32 s5, $0x0;
	s5 =	sld [smem:$0x3FB0]  }
0x2b: {  	s6 =	sld [smem:$0x3FB1]  }
0x2c: {  	s7 =	sld [smem:$0x3FB2]  }
0x2d: {  	s3 =	simm.s32 $0x108;
	s8 =	sld [smem:$0x3FB3]  }
0x2e: {  	s3 =	simm.s32 @!p0 $0x1082;
	s9 =	sld [smem:$0x3FB4]  }
0x2f: {  	lr =	sadd.s32 s0, s3;
	s0 =	sld [smem:$0x3FAB]  }
0x30: {  	s3 =	sld [smem:$0x3FAE]  }
0x31: {  	[smem:$0x3FB7] =	sst s10  }
0x32: {  	s10 =	sld [smem:$0x3FB5];
	_ =	sdelay $0x3  }
0x33: {  	p0 =	seq.s32 s10, $0x1;
	s10 =	sld [smem:$0x3FB7];
	_ =	sdelay $0x3  }
0x34: {  	[smem:$0x3FB7] =	sst s10  }
0x35: {  	s10 =	sld [smem:$0x3FB6];
	_ =	sdelay $0x3  }
0x36: {  	p1 =	seq.s32 s10, $0x1;
	s10 =	sld [smem:$0x3FB7];
	_ =	sdelay $0x3  }
0x37: {  	[smem:$0x3FB7] =	sst s10  }
0x38: {  	s10 =	sld [smem:$0x3FB8]  }
0x39: {  	_ = 	snop;
	(pc) =	sbr.ind lr, $3  }
0x3a: {  	_ = 	snop  }
0x3b: {  	_ = 	snop  }
0x3c: {  	p2 =	seq.s32 s10, $0x1;
	s10 =	sld [smem:$0x3FB7]  }
0x3d: {  	_ =	shalt  }
0x3e: {  	_ =	shalt  }
0x3f: {  	_ =	shalt  }
0x40: {  	_ =	shalt  }
0x41: {  	_ =	shalt  }
0x42: {  	_ =	shalt  }
0x43: {  	_ =	shalt  }
0x44: {  	_ =	shalt  }
0x45: {  	_ =	shalt  }
0x46: {  	_ =	shalt  }
0x47: {  	_ =	shalt  }
0x48: {  	_ =	shalt  }
0x49: {  	_ =	shalt  }
0x4a: {  	_ =	shalt  }
0x4b: {  	_ =	shalt  }
0x4c: {  	_ =	shalt  }
0x4d: {  	_ =	shalt  }
0x4e: {  	_ =	shalt  }
0x4f: {  	_ =	shalt  }
0x50: {  	_ =	shalt  }
0x51: {  	_ =	shalt  }
0x52: {  	_ =	shalt  }
0x53: {  	_ =	shalt  }
0x54: {  	_ =	shalt  }
0x55: {  	_ =	shalt  }
0x56: {  	_ =	shalt  }
0x57: {  	_ =	shalt  }
0x58: {  	_ =	shalt  }
0x59: {  	_ =	shalt  }
0x5a: {  	_ =	shalt  }
0x5b: {  	_ =	shalt  }
0x5c: {  	_ =	shalt  }
0x5d: {  	_ =	shalt  }
0x5e: {  	_ =	shalt  }
0x5f: {  	_ =	shalt  }
0x60: {  	_ =	shalt  }
0x61: {  	_ =	shalt  }
0x62: {  	_ =	shalt  }
0x63: {  	_ =	shalt  }
0x64: {  	_ =	shalt  }
0x65: {  	_ =	shalt  }
0x66: {  	_ =	shalt  }
0x67: {  	_ =	shalt  }
0x68: {  	_ =	shalt  }
0x69: {  	_ =	shalt  }
0x6a: {  	_ =	shalt  }
0x6b: {  	_ =	shalt  }
0x6c: {  	_ =	shalt  }
0x6d: {  	_ =	shalt  }
0x6e: {  	_ =	shalt  }
0x6f: {  	_ =	shalt  }
0x70: {  	_ =	shalt  }
0x71: {  	_ =	shalt  }
0x72: {  	_ =	shalt  }
0x73: {  	_ =	shalt  }
0x74: {  	_ =	shalt  }
0x75: {  	_ =	shalt  }
0x76: {  	_ =	shalt  }
0x77: {  	_ =	shalt  }
0x78: {  	_ =	shalt  }
0x79: {  	_ =	shalt  }
0x7a: {  	_ =	shalt  }
0x7b: {  	_ =	shalt  }
0x7c: {  	_ =	shalt  }
0x7d: {  	_ =	shalt  }
0x7e: {  	_ =	shalt  }
0x7f: {  	_ =	shalt  }
0x80: {  	_ =	shalt  }
0x81: {  	_ =	shalt  }
0x82: {  	_ =	shalt  }
0x83: {  	_ =	shalt  }
0x84: {  	_ =	shalt  }
0x85: {  	_ =	shalt  }
0x86: {  	_ =	shalt  }
0x87: {  	_ =	shalt  }
.Lfunc_end0:
.L_simem_size_0:
called_computation.1_lowered:
.L_overlay_start_0:
0x88: {  	s2 =	sld [smem:$0x3FD9]  }
0x89: {  	s3 =	sld [smem:$0x3FFE];
	_ =	sdelay $0x1  }
0x8a: {  	s1 =	srdreg.scid  }
0x8b: {  	s0 =	sand.u32 $0x1, s1  }
0x8c: {  	s17 =	sshll.u32 s0, $0xA;
	s2 =	sadd.s32 s3, s2  }
0x8d: {  	s2 =	sadd.s32 s2, s17  }
0x8e: {  	[smem:$0x3FC3] =	sst s2  }
0x8f: {  	_ = 	snop  }
0x90: {  	s2 =	sld [smem:$0x3FD0];
	(tm) =	ssettm $0x1  }
0x91: {  	s18 =	sld [smem:$0x3FFB];
	_ =	sdelay $0x3  }
0x92: {  	_ =	strace s18  }
0x93: {  	s3 =	sld [smem:$0x3FFC];
	_ =	sdelay $0x3  }
0x94: {  	_ =	strace s3  }
0x95: {  	s3 =	sld [smem:$0x3FFD];
	_ =	sdelay $0x3  }
0x96: {  	_ =	strace s3  }
0x97: {  	_ =	strace $0x8FFFFFFF  }
0x98: {  	s19 =	sld [smem:$0x3FDB];
	_ =	sdelay $0x1  }
0x99: {  	s4 =	simm.s32 $_scs_section_size  }
0x9a: {  	s5 =	simm.s32 $_size__tile_overlayer_lowered;
	s6 =	simm.s32 $_tile_overlayer_lowered  }
0x9b: {  	s22 =	simm.s32 $0x1BFF;
	s21 =	sshll.u32 s6, $0x1;
	s3 =	sadd.s32 s4, s19  }
0x9c: {  	s7 =	simm.s32 $0x0;
	s20 =	sshll.u32 s5, $0x1;
	s5 =	sadd.s32 s21, s3  }
0x9d: {  	[timem:s7], [sflag:s22] =	dma.local [hbm:s5], s20  }
0x9e: {  	_ =	swait.ge [sflag:s22], s20  }
0x9f: {  	s4 =	ssub.s32 $0x0, s20;
	[sflag:s22] =	ssyncset.done $0x0  }
0xa0: {  	[sflag:s22] =	ssyncadd.s32 s4;
	_ =	sdelay $0x1  }
0xa1: {  	s23 =	simm.s32 $0x1B8B  }
0xa2: {  	_ =	swait.ge [sflag:s23], $0x1  }
0xa3: {  	[sflag:s23] =	ssyncset.done $0x0  }
0xa4: {  	s25 =	simm.s32 $0x1B8E;
	s24 =	sld [smem:$0x3FFE];
	[sflag:s23] =	ssyncadd.s32 $0xFFFFFFFF  }
0xa5: {  	s26 =	simm.s32 $execute0_lowered;
	[smem:$0x3FD2] =	sst s25  }
0xa6: {  	s5 =	sshll.u32 s26, $0x1;
	_ =	strace $0x80000049;
	[dreg:$0x1] =	wrdreg $0xFFFFFFFF  }
0xa7: {  	s28 =	simm.s32 $_size_execute0_lowered;
	s3 =	sadd.s32 s3, s5;
	[dreg:$0x0] =	wrdreg $0x0  }
0xa8: {  	s5 =	sshll.u32 s28, $0x1;
	[dreg:$0x2] =	wrdreg s3  }
0xa9: {  	[dreg:$0x3] =	wrdreg s5  }
0xaa: {  	[dreg:$0x4] =	wrdreg $0xC0  }
0xab: {  	_ =	task [dreg:s7], $0x5FFFF  }
0xac: {  	[dreg:$0x1] =	wrdreg $0xFFFFFFFF  }
0xad: {  	[dreg:$0x0] =	wrdreg $0x60  }
0xae: {  	[dreg:$0x2] =	wrdreg s2  }
0xaf: {  	[dreg:$0x3] =	wrdreg s24  }
0xb0: {  	[dreg:$0x4] =	wrdreg $0x86000  }
0xb1: {  	[dreg:$0x5] =	wrdreg $0x9  }
0xb2: {  	_ =	task.clear_ibuf [dreg:s7], $0x6FFFF;
	_ =	strace $0x90000049  }
0xb3: {  	s29 =	simm.s32 $0x9;
	_ =	strace $0x8000004B  }
0xb4: {  	_ =	swait.ge [sflag:s29], $0x1  }
0xb5: {  	[sflag:s29] =	ssyncadd.s32 $0xFFFFFFFF  }
0xb6: {  	_ =	strace $0x9000004B  }
0xb7: {  	_ =	sfence  }
0xb8: {  	s30 =	sld [smem:$0x0];
	_ =	sdelay $0x2  }
0xb9: {  	s31 =	sshll.u32 s1, $0xD;
	s1 =	sshrl.u32 s1, $0x2  }
0xba: {  	s3 =	sand.u32 $0x4000, s31;
	s1 =	sadd.s32 s1, s30  }
0xbb: {  	s0 =	sor.u32 s3, s0;
	s1 =	sshll.u32 s1, $0x11  }
0xbc: {  	s0 =	sor.u32 s1, s0  }
0xbd: {  	s0 =	sadd.s32 $0x8F2B, s0  }
0xbe: {  	[sflag:s0] =	ssyncadd.remote.s32 $0x1  }
0xbf: {  	_ =	sfence.sel $0xFFFF  }
0xc0: {  	[dreg:$0x0] =	wrdreg $0xFFFFFFFF;
	(pc) =	sbr.abs _section_cstart, $3  }
0xc1: {  	[dreg:$0x1] =	wrdreg $0xFFFFFFFF  }
0xc2: {  	_ =	task.clear_ibuf [dreg:s7], $0x2FFFF;
	_ =	strace $0x9FFFFFFF  }
0xc3: {  	(tm) =	ssettm $0x7FFFFFFF  }
tec
execute0_lowered:
.L_overlay_start_1:
0x0: {  	(tag) =	ssettag $0x1  }
0x1: {  	s1 =	rddreg [dreg:$0x0]  }
0x2: {  	s0 =	rddreg [dreg:$0x1]  }
0x3: {  	s2 =	rddreg [dreg:$0x2]  }
0x4: {  	s3 =	simm.s32 $0x0;
	s22 =	srdreg.scid;
	s15 =	stileid.u32  }
0x5: {  	s28 =	simm.s32 $0x340;
	s29 =	simm.s32 $0x2600;
	s30 =	simm.s32 $0x200  }
0x6: {  	s31 =	simm.s32 $0x400;
	[smem:$0x7FF] =	sst s3;
	s9 =	smul.u32 $0x278, s15  }
0x7: {  	s5 =	sadd.s32 $0x3A00, s0;
	s3 =	sand.u32 $0x1, s22;
	s24 =	smul.u32 $0x4F000, s15  }
0x8: {  	s6 =	sadd.s32 $0x1200, s0;
	s21 =	smul.u32 $0x2780, s15;
	_ =	strace $0x8000004A  }
0x9: {  	s4 =	ssub.s32 $0x2, s3;
	s8 =	sshll.u32 s3, $0x4;
	p0 =	seq.s32 s3, $0x1  }
0xa: {  	s3 =	simm.s32 $0x163A00;
	s7 =	sshrl.u32 s4, $0x1;
	s23 =	sor.u32 s15, s8  }
0xb: {  	s10 =	sadd.s32 $0x80, s9;
	s11 =	sadd.s32 $0x100, s9;
	s8 =	sshrl.u32 s24, $0x2  }
0xc: {  	s26 =	sadd.s32 $0x180, s9;
	s9 =	sadd.s32 $0x200, s9;
	s3 =	simm.s32 @!p0 $0x13C200  }
0xd: {  	s15 =	simm.s32 $0x180;
	s4 =	ssub.s32 s4, s7;
	s7 =	smul.u32 $0x2800, s23  }
0xe: {  	s12 =	sshll.u32 s10, $0x7;
	s13 =	sshll.u32 s11, $0x7;
	s19 =	sadd.s32 s8, s2  }
0xf: {  	s17 =	sshll.u32 s26, $0x7;
	s14 =	sshll.u32 s9, $0x7;
	s10 =	sshll.u32 s10, $0x4  }
0x10: {  	s11 =	sshll.u32 s11, $0x4;
	s8 =	sshll.u32 s26, $0x4;
	s0 =	sadd.s32 s3, s0  }
0x11: {  	s22 =	sshll.u32 s9, $0x4;
	s25 =	sadd.s32 s13, s2;
	[dreg:$0x4] =	wrdreg s19  }
0x12: {  	s9 =	simm.s32 $0x3;
	s13 =	sadd.s32 s17, s2;
	[dreg:$0x6] =	wrdreg s25  }
0x13: {  	s20 =	sadd.s32 s12, s2;
	s18 =	sadd.s32 s14, s2;
	[dreg:$0x8] =	wrdreg s13  }
0x14: {  	s4 =	smax.u32 s4, $0x1;
	s23 =	sadd.s32 s0, s21;
	[dreg:$0x9] =	wrdreg s18  }
0x15: {  	s24 =	sadd.s32 s0, s10;
	s26 =	sadd.s32 s0, s8;
	[dreg:$0xb] =	wrdreg s4  }
0x16: {  	s21 =	simm.s32 $0x600;
	s17 =	simm.s32 $0x8;
	[dreg:$0xc] =	wrdreg s23  }
0x17: {  	s16 =	sshrl.u32 s7, $0x3;
	s14 =	sor.u32 $0x100, s7;
	[dreg:$0xd] =	wrdreg s24  }
0x18: {  	s25 =	sadd.s32 s0, s11;
	[dreg:$0xf] =	wrdreg s26;
	s0 =	sadd.s32 s0, s22  }
0x19: {  	s22 =	simm.s32 $0x9;
	s23 =	simm.s32 $0x80;
	s24 =	simm.s32 $0x1  }
0x1a: {  	s26 =	simm.s32 $0x300;
	s4 =	simm.s32 $0x4;
	s13 =	simm.s32 $0x6  }
.Ltmp0:
0x1b: {  	s18 =	simm.s32 $0x2;
	[dreg:$0x5] =	wrdreg s20;
	(pc) =	sbr.rel .LBB2_1-.Ltmp0, $4  }
0x1c: {  	s11 =	simm.s32 $0x5;
	s7 =	simm.s32 $0x0;
	[dreg:$0xe] =	wrdreg s25  }
0x1d: {  	s12 =	sadd.s32 s1, s16;
	[dreg:$0x10] =	wrdreg s0;
	s25 =	simm.s32 $0x40  }
0x1e: {  	s0 =	simm.s32 $0x7;
	[dreg:$0x7] =	wrdreg s12;
	s12 =	sadd.s32 $0x10, s12  }
0x1f: {  	v0 =	vimm.f32 $0.0e+00;
	s16 =	simm.s32 $0x4600;
	[dreg:$0xa] =	wrdreg s12;
	s12 =	simm.s32 $0x100  }
.LBB2_20:
0x20: {  	_ =	swait.ge [sflag:s17], $0x4000  }
0x21: {  	[sflag:s17] =	ssyncset.done $0x0  }
0x22: {  	[sflag:s17] =	ssyncadd.s32 $0xFFFFC000  }
0x23: {  	_ =	swait.ge [sflag:s0], $0x4000  }
0x24: {  	[sflag:s0] =	ssyncset.done $0x0  }
0x25: {  	[sflag:s0] =	ssyncadd.s32 $0xFFFFC000  }
0x26: {  	s3 =	stileid.u32;
	[bflag:$0x0] =	sbarrier.arrive $0xFFFF  }
0x27: {  	s3 =	sshll.u32 s3, $0x6;
	s19 =	rddreg [dreg:$0x4]  }
0x28: {  	s3 =	sor.u32 $0x1C09, s3;
	s8 =	rddreg [dreg:$0xc];
	s7 =	sshrl.u32 s19, $0x3  }
0x29: {  	[hbm:s8], [sflag:s3] =	dma.local [spmem:s7], $0x800  }
0x2a: {  	_ =	swait.ge [sflag:s22], $0x800  }
0x2b: {  	[sflag:s22] =	ssyncset.done $0x0;
	s20 =	rddreg [dreg:$0x5]  }
0x2c: {  	s10 =	rddreg [dreg:$0xd];
	[sflag:s22] =	ssyncadd.s32 $0xFFFFF800;
	s8 =	sshrl.u32 s20, $0x3  }
0x2d: {  	[hbm:s10], [sflag:s3] =	dma.local [spmem:s8], $0x800  }
0x2e: {  	_ =	swait.ge [sflag:s22], $0x800  }
0x2f: {  	[sflag:s22] =	ssyncset.done $0x0;
	s8 =	rddreg [dreg:$0x6]  }
0x30: {  	s10 =	rddreg [dreg:$0xe];
	[sflag:s22] =	ssyncadd.s32 $0xFFFFF800;
	s7 =	sshrl.u32 s8, $0x3  }
0x31: {  	[hbm:s10], [sflag:s3] =	dma.local [spmem:s7], $0x800  }
0x32: {  	_ =	swait.ge [sflag:s22], $0x800  }
0x33: {  	[sflag:s22] =	ssyncset.done $0x0;
	s8 =	rddreg [dreg:$0x8]  }
0x34: {  	s10 =	rddreg [dreg:$0xf];
	[sflag:s22] =	ssyncadd.s32 $0xFFFFF800;
	s7 =	sshrl.u32 s8, $0x3  }
0x35: {  	[hbm:s10], [sflag:s3] =	dma.local [spmem:s7], $0x800  }
0x36: {  	_ =	swait.ge [sflag:s22], $0x800  }
0x37: {  	[sflag:s22] =	ssyncset.done $0x0;
	s8 =	rddreg [dreg:$0x9]  }
0x38: {  	s10 =	rddreg [dreg:$0x10];
	[sflag:s22] =	ssyncadd.s32 $0xFFFFF800;
	s7 =	sshrl.u32 s8, $0x3  }
0x39: {  	[hbm:s10], [sflag:s3] =	dma.local [spmem:s7], $0x780  }
0x3a: {  	_ =	swait.ge [sflag:s22], $0x780  }
0x3b: {  	s8 =	rddreg [dreg:$0x11]  }
0x3c: {  	s10 =	rddreg [dreg:$0xb];
	s7 =	sadd.s32 $0x1, s8  }
0x3d: {  	p0 =	sne.s32 s7, s10  }
.Ltmp1:
0x3e: {  	_ = 	snop;
	(pc) =	sbr.rel @!p0 .LBB2_21-.Ltmp1, $3  }
0x3f: {  	_ =	sdelay $0x1  }
0x40: {  	[sflag:s22] =	ssyncset.done $0x0  }
0x41: {  	[sflag:s22] =	ssyncadd.s32 $0xFFFFF880  }
.LBB2_1:
0x42: {  	[dreg:$0x11] =	wrdreg s7;
	s3 =	simm.s32 $0x0;
	s7 =	simm.s32 $0x200  }
.LBB2_2:
0x43: {  	p0 =	sne.s32 s7, $0xFE00;
	[tilespmem:s3+$0x670] =	vst v0  }
0x44: {  	[tilespmem:s3+$0x600] =	vst v0  }
0x45: {  	[tilespmem:s3+$0x610] =	vst v0  }
.Ltmp2:
0x46: {  	[tilespmem:s3+$0x620] =	vst v0;
	(pc) =	sbr.rel @p0 .LBB2_2-.Ltmp2, $4  }
0x47: {  	[tilespmem:s3+$0x630] =	vst v0  }
0x48: {  	[tilespmem:s3+$0x640] =	vst v0  }
0x49: {  	[tilespmem:s3+$0x650] =	vst v0  }
0x4a: {  	[tilespmem:s3+$0x660] =	vst v0;
	s3 =	sshra.s32 s7, $0x2;
	s7 =	sadd.s32 $0x200, s7  }
0x4b: {  	[tilespmem:s3+$0x670] =	vst v0  }
0x4c: {  	[tilespmem:s3+$0x600] =	vst v0  }
0x4d: {  	[tilespmem:s3+$0x610] =	vst v0  }
0x4e: {  	[tilespmem:s3+$0x620] =	vst v0  }
0x4f: {  	[tilespmem:s3+$0x630] =	vst v0  }
0x50: {  	[tilespmem:s3+$0x640] =	vst v0  }
0x51: {  	[tilespmem:s3+$0x650] =	vst v0  }
0x52: {  	[tilespmem:s3+$0x660] =	vst v0  }
0x53: {  	[spmem:s19] =	stream.linear.scatter [tilespmem:s21], [sflag:$0x9], $0x4000, $0x38;
	[tilespmem:$0x1C200] =	vst v63  }
0x54: {  	_ =	swait.ge [sflag:s22], $0x4000  }
0x55: {  	[sflag:s22] =	ssyncset.done $0x0  }
0x56: {  	[sflag:s22] =	ssyncadd.s32 $0xFFFFC000  }
0x57: {  	[spmem:s20] =	stream.linear.scatter [tilespmem:s21], [sflag:$0x9], $0x4000, $0x38;
	[tilespmem:$0x1C200] =	vst v63  }
0x58: {  	_ =	swait.ge [sflag:s22], $0x4000  }
0x59: {  	[sflag:s22] =	ssyncset.done $0x0  }
0x5a: {  	s20 =	rddreg [dreg:$0x6];
	[sflag:s22] =	ssyncadd.s32 $0xFFFFC000  }
0x5b: {  	[spmem:s20] =	stream.linear.scatter [tilespmem:s21], [sflag:$0x9], $0x4000, $0x38;
	[tilespmem:$0x1C200] =	vst v63  }
0x5c: {  	_ =	swait.ge [sflag:s22], $0x4000  }
0x5d: {  	[sflag:s22] =	ssyncset.done $0x0  }
0x5e: {  	s7 =	rddreg [dreg:$0x8];
	[sflag:s22] =	ssyncadd.s32 $0xFFFFC000  }
0x5f: {  	[spmem:s7] =	stream.linear.scatter [tilespmem:s21], [sflag:$0x9], $0x4000, $0x38;
	[tilespmem:$0x1C200] =	vst v63  }
0x60: {  	_ =	swait.ge [sflag:s22], $0x4000  }
0x61: {  	[sflag:s22] =	ssyncset.done $0x0  }
0x62: {  	s8 =	rddreg [dreg:$0x9];
	[sflag:s22] =	ssyncadd.s32 $0xFFFFC000  }
0x63: {  	[spmem:s8] =	stream.linear.scatter [tilespmem:s21], [sflag:$0x9], $0x3C00, $0x38;
	[tilespmem:$0x1C200] =	vst v63  }
0x64: {  	_ =	swait.ge [sflag:s22], $0x3C00  }
0x65: {  	[sflag:s22] =	ssyncset.done $0x0  }
0x66: {  	[sflag:s22] =	ssyncadd.s32 $0xFFFFC400  }
0x67: {  	[bflag:$0x0] =	sbarrier.arrive $0xFFFF  }
0x68: {  	s20 =	simm.s32 $0x0;
	s10 =	rddreg [dreg:$0x7]  }
0x69: {  	[tilespmem:s20], [sflag:$0x1] =	stream.linear.gather [hbm4b:s10+s20], $0x80, $0x38;
	[tilespmem:$0x1C200] =	vst v63  }
0x6a: {  	s19 =	rddreg [dreg:$0xa]  }
0x6b: {  	[tilespmem:s23], [sflag:$0x2] =	stream.linear.gather [hbm4b:s19+s20], $0x80, $0x38;
	[tilespmem:$0x1C200] =	vst v63  }
0x6c: {  	_ =	swait.ge [sflag:s24], $0x80  }
0x6d: {  	[sflag:s24] =	ssyncset.done $0x0  }
0x6e: {  	[sflag:s24] =	ssyncadd.s32 $0xFFFFFF80  }
0x6f: {  	v1 =	vld [tilespmem:$0x0];
	_ =	sdelay $0x2  }
0x70: {  	v2 =	vld [tilespmem:$0x10];
	_ =	sdelay $0x1  }
0x71: {  	v3 =	vshrl.u32 v1, $0x11  }
0x72: {  	v6 =	vld [tilespmem:$0x20];
	v4 =	vshrl.u32 v1, $0xE;
	v5 =	vshll.u32 v3, $0x3  }
0x73: {  	v5 =	vsub.s32 v4, v5  }
0x74: {  	v7 =	vshrl.u32 v2, $0x11;
	v5 =	vmul.u32 $0x2710, v5  }
0x75: {  	v9 =	vld [tilespmem:$0x30];
	v1 =	vand.u32 $0x3FFF, v1;
	[tilespmem:$0x100] =	vst v3;
	v3 =	vshrl.u32 v2, $0xE;
	v8 =	vshll.u32 v7, $0x3  }
0x76: {  	[tilespmem:$0x200] =	vst v4;
	v41 =	vsub.s32 v3, v8;
	v1 =	vadd.s32 v1, v5  }
0x77: {  	v42 =	vshrl.u32 v6, $0x11;
	[tilespmem:$0x300] =	vst v1;
	v1 =	vmul.u32 $0x2710, v41  }
0x78: {  	v45 =	vld [tilespmem:$0x40];
	v43 =	vshrl.u32 v6, $0xE;
	v2 =	vand.u32 $0x3FFF, v2;
	[tilespmem:$0x110] =	vst v7;
	v44 =	vshll.u32 v42, $0x3  }
0x79: {  	[tilespmem:$0x120] =	vst v42;
	v1 =	vadd.s32 v2, v1;
	v2 =	vsub.s32 v43, v44  }
0x7a: {  	[tilespmem:$0x310] =	vst v1;
	v1 =	vmul.u32 $0x2710, v2;
	v2 =	vshrl.u32 v9, $0x11  }
0x7b: {  	v48 =	vld [tilespmem:$0x50];
	v46 =	vshrl.u32 v9, $0xE;
	[tilespmem:$0x210] =	vst v3;
	v3 =	vand.u32 $0x3FFF, v6;
	v47 =	vshll.u32 v2, $0x3  }
0x7c: {  	[tilespmem:$0x220] =	vst v43;
	v1 =	vadd.s32 v3, v1;
	v3 =	vsub.s32 v46, v47  }
0x7d: {  	[tilespmem:$0x320] =	vst v1;
	v1 =	vmul.u32 $0x2710, v3;
	v3 =	vshrl.u32 v45, $0x11  }
0x7e: {  	v51 =	vld [tilespmem:$0x60];
	v49 =	vand.u32 $0x3FFF, v9;
	[tilespmem:$0x130] =	vst v2;
	v2 =	vshrl.u32 v45, $0xE;
	v50 =	vshll.u32 v3, $0x3  }
0x7f: {  	[tilespmem:$0x230] =	vst v46;
	v1 =	vadd.s32 v49, v1;
	v52 =	vsub.s32 v2, v50  }
0x80: {  	v53 =	vshrl.u32 v48, $0x11;
	[tilespmem:$0x330] =	vst v1;
	v1 =	vmul.u32 $0x2710, v52  }
0x81: {  	v56 =	vld [tilespmem:$0x70];
	v54 =	vand.u32 $0x3FFF, v45;
	v55 =	vshll.u32 v53, $0x3;
	[tilespmem:$0x140] =	vst v3;
	v3 =	vshrl.u32 v48, $0xE  }
0x82: {  	[tilespmem:$0x240] =	vst v2;
	v2 =	vsub.s32 v3, v55;
	v1 =	vadd.s32 v54, v1  }
0x83: {  	[tilespmem:$0x340] =	vst v1;
	v1 =	vmul.u32 $0x2710, v2;
	v2 =	vshrl.u32 v51, $0x11  }
0x84: {  	v57 =	vand.u32 $0x3FFF, v48;
	v58 =	vshrl.u32 v51, $0xE;
	[tilespmem:$0x150] =	vst v53;
	v59 =	vshll.u32 v2, $0x3  }
0x85: {  	[tilespmem:$0x250] =	vst v3;
	v1 =	vadd.s32 v57, v1;
	v3 =	vsub.s32 v58, v59  }
0x86: {  	[tilespmem:$0x350] =	vst v1;
	v1 =	vmul.u32 $0x2710, v3;
	v3 =	vshrl.u32 v56, $0x11  }
0x87: {  	v60 =	vand.u32 $0x3FFF, v51;
	[tilespmem:$0x160] =	vst v2;
	v2 =	vshrl.u32 v56, $0xE;
	v61 =	vshll.u32 v3, $0x3  }
0x88: {  	[tilespmem:$0x260] =	vst v58;
	v1 =	vadd.s32 v60, v1;
	v62 =	vsub.s32 v2, v61  }
0x89: {  	[tilespmem:$0x360] =	vst v1;
	v1 =	vmul.u32 $0x2710, v62  }
0x8a: {  	v63 =	vand.u32 $0x3FFF, v56;
	[tilespmem:$0x270] =	vst v2  }
0x8b: {  	[tilespmem:$0x170] =	vst v3;
	v1 =	vadd.s32 v63, v1  }
0x8c: {  	[tilespmem:$0x370] =	vst v1  }
0x8d: {  	[tilespmem:s21], [sflag:$0x3] =	stream.indirect.gather [hbm4b:s5+s25], $0x80, s26, s25, $0xb8;
	[tilespmem:$0x1C200] =	vst v63  }
.Ltmp3:
0x8e: {  	_ = 	snop;
	(pc) =	sbr.rel .LBB2_4-.Ltmp3, $4  }
0x8f: {  	_ = 	snop  }
0x90: {  	[tilespmem:s29], [sflag:$0x3] =	stream.indirect.gather [hbm4b:s5+s25], $0x80, s28, s25, $0xb8;
	[tilespmem:$0x1C200] =	vst v63  }
0x91: {  	_ = 	snop  }
0x92: {  	[tilespmem:s31], [sflag:$0x5] =	stream.indirect.gather [hbm4b:s6+s23], $0x1, s30, s23, $0xb8;
	[tilespmem:$0x1C200] =	vst v63  }
.LBB2_19:
0x93: {  	s20 =	sadd.s32 $0x1, s20  }
0x94: {  	p0 =	sne.s32 s20, $0x50  }
.Ltmp4:
0x95: {  	_ = 	snop;
	(pc) =	sbr.rel @!p0 .LBB2_20-.Ltmp4, $1  }
0x96: {  	_ =	sdelay $0x3  }
.LBB2_4:
0x97: {  	s10 =	sand.u32 $0x1, s20  }
0x98: {  	p0 =	seq.s32 s10, $0x1  }
.Ltmp5:
0x99: {  	_ = 	snop;
	(pc) =	sbr.rel @p0 .LBB2_12-.Ltmp5, $1  }
0x9a: {  	_ =	sdelay $0x3  }
0x9b: {  	p0 =	sgt.u32 s20, $0x4D  }
0x9c: {  	s3 =	sshll.u32 @!p0 s20, $0x7  }
0x9d: {  	s3 =	sadd.s32 @!p0 s3, s14  }
0x9e: {  	s3 =	sshrl.u32 @!p0 s3, $0x3  }
0x9f: {  	s7 =	simm.s32 @!p0 $0x0;
	s3 =	sadd.s32 @!p0 s1, s3  }
0xa0: {  	[tilespmem:s7], [sflag:$0x1] =	stream.linear.gather @!p0 [hbm4b:s3+s7], $0x80, $0x38;
	[tilespmem:$0x1C200] =	vst v63  }
0xa1: {  	p0 =	seq.s32 s20, $0x0  }
.Ltmp6:
0xa2: {  	_ = 	snop;
	(pc) =	sbr.rel @p0 .LBB2_8-.Ltmp6, $1  }
0xa3: {  	_ =	sdelay $0x3  }
0xa4: {  	p0 =	seq.s32 s20, $0x4F  }
.Ltmp7:
0xa5: {  	_ = 	snop;
	(pc) =	sbr.rel @p0 .LBB2_9-.Ltmp7, $1  }
0xa6: {  	_ =	sdelay $0x3  }
0xa7: {  	_ =	swait.ge [sflag:s17], $0x4000  }
0xa8: {  	[sflag:s17] =	ssyncset.done $0x0  }
0xa9: {  	[sflag:s17] =	ssyncadd.s32 $0xFFFFC000  }
.LBB2_8:
0xaa: {  	_ =	swait.ge [sflag:s18], $0x80  }
0xab: {  	[sflag:s18] =	ssyncset.done $0x0  }
0xac: {  	[sflag:s18] =	ssyncadd.s32 $0xFFFFFF80  }
0xad: {  	v1 =	vld [tilespmem:$0x80];
	_ =	sdelay $0x2  }
0xae: {  	v2 =	vld [tilespmem:$0x90];
	_ =	sdelay $0x1  }
0xaf: {  	v3 =	vshrl.u32 v1, $0x11  }
0xb0: {  	v6 =	vld [tilespmem:$0xA0];
	v4 =	vshrl.u32 v1, $0xE;
	v5 =	vshll.u32 v3, $0x3  }
0xb1: {  	v5 =	vsub.s32 v4, v5  }
0xb2: {  	v7 =	vshrl.u32 v2, $0x11;
	v5 =	vmul.u32 $0x2710, v5  }
0xb3: {  	v9 =	vld [tilespmem:$0xB0];
	v1 =	vand.u32 $0x3FFF, v1;
	[tilespmem:$0x180] =	vst v3;
	v3 =	vshrl.u32 v2, $0xE;
	v8 =	vshll.u32 v7, $0x3  }
0xb4: {  	[tilespmem:$0x280] =	vst v4;
	v41 =	vsub.s32 v3, v8;
	v1 =	vadd.s32 v1, v5  }
0xb5: {  	v42 =	vshrl.u32 v6, $0x11;
	[tilespmem:$0x380] =	vst v1;
	v1 =	vmul.u32 $0x2710, v41  }
0xb6: {  	v45 =	vld [tilespmem:$0xC0];
	v43 =	vshrl.u32 v6, $0xE;
	v2 =	vand.u32 $0x3FFF, v2;
	[tilespmem:$0x190] =	vst v7;
	v44 =	vshll.u32 v42, $0x3  }
0xb7: {  	[tilespmem:$0x1A0] =	vst v42;
	v1 =	vadd.s32 v2, v1;
	v2 =	vsub.s32 v43, v44  }
0xb8: {  	[tilespmem:$0x390] =	vst v1;
	v1 =	vmul.u32 $0x2710, v2;
	v2 =	vshrl.u32 v9, $0x11  }
0xb9: {  	v48 =	vld [tilespmem:$0xD0];
	v46 =	vshrl.u32 v9, $0xE;
	[tilespmem:$0x290] =	vst v3;
	v3 =	vand.u32 $0x3FFF, v6;
	v47 =	vshll.u32 v2, $0x3  }
0xba: {  	[tilespmem:$0x2A0] =	vst v43;
	v1 =	vadd.s32 v3, v1;
	v3 =	vsub.s32 v46, v47  }
0xbb: {  	[tilespmem:$0x3A0] =	vst v1;
	v1 =	vmul.u32 $0x2710, v3;
	v3 =	vshrl.u32 v45, $0x11  }
0xbc: {  	v51 =	vld [tilespmem:$0xE0];
	v49 =	vand.u32 $0x3FFF, v9;
	[tilespmem:$0x1B0] =	vst v2;
	v2 =	vshrl.u32 v45, $0xE;
	v50 =	vshll.u32 v3, $0x3  }
0xbd: {  	[tilespmem:$0x2B0] =	vst v46;
	v1 =	vadd.s32 v49, v1;
	v52 =	vsub.s32 v2, v50  }
0xbe: {  	v53 =	vshrl.u32 v48, $0x11;
	[tilespmem:$0x3B0] =	vst v1;
	v1 =	vmul.u32 $0x2710, v52  }
0xbf: {  	v56 =	vld [tilespmem:$0xF0];
	v54 =	vand.u32 $0x3FFF, v45;
	v55 =	vshll.u32 v53, $0x3;
	[tilespmem:$0x1C0] =	vst v3;
	v3 =	vshrl.u32 v48, $0xE  }
0xc0: {  	[tilespmem:$0x2C0] =	vst v2;
	v2 =	vsub.s32 v3, v55;
	v1 =	vadd.s32 v54, v1  }
0xc1: {  	[tilespmem:$0x3C0] =	vst v1;
	v1 =	vmul.u32 $0x2710, v2;
	v2 =	vshrl.u32 v51, $0x11  }
0xc2: {  	v57 =	vand.u32 $0x3FFF, v48;
	v58 =	vshrl.u32 v51, $0xE;
	[tilespmem:$0x1D0] =	vst v53;
	v59 =	vshll.u32 v2, $0x3  }
0xc3: {  	[tilespmem:$0x2D0] =	vst v3;
	v1 =	vadd.s32 v57, v1;
	v3 =	vsub.s32 v58, v59  }
0xc4: {  	[tilespmem:$0x3D0] =	vst v1;
	v1 =	vmul.u32 $0x2710, v3;
	v3 =	vshrl.u32 v56, $0x11  }
0xc5: {  	v60 =	vand.u32 $0x3FFF, v51;
	[tilespmem:$0x1E0] =	vst v2;
	v2 =	vshrl.u32 v56, $0xE;
	v61 =	vshll.u32 v3, $0x3  }
0xc6: {  	[tilespmem:$0x2E0] =	vst v58;
	v1 =	vadd.s32 v60, v1;
	v62 =	vsub.s32 v2, v61  }
0xc7: {  	[tilespmem:$0x3E0] =	vst v1;
	v1 =	vmul.u32 $0x2710, v62  }
0xc8: {  	v63 =	vand.u32 $0x3FFF, v56;
	[tilespmem:$0x2F0] =	vst v2  }
0xc9: {  	[tilespmem:$0x1F0] =	vst v3;
	v1 =	vadd.s32 v63, v1  }
0xca: {  	s3 =	simm.s32 $0x380;
	[tilespmem:$0x3F0] =	vst v1  }
0xcb: {  	[tilespmem:s16], [sflag:$0x4] =	stream.indirect.gather [hbm4b:s5+s25], $0x80, s3, s25, $0xb8;
	[tilespmem:$0x1C200] =	vst v63  }
0xcc: {  	s19 =	simm.s32 $0x3C0;
	s7 =	simm.s32 $0x6600  }
0xcd: {  	[tilespmem:s7], [sflag:$0x4] =	stream.indirect.gather [hbm4b:s5+s25], $0x80, s19, s25, $0xb8;
	[tilespmem:$0x1C200] =	vst v63  }
0xce: {  	s8 =	simm.s32 $0x280;
	s19 =	simm.s32 $0x500  }
0xcf: {  	[tilespmem:s19], [sflag:$0x6] =	stream.indirect.gather [hbm4b:s6+s23], $0x1, s8, s23, $0xb8;
	[tilespmem:$0x1C200] =	vst v63  }
.LBB2_9:
0xd0: {  	_ =	swait.ge [sflag:s9], $0x2000  }
0xd1: {  	[sflag:s9] =	ssyncset.done $0x0  }
0xd2: {  	[sflag:s9] =	ssyncadd.s32 $0xFFFFE000  }
0xd3: {  	_ =	swait.ge [sflag:s9], $0x2000  }
0xd4: {  	[sflag:s9] =	ssyncset.done $0x0  }
0xd5: {  	[sflag:s9] =	ssyncadd.s32 $0xFFFFE000  }
0xd6: {  	_ =	swait.ge [sflag:s11], $0x80  }
0xd7: {  	[sflag:s11] =	ssyncset.done $0x0  }
0xd8: {  	s7 =	simm.s32 $0x640;
	[sflag:s11] =	ssyncadd.s32 $0xFFFFFF80  }
0xd9: {  	v5 =	vld [tilespmem:s7+$0x30]  }
0xda: {  	v8 =	vld [tilespmem:s7+$0x10]  }
0xdb: {  	s3 =	simm.s32 $0x0;
	v6 =	vld [tilespmem:s7+$0xFFFFFFC0]  }
0xdc: {  	v2 =	vld.msk [tilespmem:s3+$0x400 ss:$0x0], $0xffff  }
0xdd: {  	v10 =	vld [tilespmem:s7+$0xFFFFFFE0]  }
0xde: {  	v1 =	vld [tilespmem:s7+$0xFFFFFFF0]  }
0xdf: {  	v3 =	vld [tilespmem:s7+$0x20]  }
0xe0: {  	v4 =	vld [tilespmem:s7+$0xFFFFFFD0]  }
0xe1: {  	v9 =	vmul.f32 v5, v2;
	v5 =	vld [tilespmem:s7+$0x0]  }
0xe2: {  	v7 =	vmul.f32 v2, v6  }
0xe3: {  	s8 =	simm.s32 $0x4;
	s3 =	simm.s32 $0x640;
	v6 =	vmul.f32 v10, v2;
	v8 =	vmul.f32 v8, v2  }
.LBB2_10:
0xe4: {  	p0 =	sne.s32 s8, $0x1FC  }
0xe5: {  	v4 =	vmul.f32 v4, v2;
	v3 =	vmul.f32 v3, v2;
	[tilespmem:s7+$0x30] =	vst v9;
	s3 =	sadd.s32 $0x80, s3;
	s19 =	smov.u32 s8;
	s8 =	sadd.s32 $0x4, s8  }
0xe6: {  	[tilespmem:s7+$0xFFFFFFC0] =	vst v7;
	v7 =	vmul.f32 v1, v2;
	v2 =	vmul.f32 v5, v2  }
0xe7: {  	[tilespmem:s7+$0x10] =	vst v8  }
0xe8: {  	[tilespmem:s7+$0xFFFFFFE0] =	vst v6  }
0xe9: {  	v1 =	vld [tilespmem:s3+$0xFFFFFFF0];
	[tilespmem:s7+$0xFFFFFFF0] =	vst v7  }
0xea: {  	v6 =	vld [tilespmem:s3+$0x30];
	[tilespmem:s7+$0x0] =	vst v2  }
0xeb: {  	v8 =	vld [tilespmem:s3+$0x10];
	[tilespmem:s7+$0x20] =	vst v3  }
0xec: {  	s19 =	sshra.s32 s19, $0x2;
	v7 =	vld [tilespmem:s3+$0xFFFFFFC0];
	[tilespmem:s7+$0xFFFFFFD0] =	vst v4;
	s7 =	smov.u32 s3  }
0xed: {  	v2 =	vld.msk [tilespmem:s19+$0x400 ss:$0x0], $0xffff  }
0xee: {  	v10 =	vld [tilespmem:s3+$0xFFFFFFE0]  }
0xef: {  	v3 =	vld [tilespmem:s3+$0x20]  }
.Ltmp8:
0xf0: {  	v4 =	vld [tilespmem:s3+$0xFFFFFFD0];
	(pc) =	sbr.rel @p0 .LBB2_10-.Ltmp8, $3  }
0xf1: {  	v5 =	vld [tilespmem:s3+$0x0];
	_ =	sdelay $0x1  }
0xf2: {  	v7 =	vmul.f32 v2, v7;
	v9 =	vmul.f32 v6, v2  }
0xf3: {  	v8 =	vmul.f32 v8, v2;
	v6 =	vmul.f32 v10, v2  }
0xf4: {  	[tilespmem:s7+$0x30] =	vst v9  }
0xf5: {  	[tilespmem:s7+$0xFFFFFFC0] =	vst v7  }
0xf6: {  	v1 =	vmul.f32 v1, v2;
	[tilespmem:s7+$0x10] =	vst v8  }
0xf7: {  	v3 =	vmul.f32 v3, v2;
	p0 =	seq.s32 s10, $0x0;
	[tilespmem:s7+$0xFFFFFFE0] =	vst v6  }
.Ltmp9:
0xf8: {  	v5 =	vmul.f32 v5, v2;
	[tilespmem:s7+$0xFFFFFFF0] =	vst v1;
	(pc) =	sbr.rel @p0 .LBB2_19-.Ltmp9, $4  }
0xf9: {  	v1 =	vmul.f32 v4, v2;
	[tilespmem:s7+$0x20] =	vst v3  }
0xfa: {  	[tilespmem:s7+$0x0] =	vst v5  }
0xfb: {  	[tilespmem:s7+$0xFFFFFFD0] =	vst v1  }
0xfc: {  	[spmem:s2] =	stream.indirect.scatter.add.f32 [tilespmem:s21], [sflag:$0x7], $0x80, s12, s23, $0xb8;
	[tilespmem:$0x1C200] =	vst v63  }
.LBB2_12:
0xfd: {  	p0 =	sgt.u32 s20, $0x4D  }
.Ltmp10:
0xfe: {  	_ = 	snop;
	(pc) =	sbr.rel @p0 .LBB2_14-.Ltmp10, $1  }
0xff: {  	_ =	sdelay $0x3  }
.Ltmp11:
0x100: {  	s3 =	sshll.u32 s20, $0x7;
	(pc) =	sbr.rel .LBB2_15-.Ltmp11, $4  }
0x101: {  	s3 =	sadd.s32 s3, s14  }
0x102: {  	s3 =	sshrl.u32 s3, $0x3  }
0x103: {  	s7 =	simm.s32 $0x0;
	s3 =	sadd.s32 s1, s3  }
0x104: {  	[tilespmem:s23], [sflag:$0x2] =	stream.linear.gather [hbm4b:s3+s7], $0x80, $0x38;
	[tilespmem:$0x1C200] =	vst v63  }
.LBB2_14:
0x105: {  	p0 =	seq.s32 s20, $0x4F  }
.Ltmp12:
0x106: {  	_ = 	snop;
	(pc) =	sbr.rel @p0 .LBB2_16-.Ltmp12, $1  }
0x107: {  	_ =	sdelay $0x3  }
.LBB2_15:
0x108: {  	_ =	swait.ge [sflag:s0], $0x4000  }
0x109: {  	[sflag:s0] =	ssyncset.done $0x0  }
0x10a: {  	[sflag:s0] =	ssyncadd.s32 $0xFFFFC000  }
0x10b: {  	_ =	swait.ge [sflag:s24], $0x80  }
0x10c: {  	[sflag:s24] =	ssyncset.done $0x0  }
0x10d: {  	[sflag:s24] =	ssyncadd.s32 $0xFFFFFF80  }
0x10e: {  	v1 =	vld [tilespmem:$0x0];
	_ =	sdelay $0x2  }
0x10f: {  	v2 =	vld [tilespmem:$0x10];
	_ =	sdelay $0x1  }
0x110: {  	v3 =	vshrl.u32 v1, $0x11  }
0x111: {  	v6 =	vld [tilespmem:$0x20];
	v4 =	vshrl.u32 v1, $0xE;
	v5 =	vshll.u32 v3, $0x3  }
0x112: {  	v5 =	vsub.s32 v4, v5  }
0x113: {  	v7 =	vshrl.u32 v2, $0x11;
	v5 =	vmul.u32 $0x2710, v5  }
0x114: {  	v9 =	vld [tilespmem:$0x30];
	v1 =	vand.u32 $0x3FFF, v1;
	[tilespmem:$0x100] =	vst v3;
	v3 =	vshrl.u32 v2, $0xE;
	v8 =	vshll.u32 v7, $0x3  }
0x115: {  	[tilespmem:$0x200] =	vst v4;
	v41 =	vsub.s32 v3, v8;
	v1 =	vadd.s32 v1, v5  }
0x116: {  	v42 =	vshrl.u32 v6, $0x11;
	[tilespmem:$0x300] =	vst v1;
	v1 =	vmul.u32 $0x2710, v41  }
0x117: {  	v45 =	vld [tilespmem:$0x40];
	v43 =	vshrl.u32 v6, $0xE;
	v2 =	vand.u32 $0x3FFF, v2;
	[tilespmem:$0x110] =	vst v7;
	v44 =	vshll.u32 v42, $0x3  }
0x118: {  	[tilespmem:$0x120] =	vst v42;
	v1 =	vadd.s32 v2, v1;
	v2 =	vsub.s32 v43, v44  }
0x119: {  	[tilespmem:$0x310] =	vst v1;
	v1 =	vmul.u32 $0x2710, v2;
	v2 =	vshrl.u32 v9, $0x11  }
0x11a: {  	v48 =	vld [tilespmem:$0x50];
	v46 =	vshrl.u32 v9, $0xE;
	[tilespmem:$0x210] =	vst v3;
	v3 =	vand.u32 $0x3FFF, v6;
	v47 =	vshll.u32 v2, $0x3  }
0x11b: {  	[tilespmem:$0x220] =	vst v43;
	v1 =	vadd.s32 v3, v1;
	v3 =	vsub.s32 v46, v47  }
0x11c: {  	[tilespmem:$0x320] =	vst v1;
	v1 =	vmul.u32 $0x2710, v3;
	v3 =	vshrl.u32 v45, $0x11  }
0x11d: {  	v51 =	vld [tilespmem:$0x60];
	v49 =	vand.u32 $0x3FFF, v9;
	[tilespmem:$0x130] =	vst v2;
	v2 =	vshrl.u32 v45, $0xE;
	v50 =	vshll.u32 v3, $0x3  }
0x11e: {  	[tilespmem:$0x230] =	vst v46;
	v1 =	vadd.s32 v49, v1;
	v52 =	vsub.s32 v2, v50  }
0x11f: {  	v53 =	vshrl.u32 v48, $0x11;
	[tilespmem:$0x330] =	vst v1;
	v1 =	vmul.u32 $0x2710, v52  }
0x120: {  	v56 =	vld [tilespmem:$0x70];
	v54 =	vand.u32 $0x3FFF, v45;
	v55 =	vshll.u32 v53, $0x3;
	[tilespmem:$0x140] =	vst v3;
	v3 =	vshrl.u32 v48, $0xE  }
0x121: {  	[tilespmem:$0x240] =	vst v2;
	v2 =	vsub.s32 v3, v55;
	v1 =	vadd.s32 v54, v1  }
0x122: {  	[tilespmem:$0x340] =	vst v1;
	v1 =	vmul.u32 $0x2710, v2;
	v2 =	vshrl.u32 v51, $0x11  }
0x123: {  	v57 =	vand.u32 $0x3FFF, v48;
	v58 =	vshrl.u32 v51, $0xE;
	[tilespmem:$0x150] =	vst v53;
	v59 =	vshll.u32 v2, $0x3  }
0x124: {  	[tilespmem:$0x250] =	vst v3;
	v1 =	vadd.s32 v57, v1;
	v3 =	vsub.s32 v58, v59  }
0x125: {  	[tilespmem:$0x350] =	vst v1;
	v1 =	vmul.u32 $0x2710, v3;
	v3 =	vshrl.u32 v56, $0x11  }
0x126: {  	v60 =	vand.u32 $0x3FFF, v51;
	[tilespmem:$0x160] =	vst v2;
	v2 =	vshrl.u32 v56, $0xE;
	v61 =	vshll.u32 v3, $0x3  }
0x127: {  	[tilespmem:$0x260] =	vst v58;
	v1 =	vadd.s32 v60, v1;
	v62 =	vsub.s32 v2, v61  }
0x128: {  	[tilespmem:$0x360] =	vst v1;
	v1 =	vmul.u32 $0x2710, v62  }
0x129: {  	v63 =	vand.u32 $0x3FFF, v56;
	[tilespmem:$0x270] =	vst v2  }
0x12a: {  	[tilespmem:$0x170] =	vst v3;
	v1 =	vadd.s32 v63, v1  }
0x12b: {  	[tilespmem:$0x370] =	vst v1  }
0x12c: {  	[tilespmem:s21], [sflag:$0x3] =	stream.indirect.gather [hbm4b:s5+s25], $0x80, s26, s25, $0xb8;
	[tilespmem:$0x1C200] =	vst v63  }
0x12d: {  	_ = 	snop  }
0x12e: {  	[tilespmem:s29], [sflag:$0x3] =	stream.indirect.gather [hbm4b:s5+s25], $0x80, s28, s25, $0xb8;
	[tilespmem:$0x1C200] =	vst v63  }
0x12f: {  	_ = 	snop  }
0x130: {  	[tilespmem:s31], [sflag:$0x5] =	stream.indirect.gather [hbm4b:s6+s23], $0x1, s30, s23, $0xb8;
	[tilespmem:$0x1C200] =	vst v63  }
.LBB2_16:
0x131: {  	_ =	swait.ge [sflag:s4], $0x2000  }
0x132: {  	[sflag:s4] =	ssyncset.done $0x0  }
0x133: {  	[sflag:s4] =	ssyncadd.s32 $0xFFFFE000  }
0x134: {  	_ =	swait.ge [sflag:s4], $0x2000  }
0x135: {  	[sflag:s4] =	ssyncset.done $0x0  }
0x136: {  	[sflag:s4] =	ssyncadd.s32 $0xFFFFE000  }
0x137: {  	_ =	swait.ge [sflag:s13], $0x80  }
0x138: {  	[sflag:s13] =	ssyncset.done $0x0  }
0x139: {  	s7 =	simm.s32 $0x0;
	[sflag:s13] =	ssyncadd.s32 $0xFFFFFF80  }
0x13a: {  	s10 =	simm.s32 $0x500;
	v5 =	vld [tilespmem:s7+$0x4670]  }
0x13b: {  	v1 =	vld.msk [tilespmem:s10+$0x0 ss:$0x0], $0xffff  }
0x13c: {  	v2 =	vld [tilespmem:s7+$0x4650]  }
0x13d: {  	v6 =	vld [tilespmem:s7+$0x4620]  }
0x13e: {  	v7 =	vld [tilespmem:s7+$0x4630]  }
0x13f: {  	v4 =	vld [tilespmem:s7+$0x4640]  }
0x140: {  	s8 =	simm.s32 $0x200;
	v3 =	vld [tilespmem:s7+$0x4660]  }
.LBB2_17:
0x141: {  	p0 =	sne.s32 s8, $0xFE00  }
0x142: {  	v8 =	vld [tilespmem:s7+$0x4610];
	v5 =	vmul.f32 v5, v1;
	s10 =	sadd.s32 $0x1, s10;
	s3 =	smov.u32 s8;
	s8 =	sadd.s32 $0x200, s8  }
0x143: {  	v9 =	vld [tilespmem:s7+$0x4600];
	v6 =	vmul.f32 v6, v1  }
0x144: {  	v7 =	vmul.f32 v7, v1;
	[tilespmem:s7+$0x4670] =	vst v5  }
0x145: {  	[tilespmem:s7+$0x4620] =	vst v6;
	v4 =	vmul.f32 v4, v1  }
0x146: {  	[tilespmem:s7+$0x4630] =	vst v7;
	v3 =	vmul.f32 v3, v1  }
0x147: {  	v5 =	vmul.f32 v8, v1;
	[tilespmem:s7+$0x4640] =	vst v4  }
0x148: {  	v4 =	vmul.f32 v1, v9;
	v1 =	vmul.f32 v2, v1;
	[tilespmem:s7+$0x4660] =	vst v3  }
0x149: {  	[tilespmem:s7+$0x4610] =	vst v5  }
0x14a: {  	s3 =	sshra.s32 s3, $0x2;
	[tilespmem:s7+$0x4600] =	vst v4  }
0x14b: {  	v5 =	vld [tilespmem:s3+$0x4670];
	[tilespmem:s7+$0x4650] =	vst v1;
	s7 =	smov.u32 s3  }
0x14c: {  	v1 =	vld.msk [tilespmem:s10+$0x0 ss:$0x0], $0xffff  }
.Ltmp13:
0x14d: {  	v2 =	vld [tilespmem:s7+$0x4650];
	(pc) =	sbr.rel @p0 .LBB2_17-.Ltmp13, $4  }
0x14e: {  	v6 =	vld [tilespmem:s7+$0x4620]  }
0x14f: {  	v7 =	vld [tilespmem:s7+$0x4630]  }
0x150: {  	v4 =	vld [tilespmem:s7+$0x4640]  }
0x151: {  	v3 =	vld [tilespmem:s7+$0x4660]  }
0x152: {  	v8 =	vld [tilespmem:s7+$0x4610];
	v5 =	vmul.f32 v5, v1  }
0x153: {  	v9 =	vld [tilespmem:s7+$0x4600];
	v6 =	vmul.f32 v6, v1  }
0x154: {  	v7 =	vmul.f32 v7, v1;
	[tilespmem:s7+$0x4670] =	vst v5  }
0x155: {  	[tilespmem:s7+$0x4620] =	vst v6;
	v4 =	vmul.f32 v4, v1  }
0x156: {  	[tilespmem:s7+$0x4630] =	vst v7;
	v3 =	vmul.f32 v3, v1  }
0x157: {  	v62 =	vmul.f32 v8, v1;
	[tilespmem:s7+$0x4640] =	vst v4  }
.Ltmp14:
0x158: {  	v63 =	vmul.f32 v1, v9;
	[tilespmem:s7+$0x4660] =	vst v3;
	(pc) =	sbr.rel .LBB2_19-.Ltmp14, $4  }
0x159: {  	v1 =	vmul.f32 v2, v1;
	[tilespmem:s7+$0x4610] =	vst v62  }
0x15a: {  	[tilespmem:s7+$0x4600] =	vst v63  }
0x15b: {  	[tilespmem:s7+$0x4650] =	vst v1  }
0x15c: {  	[spmem:s2] =	stream.indirect.scatter.add.f32 [tilespmem:s16], [sflag:$0x8], $0x80, s15, s23, $0xb8;
	[tilespmem:$0x1C200] =	vst v63  }
.LBB2_21:
0x15d: {  	_ =	sfence.sel $0x180000  }
0x15e: {  	[bflag:$0x0] =	sbarrier.arrive $0xFFFF  }
0x15f: {  	_ =	strace $0x9000004A  }
0x160: {  	s0 =	stileid.u32;
	[bflag:$0x2] =	sbarrier.arrive $0xFFFF  }
0x161: {  	p0 =	sne.s32 s0, $0x0;
	s0 =	rddreg [dreg:$0x3]  }
0x162: {  	s0 =	sadd.s32 @!p0 $0x100000, s0  }
0x163: {  	[sflag:s0] =	ssyncadd.tile.s32 @!p0 $0x1;
	_ =	shalt  }
.Lfunc_end2:
_tile_overlayer_lowered:
.L_overlay_start_2:
0x164: {  	(tag) =	ssettag $0x2  }
0x165: {  	s0 =	rddreg [dreg:$0x0];
	s2 =	stileid.u32  }
0x166: {  	s1 =	rddreg [dreg:$0x1];
	p0 =	sne.s32 s2, $0x0  }
0x167: {  	s3 =	rddreg [dreg:$0x2];
	[bflag:$0x3] =	sbarrier.arrive $0xFFFF;
	s2 =	simm.s32 @!p0 $0x1C09  }
0x168: {  	[timem:s3], [sflag:s2] =	dma.local @!p0 [hbm:s0], s1  }
0x169: {  	s0 =	simm.s32 @!p0 $0x9  }
0x16a: {  	_ =	swait.ge @!p0 [sflag:s0], s1  }
0x16b: {  	s1 =	ssub.s32 @!p0 $0x0, s1;
	[sflag:s0] =	ssyncset.done @!p0 $0x0  }
0x16c: {  	[sflag:s0] =	ssyncadd.s32 @!p0 s1  }
0x16d: {  	[bflag:$0x3] =	sbarrier.arrive $0xFFFF  }
0x16e: {  	_ =	shalt  }

</sc_bundles>
